<compile_context>
chip_gen: v7x
topology: tpu7x:2x2x1
jax: 0.10.2.dev20260603
libtpu: 0.0.44.dev20260713+nightly
codegen_flags: <defaults>
</compile_context>

<pallas_src>
import functools

import jax
import jax.numpy as jnp
from jax import lax
from jax.experimental import pallas as pl
from jax.experimental.pallas import tpu as pltpu
from jax.experimental.pallas import tpu_sc as plsc

C, CR, K = 1024, 64, 32
CRP = 512
RB = 512
NW = 32


def _se_topk_body(x_ref, w1p_ref, w2t_ref, wk_ref, fid_ref, keep_ref):
    x = x_ref[...]
    hp = lax.dot_general(x, w1p_ref[...], (((1,), (1,)), ((), ())),
                         preferred_element_type=jnp.float32)
    keep_ref[...] = jnp.max(hp, axis=0, keepdims=True)[None]
    h = jnp.maximum(hp[:, :CR], 0.0)
    z = jnp.dot(h, w2t_ref[...], preferred_element_type=jnp.float32)
    w = jax.nn.sigmoid(z)

    iota_c = jax.lax.broadcasted_iota(jnp.int32, (RB, C), 1)
    iota_k = jax.lax.broadcasted_iota(jnp.int32, (RB, K), 1)

    wk_first = w[:, :K]
    rank_cols = []
    for c in range(K):
        wc = w[:, c:c + 1]
        gt = jnp.sum(jnp.where(w > wc, 1.0, 0.0), axis=-1, keepdims=True)
        eq = jnp.sum(jnp.where((wk_first == wc) & (iota_k < c), 1.0, 0.0),
                     axis=-1, keepdims=True)
        rank_cols.append(gt + eq)
    ranks_f = jnp.concatenate(rank_cols, axis=1)

    pos_cols = []
    for c in range(K):
        rc = ranks_f[:, c:c + 1]
        pos_cols.append(
            jnp.sum(jnp.where(ranks_f < rc, 1.0, 0.0), axis=-1, keepdims=True))
    pos = jnp.concatenate(pos_cols, axis=1).astype(jnp.int32)

    col_cols = []
    for m in range(K):
        col_cols.append(
            jnp.sum(jnp.where(pos == m, ranks_f, 0.0), axis=-1, keepdims=True))
    cols = jnp.concatenate(col_cols, axis=1).astype(jnp.int32)

    pid = pl.program_id(0)
    row = jax.lax.broadcasted_iota(jnp.int32, (RB, K), 0) + pid * RB
    fid_ref[...] = row * C + cols

    wcur = w
    mxs, csums = [], []
    csum = None
    for s in range(K):
        mx = jnp.max(wcur, axis=-1, keepdims=True)
        ismax = wcur == mx
        cnt = jnp.sum(jnp.where(ismax, 1.0, 0.0), axis=-1, keepdims=True)
        wcur = jnp.where(ismax, -1.0, wcur)
        mxs.append(mx)
        csum = cnt if csum is None else csum + cnt
        csums.append(csum)
    iota_kf = iota_k.astype(jnp.float32)
    wk_acc = jnp.zeros((RB, K), jnp.float32)
    prev = jnp.zeros((RB, 1), jnp.float32)
    for s in range(K):
        sel = (iota_kf >= prev) & (iota_kf < csums[s])
        wk_acc = wk_acc + jnp.where(sel, mxs[s], 0.0)
        prev = csums[s]
    wk_ref[...] = wk_acc


def _make_sc_gather(total, ch):
    mesh = plsc.VectorSubcoreMesh(core_axis_name="c", subcore_axis_name="s")

    @functools.partial(
        pl.kernel, mesh=mesh,
        out_type=jax.ShapeDtypeStruct((total,), jnp.float32),
        scratch_types=[
            pltpu.VMEM((ch,), jnp.int32),
            pltpu.VMEM((ch,), jnp.float32),
            pltpu.VMEM((ch,), jnp.float32),
            pltpu.SemaphoreType.DMA,
        ],
    )
    def sc_gather(xf_hbm, idx_hbm, wk_hbm, out_hbm, idx_v, gat_v, wk_v, sem):
        wid = lax.axis_index("s") * 2 + lax.axis_index("c")
        base = wid * ch
        pltpu.sync_copy(idx_hbm.at[pl.ds(base, ch)], idx_v)
        pltpu.async_copy(xf_hbm.at[idx_v], gat_v, sem).wait()
        pltpu.sync_copy(wk_hbm.at[pl.ds(base, ch)], wk_v)

        def body(i, carry):
            s = pl.ds(i * 16, 16)
            gat_v[s] = gat_v[s] * wk_v[s]
            return carry

        lax.fori_loop(0, ch // 16, body, 0)
        pltpu.sync_copy(gat_v, out_hbm.at[pl.ds(base, ch)])

    return sc_gather


def kernel(x, W1, W2):
    n = x.shape[0]
    w1p = jnp.zeros((CRP, C), jnp.float32).at[:CR].set(W1)
    wk, fid, _ = pl.pallas_call(
        _se_topk_body,
        grid=(n // RB,),
        in_specs=[
            pl.BlockSpec((RB, C), lambda i: (i, 0)),
            pl.BlockSpec((CRP, C), lambda i: (0, 0)),
            pl.BlockSpec((CR, C), lambda i: (0, 0)),
        ],
        out_specs=[
            pl.BlockSpec((RB, K), lambda i: (i, 0)),
            pl.BlockSpec((RB, K), lambda i: (i, 0)),
            pl.BlockSpec((1, 1, CRP), lambda i: (i, 0, 0)),
        ],
        out_shape=[
            jax.ShapeDtypeStruct((n, K), jnp.float32),
            jax.ShapeDtypeStruct((n, K), jnp.int32),
            jax.ShapeDtypeStruct((n // RB, 1, CRP), jnp.float32),
        ],
    )(x, w1p, W2.T)

    total = n * K
    sc_gather = _make_sc_gather(total, total // NW)
    out_flat = sc_gather(x.reshape(-1), fid.reshape(-1), wk.reshape(-1))
    return out_flat.reshape(n, K)

# --- scband reference (transcript-rebuilt; emitter-appended) ---
"""Pipeline reference for scband-se-block1-d-7687991460027 (READ-ONLY COPY).

The authoritative reference and input builder live on the scoring server;
editing this copy changes nothing except your own understanding.
"""

import jax, jax.numpy as jnp
import numpy as np

N = 32768
C = 1024
R = 16
K = 32

def setup_inputs(seed: int = 0) -> dict:
    key = jax.random.key(seed)
    k1, k2, k3 = jax.random.split(key, 3)
    x = jax.random.normal(k1, (N, C), dtype=jnp.float32)
    # torch Linear weights: W1 [c//r, c], W2 [c, c//r]; y = x @ W.T
    W1 = jax.random.normal(k2, (C // R, C), dtype=jnp.float32) * (1.0 / np.sqrt(C))
    W2 = jax.random.normal(k3, (C, C // R), dtype=jnp.float32) * (1.0 / np.sqrt(C // R))
    return {"x": x, "W1": W1, "W2": W2}

def reference(x, W1, W2):
    n = x.shape[0]
    # excitation: Linear -> ReLU -> Linear -> Sigmoid
    h = jax.nn.relu(x @ W1.T)
    w = jax.nn.sigmoid(h @ W2.T)
    # sort descending along last dim (stable, matching torch.sort semantics on distinct floats)
    idx = jnp.argsort(-w, axis=-1)
    w_sorted = jnp.take_along_axis(w, idx, axis=-1)
    wk = w_sorted[:, :K]
    # torch.where(index < k) -> row-major coords (i, j) where sorted-index value < k;
    # exactly K per row since idx rows are permutations of 0..C-1.
    # Per row, cols are the ascending j positions where idx[i, j] < K.
    mask = idx < K
    cols = jnp.sort(jnp.where(mask, jnp.arange(C)[None, :], C), axis=-1)[:, :K]
    x_sel = jnp.take_along_axis(x, cols, axis=-1)
    return x_sel * wk

if __name__ == "__main__":
    import jax
    _d = setup_inputs()
    print(jax.jit(kernel)(*tuple(_d.values())))

</pallas_src>

<mosaic_0001>
#map = affine_map<(d0, d1) -> (0)>
module attributes {stable_mosaic.version = 14 : i64} {
  func.func @sc_gather(%arg0: i32, %arg1: i32, %arg2: memref<33554432xf32, #tpu.memory_space<hbm>>, %arg3: memref<1048576xi32, #tpu.memory_space<hbm>>, %arg4: memref<1048576xf32, #tpu.memory_space<hbm>>, %arg5: memref<1048576xf32, #tpu.memory_space<hbm>>, %arg6: memref<32768xi32, #tpu.memory_space<vmem>>, %arg7: memref<32768xf32, #tpu.memory_space<vmem>>, %arg8: memref<32768xf32, #tpu.memory_space<vmem>>, %arg9: memref<!tpu.dma_semaphore, #tpu.memory_space<semaphore_mem>>) attributes {dimension_semantics = [#tpu.dimension_semantics<core_parallel>, #tpu.dimension_semantics<subcore_parallel>], iteration_bounds = array<i64: 2, 16>, scalar_prefetch = 0 : i64, scratch_operands = 4 : i64, tpu.core_type = #tpu.core_type<sc_vector_subcore>, window_params = [{transform_indices = #map}, {transform_indices = #map}, {transform_indices = #map}, {transform_indices = #map}]} {
    %mul3A = arith.constant 2 : i32
    %mul3A_0 = arith.muli %arg1, %mul3A : i32
    %add3A = arith.addi %mul3A_0, %arg0 : i32
    %mul3A_1 = arith.constant 32768 : i32
    %mul3A_2 = arith.muli %add3A, %mul3A_1 : i32
    "tpu.region"() ({
      %run_scoped3A = tpu.sem_alloc : memref<!tpu.dma_semaphore, #tpu.memory_space<semaphore_mem>>
      %dma_start3A_10 = tpu.memref_slice %arg3[%mul3A_2] : memref<1048576xi32, #tpu.memory_space<hbm>> -> memref<32768xi32, #tpu.memory_space<hbm>>
      %dma_start3A_11 = tpu.memref_slice %arg3[%mul3A_2] : memref<1048576xi32, #tpu.memory_space<hbm>> -> memref<32768xi32, #tpu.memory_space<hbm>>
      tpu.enqueue_dma source(%dma_start3A_11 : memref<32768xi32, #tpu.memory_space<hbm>>) target(%arg6 : memref<32768xi32, #tpu.memory_space<vmem>>) target_semaphore(%run_scoped3A : memref<!tpu.dma_semaphore, #tpu.memory_space<semaphore_mem>>)
      %dma_wait3A_12 = tpu.memref_slice %arg3[%mul3A_2] : memref<1048576xi32, #tpu.memory_space<hbm>> -> memref<32768xi32, #tpu.memory_space<hbm>>
      %dma_wait3A_13 = tpu.memref_slice %arg3[%mul3A_2] : memref<1048576xi32, #tpu.memory_space<hbm>> -> memref<32768xi32, #tpu.memory_space<hbm>>
      tpu.wait_dma2 semaphore(%run_scoped3A : memref<!tpu.dma_semaphore, #tpu.memory_space<semaphore_mem>>) src(%dma_wait3A_13 : memref<32768xi32, #tpu.memory_space<hbm>>) dst(%arg6 : memref<32768xi32, #tpu.memory_space<vmem>>)
      tpu.yield
    }) : () -> ()
    %dma_start3A = arith.constant 0 : i32
    %dma_start3A_3 = tpu.memref_slice %arg2[%dma_start3A] : memref<33554432xf32, #tpu.memory_space<hbm>> -> memref<33554432xf32, #tpu.memory_space<hbm>>
    tpu.enqueue_indirect_dma source(%dma_start3A_3 : memref<33554432xf32, #tpu.memory_space<hbm>>) target(%arg7 : memref<32768xf32, #tpu.memory_space<vmem>>) offsets(%arg6 : memref<32768xi32, #tpu.memory_space<vmem>>) semaphore(%arg9 : memref<!tpu.dma_semaphore, #tpu.memory_space<semaphore_mem>>)
    %dma_wait3A = arith.constant 0 : i32
    %dma_wait3A_4 = tpu.memref_slice %arg2[%dma_wait3A] : memref<33554432xf32, #tpu.memory_space<hbm>> -> memref<33554432xf32, #tpu.memory_space<hbm>>
    tpu.wait_indirect_dma semaphore(%arg9 : memref<!tpu.dma_semaphore, #tpu.memory_space<semaphore_mem>>) src(%dma_wait3A_4 : memref<33554432xf32, #tpu.memory_space<hbm>>) dst(%arg7 : memref<32768xf32, #tpu.memory_space<vmem>>)
    "tpu.region"() ({
      %run_scoped3A = tpu.sem_alloc : memref<!tpu.dma_semaphore, #tpu.memory_space<semaphore_mem>>
      %dma_start3A_10 = tpu.memref_slice %arg4[%mul3A_2] : memref<1048576xf32, #tpu.memory_space<hbm>> -> memref<32768xf32, #tpu.memory_space<hbm>>
      %dma_start3A_11 = tpu.memref_slice %arg4[%mul3A_2] : memref<1048576xf32, #tpu.memory_space<hbm>> -> memref<32768xf32, #tpu.memory_space<hbm>>
      tpu.enqueue_dma source(%dma_start3A_11 : memref<32768xf32, #tpu.memory_space<hbm>>) target(%arg8 : memref<32768xf32, #tpu.memory_space<vmem>>) target_semaphore(%run_scoped3A : memref<!tpu.dma_semaphore, #tpu.memory_space<semaphore_mem>>)
      %dma_wait3A_12 = tpu.memref_slice %arg4[%mul3A_2] : memref<1048576xf32, #tpu.memory_space<hbm>> -> memref<32768xf32, #tpu.memory_space<hbm>>
      %dma_wait3A_13 = tpu.memref_slice %arg4[%mul3A_2] : memref<1048576xf32, #tpu.memory_space<hbm>> -> memref<32768xf32, #tpu.memory_space<hbm>>
      tpu.wait_dma2 semaphore(%run_scoped3A : memref<!tpu.dma_semaphore, #tpu.memory_space<semaphore_mem>>) src(%dma_wait3A_13 : memref<32768xf32, #tpu.memory_space<hbm>>) dst(%arg8 : memref<32768xf32, #tpu.memory_space<vmem>>)
      tpu.yield
    }) : () -> ()
    %scan3A = arith.constant 0 : i32
    %scan3A_5 = arith.constant 0 : i32
    %scan3A_6 = arith.constant 2048 : i32
    %scan3A_7 = arith.addi %scan3A_5, %scan3A_6 : i32
    %scan3A_8 = arith.constant 1 : i32
    scf.for %scan3A_10 = %scan3A_5 to %scan3A_7 step %scan3A_8  : i32 {
      %mul3A_11 = arith.constant 16 : i32
      %mul3A_12 = arith.muli %scan3A_10, %mul3A_11 : i32
      %get3A = arith.index_cast %mul3A_12 : i32 to index
      %get3A_13 = tpu.vector_load %arg7[%get3A] {strides = array<i32>} : memref<32768xf32, #tpu.memory_space<vmem>>, vector<16xf32>,
      %get3A_14 = vector.shape_cast %get3A_13 : vector<16xf32> to vector<16xf32>
      %get3A_15 = arith.index_cast %mul3A_12 : i32 to index
      %get3A_16 = tpu.vector_load %arg8[%get3A_15] {strides = array<i32>} : memref<32768xf32, #tpu.memory_space<vmem>>, vector<16xf32>,
      %get3A_17 = vector.shape_cast %get3A_16 : vector<16xf32> to vector<16xf32>
      %mul3A_18 = arith.mulf %get3A_14, %get3A_17 : vector<16xf32>
      %swap3A = arith.index_cast %mul3A_12 : i32 to index
      %swap3A_19 = tpu.vector_load %arg7[%swap3A] {strides = array<i32>} : memref<32768xf32, #tpu.memory_space<vmem>>, vector<16xf32>,
      %swap3A_20 = vector.shape_cast %swap3A_19 : vector<16xf32> to vector<16xf32>
      %swap3A_21 = vector.shape_cast %mul3A_18 : vector<16xf32> to vector<16xf32>
      tpu.vector_store %arg7[%swap3A], %swap3A_21 {strides = array<i32>} : memref<32768xf32, #tpu.memory_space<vmem>>, vector<16xf32>,
    }
    %scan3A_9 = arith.constant 2048 : i32
    "tpu.region"() ({
      %run_scoped3A = tpu.sem_alloc : memref<!tpu.dma_semaphore, #tpu.memory_space<semaphore_mem>>
      %dma_start3A_10 = tpu.memref_slice %arg5[%mul3A_2] : memref<1048576xf32, #tpu.memory_space<hbm>> -> memref<32768xf32, #tpu.memory_space<hbm>>
      %dma_start3A_11 = tpu.memref_slice %arg5[%mul3A_2] : memref<1048576xf32, #tpu.memory_space<hbm>> -> memref<32768xf32, #tpu.memory_space<hbm>>
      tpu.enqueue_dma source(%arg7 : memref<32768xf32, #tpu.memory_space<vmem>>) target(%dma_start3A_11 : memref<32768xf32, #tpu.memory_space<hbm>>) target_semaphore(%run_scoped3A : memref<!tpu.dma_semaphore, #tpu.memory_space<semaphore_mem>>)
      %dma_wait3A_12 = tpu.memref_slice %arg5[%mul3A_2] : memref<1048576xf32, #tpu.memory_space<hbm>> -> memref<32768xf32, #tpu.memory_space<hbm>>
      %dma_wait3A_13 = tpu.memref_slice %arg5[%mul3A_2] : memref<1048576xf32, #tpu.memory_space<hbm>> -> memref<32768xf32, #tpu.memory_space<hbm>>
      tpu.wait_dma2 semaphore(%run_scoped3A : memref<!tpu.dma_semaphore, #tpu.memory_space<semaphore_mem>>) src(%arg7 : memref<32768xf32, #tpu.memory_space<vmem>>) dst(%dma_wait3A_13 : memref<32768xf32, #tpu.memory_space<hbm>>)
      tpu.yield
    }) : () -> ()
    return
  }
}

module attributes {stable_mosaic.version = 14 : i64} {
  func.func @_se_topk_body(%arg0: i32, %arg1: memref<512x1024xf32, #tpu.memory_space<vmem>>, %arg2: memref<512x1024xf32, #tpu.memory_space<vmem>>, %arg3: memref<64x1024xf32, #tpu.memory_space<vmem>>, %arg4: memref<512x32xf32, #tpu.memory_space<vmem>>, %arg5: memref<512x32xi32, #tpu.memory_space<vmem>>, %arg6: memref<1x1x512xf32, #tpu.memory_space<vmem>>) attributes {dimension_semantics = [#tpu.dimension_semantics<arbitrary>], iteration_bounds = array<i64: 64>, scalar_prefetch = 0 : i64, scratch_operands = 0 : i64, tpu.core_type = #tpu.core_type<tc>, window_params = [{transform_indices = @transform_0, window_bounds = array<i64: 512, 1024>}, {pipeline_mode = #tpu.pipeline_mode<synchronous>, transform_indices = @transform_1, window_bounds = array<i64: 512, 1024>}, {pipeline_mode = #tpu.pipeline_mode<synchronous>, transform_indices = @transform_2, window_bounds = array<i64: 64, 1024>}, {transform_indices = @transform_3, window_bounds = array<i64: 512, 32>}, {transform_indices = @transform_4, window_bounds = array<i64: 512, 32>}, {transform_indices = @transform_5, window_bounds = array<i64: 1, 1, 512>}]} {
    %get3A = arith.constant 0 : index
    %get3A_0 = arith.constant 0 : index
    %get3A_1 = vector.load %arg1[%get3A, %get3A_0] : memref<512x1024xf32, #tpu.memory_space<vmem>>, vector<512x1024xf32>
    %get3A_2 = arith.constant 0 : index
    %get3A_3 = arith.constant 0 : index
    %get3A_4 = vector.load %arg2[%get3A_2, %get3A_3] : memref<512x1024xf32, #tpu.memory_space<vmem>>, vector<512x1024xf32>
    %dot_general3A = arith.constant dense<0.000000e+00> : vector<512x512xf32>
    %dot_general3A_5 = tpu.matmul %get3A_1, %get3A_4, %dot_general3A {dimension_numbers = #tpu.dot_dimension_numbers<[1], [1], [0], [0], [0, 0, 1, 0], [], []>, transpose_lhs_hint = false} : vector<512x1024xf32>, vector<512x1024xf32>, vector<512x512xf32> -> vector<512x512xf32>
    %reduce_max3A = arith.constant dense<0xFF800000> : vector<512xf32>
    %reduce_max3A_6 = vector.multi_reduction <maximumf>, %dot_general3A_5, %reduce_max3A [0] : vector<512x512xf32> to vector<512xf32>
    %broadcast_in_dim3A = vector.shape_cast %reduce_max3A_6 : vector<512xf32> to vector<1x512xf32>
    %broadcast_in_dim3A_7 = vector.shape_cast %broadcast_in_dim3A : vector<1x512xf32> to vector<1x1x512xf32>
    %swap3A = arith.constant 0 : index
    %swap3A_8 = arith.constant 0 : index
    %swap3A_9 = arith.constant 0 : index
    %swap3A_10 = vector.load %arg6[%swap3A, %swap3A_8, %swap3A_9] : memref<1x1x512xf32, #tpu.memory_space<vmem>>, vector<1x1x512xf32>
    tpu.vector_store %arg6[%swap3A, %swap3A_8, %swap3A_9], %broadcast_in_dim3A_7 {strides = array<i32>} : memref<1x1x512xf32, #tpu.memory_space<vmem>>, vector<1x1x512xf32>,
    %slice3A = vector.extract_strided_slice %dot_general3A_5 {offsets = [0, 0], sizes = [512, 64], strides = [1, 1]} : vector<512x512xf32> to vector<512x64xf32>
    %max3A = arith.constant 0.000000e+00 : f32
    %max3A_11 = vector.broadcast %max3A : f32 to vector<512x64xf32>
    %max3A_12 = arith.maximumf %slice3A, %max3A_11 : vector<512x64xf32>
    %get3A_13 = arith.constant 0 : index
    %get3A_14 = arith.constant 0 : index
    %get3A_15 = vector.load %arg3[%get3A_13, %get3A_14] : memref<64x1024xf32, #tpu.memory_space<vmem>>, vector<64x1024xf32>
    %dot_general3A_16 = arith.constant dense<0.000000e+00> : vector<512x1024xf32>
    %dot_general3A_17 = tpu.matmul %max3A_12, %get3A_15, %dot_general3A_16 {dimension_numbers = #tpu.dot_dimension_numbers<[1], [0], [0], [1], [0, 0, 1, 1], [], []>, transpose_lhs_hint = false} : vector<512x64xf32>, vector<64x1024xf32>, vector<512x1024xf32> -> vector<512x1024xf32>
    %logistic3A = arith.negf %dot_general3A_17 : vector<512x1024xf32>
    %logistic3A_18 = math.exp %logistic3A : vector<512x1024xf32>
    %logistic3A_19 = arith.constant 1.000000e+00 : f32
    %logistic3A_20 = vector.broadcast %logistic3A_19 : f32 to vector<512x1024xf32>
    %logistic3A_21 = arith.addf %logistic3A_20, %logistic3A_18 : vector<512x1024xf32>
    %logistic3A_22 = arith.divf %logistic3A_20, %logistic3A_21 : vector<512x1024xf32>
    %iota3A = tpu.iota {dimensions = array<i32: 1>} : vector<512x32xi32>
    %slice3A_23 = vector.extract_strided_slice %logistic3A_22 {offsets = [0, 0], sizes = [512, 32], strides = [1, 1]} : vector<512x1024xf32> to vector<512x32xf32>
    %slice3A_24 = vector.extract_strided_slice %logistic3A_22 {offsets = [0, 0], sizes = [512, 1], strides = [1, 1]} : vector<512x1024xf32> to vector<512x1xf32>
    %gt3A = vector.broadcast %slice3A_24 : vector<512x1xf32> to vector<512x1024xf32>
    %gt3A_25 = arith.cmpf ogt, %logistic3A_22, %gt3A : vector<512x1024xf32>
    %jit3A = arith.constant 1.000000e+00 : f32
    %jit3A_26 = arith.constant 0.000000e+00 : f32
    %broadcast_in_dim3A_27 = vector.broadcast %jit3A : f32 to vector<512x1024xf32>
    %broadcast_in_dim3A_28 = vector.broadcast %jit3A_26 : f32 to vector<512x1024xf32>
    %select_n3A = arith.select %gt3A_25, %broadcast_in_dim3A_27, %broadcast_in_dim3A_28 : vector<512x1024xi1>, vector<512x1024xf32>
    %reduce_sum3A = arith.constant dense<0.000000e+00> : vector<512xf32>
    %reduce_sum3A_29 = vector.multi_reduction <add>, %select_n3A, %reduce_sum3A [1] : vector<512x1024xf32> to vector<512xf32>
    %broadcast_in_dim3A_30 = vector.shape_cast %reduce_sum3A_29 : vector<512xf32> to vector<512x1xf32>
    %eq3A = vector.broadcast %slice3A_24 : vector<512x1xf32> to vector<512x32xf32>
    %eq3A_31 = arith.cmpf oeq, %slice3A_23, %eq3A : vector<512x32xf32>
    %lt3A = arith.constant 0 : i32
    %lt3A_32 = vector.broadcast %lt3A : i32 to vector<512x32xi32>
    %lt3A_33 = arith.cmpi slt, %iota3A, %lt3A_32 : vector<512x32xi32>
    %and3A = arith.andi %eq3A_31, %lt3A_33 : vector<512x32xi1>
    %jit3A_34 = arith.constant 1.000000e+00 : f32
    %jit3A_35 = arith.constant 0.000000e+00 : f32
    %broadcast_in_dim3A_36 = vector.broadcast %jit3A_34 : f32 to vector<512x32xf32>
    %broadcast_in_dim3A_37 = vector.broadcast %jit3A_35 : f32 to vector<512x32xf32>
    %select_n3A_38 = arith.select %and3A, %broadcast_in_dim3A_36, %broadcast_in_dim3A_37 : vector<512x32xi1>, vector<512x32xf32>
    %reduce_sum3A_39 = arith.constant dense<0.000000e+00> : vector<512xf32>
    %reduce_sum3A_40 = vector.multi_reduction <add>, %select_n3A_38, %reduce_sum3A_39 [1] : vector<512x32xf32> to vector<512xf32>
    %broadcast_in_dim3A_41 = vector.shape_cast %reduce_sum3A_40 : vector<512xf32> to vector<512x1xf32>
    %add3A = arith.addf %broadcast_in_dim3A_30, %broadcast_in_dim3A_41 : vector<512x1xf32>
    %slice3A_42 = vector.extract_strided_slice %logistic3A_22 {offsets = [0, 1], sizes = [512, 1], strides = [1, 1]} : vector<512x1024xf32> to vector<512x1xf32>
    %gt3A_43 = vector.broadcast %slice3A_42 : vector<512x1xf32> to vector<512x1024xf32>
    %gt3A_44 = arith.cmpf ogt, %logistic3A_22, %gt3A_43 : vector<512x1024xf32>
    %jit3A_45 = arith.constant 1.000000e+00 : f32
    %jit3A_46 = arith.constant 0.000000e+00 : f32
    %broadcast_in_dim3A_47 = vector.broadcast %jit3A_45 : f32 to vector<512x1024xf32>
    %broadcast_in_dim3A_48 = vector.broadcast %jit3A_46 : f32 to vector<512x1024xf32>
    %select_n3A_49 = arith.select %gt3A_44, %broadcast_in_dim3A_47, %broadcast_in_dim3A_48 : vector<512x1024xi1>, vector<512x1024xf32>
    %reduce_sum3A_50 = arith.constant dense<0.000000e+00> : vector<512xf32>
    %reduce_sum3A_51 = vector.multi_reduction <add>, %select_n3A_49, %reduce_sum3A_50 [1] : vector<512x1024xf32> to vector<512xf32>
    %broadcast_in_dim3A_52 = vector.shape_cast %reduce_sum3A_51 : vector<512xf32> to vector<512x1xf32>
    %eq3A_53 = vector.broadcast %slice3A_42 : vector<512x1xf32> to vector<512x32xf32>
    %eq3A_54 = arith.cmpf oeq, %slice3A_23, %eq3A_53 : vector<512x32xf32>
    %lt3A_55 = arith.constant 1 : i32
    %lt3A_56 = vector.broadcast %lt3A_55 : i32 to vector<512x32xi32>
    %lt3A_57 = arith.cmpi slt, %iota3A, %lt3A_56 : vector<512x32xi32>
    %and3A_58 = arith.andi %eq3A_54, %lt3A_57 : vector<512x32xi1>
    %jit3A_59 = arith.constant 1.000000e+00 : f32
    %jit3A_60 = arith.constant 0.000000e+00 : f32
    %broadcast_in_dim3A_61 = vector.broadcast %jit3A_59 : f32 to vector<512x32xf32>
    %broadcast_in_dim3A_62 = vector.broadcast %jit3A_60 : f32 to vector<512x32xf32>
    %select_n3A_63 = arith.select %and3A_58, %broadcast_in_dim3A_61, %broadcast_in_dim3A_62 : vector<512x32xi1>, vector<512x32xf32>
    %reduce_sum3A_64 = arith.constant dense<0.000000e+00> : vector<512xf32>
    %reduce_sum3A_65 = vector.multi_reduction <add>, %select_n3A_63, %reduce_sum3A_64 [1] : vector<512x32xf32> to vector<512xf32>
    %broadcast_in_dim3A_66 = vector.shape_cast %reduce_sum3A_65 : vector<512xf32> to vector<512x1xf32>
    %add3A_67 = arith.addf %broadcast_in_dim3A_52, %broadcast_in_dim3A_66 : vector<512x1xf32>
    %slice3A_68 = vector.extract_strided_slice %logistic3A_22 {offsets = [0, 2], sizes = [512, 1], strides = [1, 1]} : vector<512x1024xf32> to vector<512x1xf32>
    %gt3A_69 = vector.broadcast %slice3A_68 : vector<512x1xf32> to vector<512x1024xf32>
    %gt3A_70 = arith.cmpf ogt, %logistic3A_22, %gt3A_69 : vector<512x1024xf32>
    %jit3A_71 = arith.constant 1.000000e+00 : f32
    %jit3A_72 = arith.constant 0.000000e+00 : f32
    %broadcast_in_dim3A_73 = vector.broadcast %jit3A_71 : f32 to vector<512x1024xf32>
    %broadcast_in_dim3A_74 = vector.broadcast %jit3A_72 : f32 to vector<512x1024xf32>
    %select_n3A_75 = arith.select %gt3A_70, %broadcast_in_dim3A_73, %broadcast_in_dim3A_74 : vector<512x1024xi1>, vector<512x1024xf32>
    %reduce_sum3A_76 = arith.constant dense<0.000000e+00> : vector<512xf32>
    %reduce_sum3A_77 = vector.multi_reduction <add>, %select_n3A_75, %reduce_sum3A_76 [1] : vector<512x1024xf32> to vector<512xf32>
    %broadcast_in_dim3A_78 = vector.shape_cast %reduce_sum3A_77 : vector<512xf32> to vector<512x1xf32>
    %eq3A_79 = vector.broadcast %slice3A_68 : vector<512x1xf32> to vector<512x32xf32>
    %eq3A_80 = arith.cmpf oeq, %slice3A_23, %eq3A_79 : vector<512x32xf32>
    %lt3A_81 = arith.constant 2 : i32
    %lt3A_82 = vector.broadcast %lt3A_81 : i32 to vector<512x32xi32>
    %lt3A_83 = arith.cmpi slt, %iota3A, %lt3A_82 : vector<512x32xi32>
    %and3A_84 = arith.andi %eq3A_80, %lt3A_83 : vector<512x32xi1>
    %jit3A_85 = arith.constant 1.000000e+00 : f32
    %jit3A_86 = arith.constant 0.000000e+00 : f32
    %broadcast_in_dim3A_87 = vector.broadcast %jit3A_85 : f32 to vector<512x32xf32>
    %broadcast_in_dim3A_88 = vector.broadcast %jit3A_86 : f32 to vector<512x32xf32>
    %select_n3A_89 = arith.select %and3A_84, %broadcast_in_dim3A_87, %broadcast_in_dim3A_88 : vector<512x32xi1>, vector<512x32xf32>
    %reduce_sum3A_90 = arith.constant dense<0.000000e+00> : vector<512xf32>
    %reduce_sum3A_91 = vector.multi_reduction <add>, %select_n3A_89, %reduce_sum3A_90 [1] : vector<512x32xf32> to vector<512xf32>
    %broadcast_in_dim3A_92 = vector.shape_cast %reduce_sum3A_91 : vector<512xf32> to vector<512x1xf32>
    %add3A_93 = arith.addf %broadcast_in_dim3A_78, %broadcast_in_dim3A_92 : vector<512x1xf32>
    %slice3A_94 = vector.extract_strided_slice %logistic3A_22 {offsets = [0, 3], sizes = [512, 1], strides = [1, 1]} : vector<512x1024xf32> to vector<512x1xf32>
    %gt3A_95 = vector.broadcast %slice3A_94 : vector<512x1xf32> to vector<512x1024xf32>
    %gt3A_96 = arith.cmpf ogt, %logistic3A_22, %gt3A_95 : vector<512x1024xf32>
    %jit3A_97 = arith.constant 1.000000e+00 : f32
    %jit3A_98 = arith.constant 0.000000e+00 : f32
    %broadcast_in_dim3A_99 = vector.broadcast %jit3A_97 : f32 to vector<512x1024xf32>
    %broadcast_in_dim3A_100 = vector.broadcast %jit3A_98 : f32 to vector<512x1024xf32>
    %select_n3A_101 = arith.select %gt3A_96, %broadcast_in_dim3A_99, %broadcast_in_dim3A_100 : vector<512x1024xi1>, vector<512x1024xf32>
    %reduce_sum3A_102 = arith.constant dense<0.000000e+00> : vector<512xf32>
    %reduce_sum3A_103 = vector.multi_reduction <add>, %select_n3A_101, %reduce_sum3A_102 [1] : vector<512x1024xf32> to vector<512xf32>
    %broadcast_in_dim3A_104 = vector.shape_cast %reduce_sum3A_103 : vector<512xf32> to vector<512x1xf32>
    %eq3A_105 = vector.broadcast %slice3A_94 : vector<512x1xf32> to vector<512x32xf32>
    %eq3A_106 = arith.cmpf oeq, %slice3A_23, %eq3A_105 : vector<512x32xf32>
    %lt3A_107 = arith.constant 3 : i32
    %lt3A_108 = vector.broadcast %lt3A_107 : i32 to vector<512x32xi32>
    %lt3A_109 = arith.cmpi slt, %iota3A, %lt3A_108 : vector<512x32xi32>
    %and3A_110 = arith.andi %eq3A_106, %lt3A_109 : vector<512x32xi1>
    %jit3A_111 = arith.constant 1.000000e+00 : f32
    %jit3A_112 = arith.constant 0.000000e+00 : f32
    %broadcast_in_dim3A_113 = vector.broadcast %jit3A_111 : f32 to vector<512x32xf32>
    %broadcast_in_dim3A_114 = vector.broadcast %jit3A_112 : f32 to vector<512x32xf32>
    %select_n3A_115 = arith.select %and3A_110, %broadcast_in_dim3A_113, %broadcast_in_dim3A_114 : vector<512x32xi1>, vector<512x32xf32>
    %reduce_sum3A_116 = arith.constant dense<0.000000e+00> : vector<512xf32>
    %reduce_sum3A_117 = vector.multi_reduction <add>, %select_n3A_115, %reduce_sum3A_116 [1] : vector<512x32xf32> to vector<512xf32>
    %broadcast_in_dim3A_118 = vector.shape_cast %reduce_sum3A_117 : vector<512xf32> to vector<512x1xf32>
    %add3A_119 = arith.addf %broadcast_in_dim3A_104, %broadcast_in_dim3A_118 : vector<512x1xf32>
    %slice3A_120 = vector.extract_strided_slice %logistic3A_22 {offsets = [0, 4], sizes = [512, 1], strides = [1, 1]} : vector<512x1024xf32> to vector<512x1xf32>
    %gt3A_121 = vector.broadcast %slice3A_120 : vector<512x1xf32> to vector<512x1024xf32>
    %gt3A_122 = arith.cmpf ogt, %logistic3A_22, %gt3A_121 : vector<512x1024xf32>
    %jit3A_123 = arith.constant 1.000000e+00 : f32
    %jit3A_124 = arith.constant 0.000000e+00 : f32
    %broadcast_in_dim3A_125 = vector.broadcast %jit3A_123 : f32 to vector<512x1024xf32>
    %broadcast_in_dim3A_126 = vector.broadcast %jit3A_124 : f32 to vector<512x1024xf32>
    %select_n3A_127 = arith.select %gt3A_122, %broadcast_in_dim3A_125, %broadcast_in_dim3A_126 : vector<512x1024xi1>, vector<512x1024xf32>
    %reduce_sum3A_128 = arith.constant dense<0.000000e+00> : vector<512xf32>
    %reduce_sum3A_129 = vector.multi_reduction <add>, %select_n3A_127, %reduce_sum3A_128 [1] : vector<512x1024xf32> to vector<512xf32>
    %broadcast_in_dim3A_130 = vector.shape_cast %reduce_sum3A_129 : vector<512xf32> to vector<512x1xf32>
    %eq3A_131 = vector.broadcast %slice3A_120 : vector<512x1xf32> to vector<512x32xf32>
    %eq3A_132 = arith.cmpf oeq, %slice3A_23, %eq3A_131 : vector<512x32xf32>
    %lt3A_133 = arith.constant 4 : i32
    %lt3A_134 = vector.broadcast %lt3A_133 : i32 to vector<512x32xi32>
    %lt3A_135 = arith.cmpi slt, %iota3A, %lt3A_134 : vector<512x32xi32>
    %and3A_136 = arith.andi %eq3A_132, %lt3A_135 : vector<512x32xi1>
    %jit3A_137 = arith.constant 1.000000e+00 : f32
    %jit3A_138 = arith.constant 0.000000e+00 : f32
    %broadcast_in_dim3A_139 = vector.broadcast %jit3A_137 : f32 to vector<512x32xf32>
    %broadcast_in_dim3A_140 = vector.broadcast %jit3A_138 : f32 to vector<512x32xf32>
    %select_n3A_141 = arith.select %and3A_136, %broadcast_in_dim3A_139, %broadcast_in_dim3A_140 : vector<512x32xi1>, vector<512x32xf32>
    %reduce_sum3A_142 = arith.constant dense<0.000000e+00> : vector<512xf32>
    %reduce_sum3A_143 = vector.multi_reduction <add>, %select_n3A_141, %reduce_sum3A_142 [1] : vector<512x32xf32> to vector<512xf32>
    %broadcast_in_dim3A_144 = vector.shape_cast %reduce_sum3A_143 : vector<512xf32> to vector<512x1xf32>
    %add3A_145 = arith.addf %broadcast_in_dim3A_130, %broadcast_in_dim3A_144 : vector<512x1xf32>
    %slice3A_146 = vector.extract_strided_slice %logistic3A_22 {offsets = [0, 5], sizes = [512, 1], strides = [1, 1]} : vector<512x1024xf32> to vector<512x1xf32>
    %gt3A_147 = vector.broadcast %slice3A_146 : vector<512x1xf32> to vector<512x1024xf32>
    %gt3A_148 = arith.cmpf ogt, %logistic3A_22, %gt3A_147 : vector<512x1024xf32>
    %jit3A_149 = arith.constant 1.000000e+00 : f32
    %jit3A_150 = arith.constant 0.000000e+00 : f32
    %broadcast_in_dim3A_151 = vector.broadcast %jit3A_149 : f32 to vector<512x1024xf32>
    %broadcast_in_dim3A_152 = vector.broadcast %jit3A_150 : f32 to vector<512x1024xf32>
    %select_n3A_153 = arith.select %gt3A_148, %broadcast_in_dim3A_151, %broadcast_in_dim3A_152 : vector<512x1024xi1>, vector<512x1024xf32>
    %reduce_sum3A_154 = arith.constant dense<0.000000e+00> : vector<512xf32>
    %reduce_sum3A_155 = vector.multi_reduction <add>, %select_n3A_153, %reduce_sum3A_154 [1] : vector<512x1024xf32> to vector<512xf32>
    %broadcast_in_dim3A_156 = vector.shape_cast %reduce_sum3A_155 : vector<512xf32> to vector<512x1xf32>
    %eq3A_157 = vector.broadcast %slice3A_146 : vector<512x1xf32> to vector<512x32xf32>
    %eq3A_158 = arith.cmpf oeq, %slice3A_23, %eq3A_157 : vector<512x32xf32>
    %lt3A_159 = arith.constant 5 : i32
    %lt3A_160 = vector.broadcast %lt3A_159 : i32 to vector<512x32xi32>
    %lt3A_161 = arith.cmpi slt, %iota3A, %lt3A_160 : vector<512x32xi32>
    %and3A_162 = arith.andi %eq3A_158, %lt3A_161 : vector<512x32xi1>
    %jit3A_163 = arith.constant 1.000000e+00 : f32
    %jit3A_164 = arith.constant 0.000000e+00 : f32
    %broadcast_in_dim3A_165 = vector.broadcast %jit3A_163 : f32 to vector<512x32xf32>
    %broadcast_in_dim3A_166 = vector.broadcast %jit3A_164 : f32 to vector<512x32xf32>
    %select_n3A_167 = arith.select %and3A_162, %broadcast_in_dim3A_165, %broadcast_in_dim3A_166 : vector<512x32xi1>, vector<512x32xf32>
    %reduce_sum3A_168 = arith.constant dense<0.000000e+00> : vector<512xf32>
    %reduce_sum3A_169 = vector.multi_reduction <add>, %select_n3A_167, %reduce_sum3A_168 [1] : vector<512x32xf32> to vector<512xf32>
    %broadcast_in_dim3A_170 = vector.shape_cast %reduce_sum3A_169 : vector<512xf32> to vector<512x1xf32>
    %add3A_171 = arith.addf %broadcast_in_dim3A_156, %broadcast_in_dim3A_170 : vector<512x1xf32>
    %slice3A_172 = vector.extract_strided_slice %logistic3A_22 {offsets = [0, 6], sizes = [512, 1], strides = [1, 1]} : vector<512x1024xf32> to vector<512x1xf32>
    %gt3A_173 = vector.broadcast %slice3A_172 : vector<512x1xf32> to vector<512x1024xf32>
    %gt3A_174 = arith.cmpf ogt, %logistic3A_22, %gt3A_173 : vector<512x1024xf32>
    %jit3A_175 = arith.constant 1.000000e+00 : f32
    %jit3A_176 = arith.constant 0.000000e+00 : f32
    %broadcast_in_dim3A_177 = vector.broadcast %jit3A_175 : f32 to vector<512x1024xf32>
    %broadcast_in_dim3A_178 = vector.broadcast %jit3A_176 : f32 to vector<512x1024xf32>
    %select_n3A_179 = arith.select %gt3A_174, %broadcast_in_dim3A_177, %broadcast_in_dim3A_178 : vector<512x1024xi1>, vector<512x1024xf32>
    %reduce_sum3A_180 = arith.constant dense<0.000000e+00> : vector<512xf32>
    %reduce_sum3A_181 = vector.multi_reduction <add>, %select_n3A_179, %reduce_sum3A_180 [1] : vector<512x1024xf32> to vector<512xf32>
    %broadcast_in_dim3A_182 = vector.shape_cast %reduce_sum3A_181 : vector<512xf32> to vector<512x1xf32>
    %eq3A_183 = vector.broadcast %slice3A_172 : vector<512x1xf32> to vector<512x32xf32>
    %eq3A_184 = arith.cmpf oeq, %slice3A_23, %eq3A_183 : vector<512x32xf32>
    %lt3A_185 = arith.constant 6 : i32
    %lt3A_186 = vector.broadcast %lt3A_185 : i32 to vector<512x32xi32>
    %lt3A_187 = arith.cmpi slt, %iota3A, %lt3A_186 : vector<512x32xi32>
    %and3A_188 = arith.andi %eq3A_184, %lt3A_187 : vector<512x32xi1>
    %jit3A_189 = arith.constant 1.000000e+00 : f32
    %jit3A_190 = arith.constant 0.000000e+00 : f32
    %broadcast_in_dim3A_191 = vector.broadcast %jit3A_189 : f32 to vector<512x32xf32>
    %broadcast_in_dim3A_192 = vector.broadcast %jit3A_190 : f32 to vector<512x32xf32>
    %select_n3A_193 = arith.select %and3A_188, %broadcast_in_dim3A_191, %broadcast_in_dim3A_192 : vector<512x32xi1>, vector<512x32xf32>
    %reduce_sum3A_194 = arith.constant dense<0.000000e+00> : vector<512xf32>
    %reduce_sum3A_195 = vector.multi_reduction <add>, %select_n3A_193, %reduce_sum3A_194 [1] : vector<512x32xf32> to vector<512xf32>
    %broadcast_in_dim3A_196 = vector.shape_cast %reduce_sum3A_195 : vector<512xf32> to vector<512x1xf32>
    %add3A_197 = arith.addf %broadcast_in_dim3A_182, %broadcast_in_dim3A_196 : vector<512x1xf32>
    %slice3A_198 = vector.extract_strided_slice %logistic3A_22 {offsets = [0, 7], sizes = [512, 1], strides = [1, 1]} : vector<512x1024xf32> to vector<512x1xf32>
    %gt3A_199 = vector.broadcast %slice3A_198 : vector<512x1xf32> to vector<512x1024xf32>
    %gt3A_200 = arith.cmpf ogt, %logistic3A_22, %gt3A_199 : vector<512x1024xf32>
    %jit3A_201 = arith.constant 1.000000e+00 : f32
    %jit3A_202 = arith.constant 0.000000e+00 : f32
    %broadcast_in_dim3A_203 = vector.broadcast %jit3A_201 : f32 to vector<512x1024xf32>
    %broadcast_in_dim3A_204 = vector.broadcast %jit3A_202 : f32 to vector<512x1024xf32>
    %select_n3A_205 = arith.select %gt3A_200, %broadcast_in_dim3A_203, %broadcast_in_dim3A_204 : vector<512x1024xi1>, vector<512x1024xf32>
    %reduce_sum3A_206 = arith.constant dense<0.000000e+00> : vector<512xf32>
    %reduce_sum3A_207 = vector.multi_reduction <add>, %select_n3A_205, %reduce_sum3A_206 [1] : vector<512x1024xf32> to vector<512xf32>
    %broadcast_in_dim3A_208 = vector.shape_cast %reduce_sum3A_207 : vector<512xf32> to vector<512x1xf32>
    %eq3A_209 = vector.broadcast %slice3A_198 : vector<512x1xf32> to vector<512x32xf32>
    %eq3A_210 = arith.cmpf oeq, %slice3A_23, %eq3A_209 : vector<512x32xf32>
    %lt3A_211 = arith.constant 7 : i32
    %lt3A_212 = vector.broadcast %lt3A_211 : i32 to vector<512x32xi32>
    %lt3A_213 = arith.cmpi slt, %iota3A, %lt3A_212 : vector<512x32xi32>
    %and3A_214 = arith.andi %eq3A_210, %lt3A_213 : vector<512x32xi1>
    %jit3A_215 = arith.constant 1.000000e+00 : f32
    %jit3A_216 = arith.constant 0.000000e+00 : f32
    %broadcast_in_dim3A_217 = vector.broadcast %jit3A_215 : f32 to vector<512x32xf32>
    %broadcast_in_dim3A_218 = vector.broadcast %jit3A_216 : f32 to vector<512x32xf32>
    %select_n3A_219 = arith.select %and3A_214, %broadcast_in_dim3A_217, %broadcast_in_dim3A_218 : vector<512x32xi1>, vector<512x32xf32>
    %reduce_sum3A_220 = arith.constant dense<0.000000e+00> : vector<512xf32>
    %reduce_sum3A_221 = vector.multi_reduction <add>, %select_n3A_219, %reduce_sum3A_220 [1] : vector<512x32xf32> to vector<512xf32>
    %broadcast_in_dim3A_222 = vector.shape_cast %reduce_sum3A_221 : vector<512xf32> to vector<512x1xf32>
    %add3A_223 = arith.addf %broadcast_in_dim3A_208, %broadcast_in_dim3A_222 : vector<512x1xf32>
    %slice3A_224 = vector.extract_strided_slice %logistic3A_22 {offsets = [0, 8], sizes = [512, 1], strides = [1, 1]} : vector<512x1024xf32> to vector<512x1xf32>
    %gt3A_225 = vector.broadcast %slice3A_224 : vector<512x1xf32> to vector<512x1024xf32>
    %gt3A_226 = arith.cmpf ogt, %logistic3A_22, %gt3A_225 : vector<512x1024xf32>
    %jit3A_227 = arith.constant 1.000000e+00 : f32
    %jit3A_228 = arith.constant 0.000000e+00 : f32
    %broadcast_in_dim3A_229 = vector.broadcast %jit3A_227 : f32 to vector<512x1024xf32>
    %broadcast_in_dim3A_230 = vector.broadcast %jit3A_228 : f32 to vector<512x1024xf32>
    %select_n3A_231 = arith.select %gt3A_226, %broadcast_in_dim3A_229, %broadcast_in_dim3A_230 : vector<512x1024xi1>, vector<512x1024xf32>
    %reduce_sum3A_232 = arith.constant dense<0.000000e+00> : vector<512xf32>
    %reduce_sum3A_233 = vector.multi_reduction <add>, %select_n3A_231, %reduce_sum3A_232 [1] : vector<512x1024xf32> to vector<512xf32>
    %broadcast_in_dim3A_234 = vector.shape_cast %reduce_sum3A_233 : vector<512xf32> to vector<512x1xf32>
    %eq3A_235 = vector.broadcast %slice3A_224 : vector<512x1xf32> to vector<512x32xf32>
    %eq3A_236 = arith.cmpf oeq, %slice3A_23, %eq3A_235 : vector<512x32xf32>
    %lt3A_237 = arith.constant 8 : i32
    %lt3A_238 = vector.broadcast %lt3A_237 : i32 to vector<512x32xi32>
    %lt3A_239 = arith.cmpi slt, %iota3A, %lt3A_238 : vector<512x32xi32>
    %and3A_240 = arith.andi %eq3A_236, %lt3A_239 : vector<512x32xi1>
    %jit3A_241 = arith.constant 1.000000e+00 : f32
    %jit3A_242 = arith.constant 0.000000e+00 : f32
    %broadcast_in_dim3A_243 = vector.broadcast %jit3A_241 : f32 to vector<512x32xf32>
    %broadcast_in_dim3A_244 = vector.broadcast %jit3A_242 : f32 to vector<512x32xf32>
    %select_n3A_245 = arith.select %and3A_240, %broadcast_in_dim3A_243, %broadcast_in_dim3A_244 : vector<512x32xi1>, vector<512x32xf32>
    %reduce_sum3A_246 = arith.constant dense<0.000000e+00> : vector<512xf32>
    %reduce_sum3A_247 = vector.multi_reduction <add>, %select_n3A_245, %reduce_sum3A_246 [1] : vector<512x32xf32> to vector<512xf32>
    %broadcast_in_dim3A_248 = vector.shape_cast %reduce_sum3A_247 : vector<512xf32> to vector<512x1xf32>
    %add3A_249 = arith.addf %broadcast_in_dim3A_234, %broadcast_in_dim3A_248 : vector<512x1xf32>
    %slice3A_250 = vector.extract_strided_slice %logistic3A_22 {offsets = [0, 9], sizes = [512, 1], strides = [1, 1]} : vector<512x1024xf32> to vector<512x1xf32>
    %gt3A_251 = vector.broadcast %slice3A_250 : vector<512x1xf32> to vector<512x1024xf32>
    %gt3A_252 = arith.cmpf ogt, %logistic3A_22, %gt3A_251 : vector<512x1024xf32>
    %jit3A_253 = arith.constant 1.000000e+00 : f32
    %jit3A_254 = arith.constant 0.000000e+00 : f32
    %broadcast_in_dim3A_255 = vector.broadcast %jit3A_253 : f32 to vector<512x1024xf32>
    %broadcast_in_dim3A_256 = vector.broadcast %jit3A_254 : f32 to vector<512x1024xf32>
    %select_n3A_257 = arith.select %gt3A_252, %broadcast_in_dim3A_255, %broadcast_in_dim3A_256 : vector<512x1024xi1>, vector<512x1024xf32>
    %reduce_sum3A_258 = arith.constant dense<0.000000e+00> : vector<512xf32>
    %reduce_sum3A_259 = vector.multi_reduction <add>, %select_n3A_257, %reduce_sum3A_258 [1] : vector<512x1024xf32> to vector<512xf32>
    %broadcast_in_dim3A_260 = vector.shape_cast %reduce_sum3A_259 : vector<512xf32> to vector<512x1xf32>
    %eq3A_261 = vector.broadcast %slice3A_250 : vector<512x1xf32> to vector<512x32xf32>
    %eq3A_262 = arith.cmpf oeq, %slice3A_23, %eq3A_261 : vector<512x32xf32>
    %lt3A_263 = arith.constant 9 : i32
    %lt3A_264 = vector.broadcast %lt3A_263 : i32 to vector<512x32xi32>
    %lt3A_265 = arith.cmpi slt, %iota3A, %lt3A_264 : vector<512x32xi32>
    %and3A_266 = arith.andi %eq3A_262, %lt3A_265 : vector<512x32xi1>
    %jit3A_267 = arith.constant 1.000000e+00 : f32
    %jit3A_268 = arith.constant 0.000000e+00 : f32
    %broadcast_in_dim3A_269 = vector.broadcast %jit3A_267 : f32 to vector<512x32xf32>
    %broadcast_in_dim3A_270 = vector.broadcast %jit3A_268 : f32 to vector<512x32xf32>
    %select_n3A_271 = arith.select %and3A_266, %broadcast_in_dim3A_269, %broadcast_in_dim3A_270 : vector<512x32xi1>, vector<512x32xf32>
    %reduce_sum3A_272 = arith.constant dense<0.000000e+00> : vector<512xf32>
    %reduce_sum3A_273 = vector.multi_reduction <add>, %select_n3A_271, %reduce_sum3A_272 [1] : vector<512x32xf32> to vector<512xf32>
    %broadcast_in_dim3A_274 = vector.shape_cast %reduce_sum3A_273 : vector<512xf32> to vector<512x1xf32>
    %add3A_275 = arith.addf %broadcast_in_dim3A_260, %broadcast_in_dim3A_274 : vector<512x1xf32>
    %slice3A_276 = vector.extract_strided_slice %logistic3A_22 {offsets = [0, 10], sizes = [512, 1], strides = [1, 1]} : vector<512x1024xf32> to vector<512x1xf32>
    %gt3A_277 = vector.broadcast %slice3A_276 : vector<512x1xf32> to vector<512x1024xf32>
    %gt3A_278 = arith.cmpf ogt, %logistic3A_22, %gt3A_277 : vector<512x1024xf32>
    %jit3A_279 = arith.constant 1.000000e+00 : f32
    %jit3A_280 = arith.constant 0.000000e+00 : f32
    %broadcast_in_dim3A_281 = vector.broadcast %jit3A_279 : f32 to vector<512x1024xf32>
    %broadcast_in_dim3A_282 = vector.broadcast %jit3A_280 : f32 to vector<512x1024xf32>
    %select_n3A_283 = arith.select %gt3A_278, %broadcast_in_dim3A_281, %broadcast_in_dim3A_282 : vector<512x1024xi1>, vector<512x1024xf32>
    %reduce_sum3A_284 = arith.constant dense<0.000000e+00> : vector<512xf32>
    %reduce_sum3A_285 = vector.multi_reduction <add>, %select_n3A_283, %reduce_sum3A_284 [1] : vector<512x1024xf32> to vector<512xf32>
    %broadcast_in_dim3A_286 = vector.shape_cast %reduce_sum3A_285 : vector<512xf32> to vector<512x1xf32>
    %eq3A_287 = vector.broadcast %slice3A_276 : vector<512x1xf32> to vector<512x32xf32>
    %eq3A_288 = arith.cmpf oeq, %slice3A_23, %eq3A_287 : vector<512x32xf32>
    %lt3A_289 = arith.constant 10 : i32
    %lt3A_290 = vector.broadcast %lt3A_289 : i32 to vector<512x32xi32>
    %lt3A_291 = arith.cmpi slt, %iota3A, %lt3A_290 : vector<512x32xi32>
    %and3A_292 = arith.andi %eq3A_288, %lt3A_291 : vector<512x32xi1>
    %jit3A_293 = arith.constant 1.000000e+00 : f32
    %jit3A_294 = arith.constant 0.000000e+00 : f32
    %broadcast_in_dim3A_295 = vector.broadcast %jit3A_293 : f32 to vector<512x32xf32>
    %broadcast_in_dim3A_296 = vector.broadcast %jit3A_294 : f32 to vector<512x32xf32>
    %select_n3A_297 = arith.select %and3A_292, %broadcast_in_dim3A_295, %broadcast_in_dim3A_296 : vector<512x32xi1>, vector<512x32xf32>
    %reduce_sum3A_298 = arith.constant dense<0.000000e+00> : vector<512xf32>
    %reduce_sum3A_299 = vector.multi_reduction <add>, %select_n3A_297, %reduce_sum3A_298 [1] : vector<512x32xf32> to vector<512xf32>
    %broadcast_in_dim3A_300 = vector.shape_cast %reduce_sum3A_299 : vector<512xf32> to vector<512x1xf32>
    %add3A_301 = arith.addf %broadcast_in_dim3A_286, %broadcast_in_dim3A_300 : vector<512x1xf32>
    %slice3A_302 = vector.extract_strided_slice %logistic3A_22 {offsets = [0, 11], sizes = [512, 1], strides = [1, 1]} : vector<512x1024xf32> to vector<512x1xf32>
    %gt3A_303 = vector.broadcast %slice3A_302 : vector<512x1xf32> to vector<512x1024xf32>
    %gt3A_304 = arith.cmpf ogt, %logistic3A_22, %gt3A_303 : vector<512x1024xf32>
    %jit3A_305 = arith.constant 1.000000e+00 : f32
    %jit3A_306 = arith.constant 0.000000e+00 : f32
    %broadcast_in_dim3A_307 = vector.broadcast %jit3A_305 : f32 to vector<512x1024xf32>
    %broadcast_in_dim3A_308 = vector.broadcast %jit3A_306 : f32 to vector<512x1024xf32>
    %select_n3A_309 = arith.select %gt3A_304, %broadcast_in_dim3A_307, %broadcast_in_dim3A_308 : vector<512x1024xi1>, vector<512x1024xf32>
    %reduce_sum3A_310 = arith.constant dense<0.000000e+00> : vector<512xf32>
    %reduce_sum3A_311 = vector.multi_reduction <add>, %select_n3A_309, %reduce_sum3A_310 [1] : vector<512x1024xf32> to vector<512xf32>
    %broadcast_in_dim3A_312 = vector.shape_cast %reduce_sum3A_311 : vector<512xf32> to vector<512x1xf32>
    %eq3A_313 = vector.broadcast %slice3A_302 : vector<512x1xf32> to vector<512x32xf32>
    %eq3A_314 = arith.cmpf oeq, %slice3A_23, %eq3A_313 : vector<512x32xf32>
    %lt3A_315 = arith.constant 11 : i32
    %lt3A_316 = vector.broadcast %lt3A_315 : i32 to vector<512x32xi32>
    %lt3A_317 = arith.cmpi slt, %iota3A, %lt3A_316 : vector<512x32xi32>
    %and3A_318 = arith.andi %eq3A_314, %lt3A_317 : vector<512x32xi1>
    %jit3A_319 = arith.constant 1.000000e+00 : f32
    %jit3A_320 = arith.constant 0.000000e+00 : f32
    %broadcast_in_dim3A_321 = vector.broadcast %jit3A_319 : f32 to vector<512x32xf32>
    %broadcast_in_dim3A_322 = vector.broadcast %jit3A_320 : f32 to vector<512x32xf32>
    %select_n3A_323 = arith.select %and3A_318, %broadcast_in_dim3A_321, %broadcast_in_dim3A_322 : vector<512x32xi1>, vector<512x32xf32>
    %reduce_sum3A_324 = arith.constant dense<0.000000e+00> : vector<512xf32>
    %reduce_sum3A_325 = vector.multi_reduction <add>, %select_n3A_323, %reduce_sum3A_324 [1] : vector<512x32xf32> to vector<512xf32>
    %broadcast_in_dim3A_326 = vector.shape_cast %reduce_sum3A_325 : vector<512xf32> to vector<512x1xf32>
    %add3A_327 = arith.addf %broadcast_in_dim3A_312, %broadcast_in_dim3A_326 : vector<512x1xf32>
    %slice3A_328 = vector.extract_strided_slice %logistic3A_22 {offsets = [0, 12], sizes = [512, 1], strides = [1, 1]} : vector<512x1024xf32> to vector<512x1xf32>
    %gt3A_329 = vector.broadcast %slice3A_328 : vector<512x1xf32> to vector<512x1024xf32>
    %gt3A_330 = arith.cmpf ogt, %logistic3A_22, %gt3A_329 : vector<512x1024xf32>
    %jit3A_331 = arith.constant 1.000000e+00 : f32
    %jit3A_332 = arith.constant 0.000000e+00 : f32
    %broadcast_in_dim3A_333 = vector.broadcast %jit3A_331 : f32 to vector<512x1024xf32>
    %broadcast_in_dim3A_334 = vector.broadcast %jit3A_332 : f32 to vector<512x1024xf32>
    %select_n3A_335 = arith.select %gt3A_330, %broadcast_in_dim3A_333, %broadcast_in_dim3A_334 : vector<512x1024xi1>, vector<512x1024xf32>
    %reduce_sum3A_336 = arith.constant dense<0.000000e+00> : vector<512xf32>
    %reduce_sum3A_337 = vector.multi_reduction <add>, %select_n3A_335, %reduce_sum3A_336 [1] : vector<512x1024xf32> to vector<512xf32>
    %broadcast_in_dim3A_338 = vector.shape_cast %reduce_sum3A_337 : vector<512xf32> to vector<512x1xf32>
    %eq3A_339 = vector.broadcast %slice3A_328 : vector<512x1xf32> to vector<512x32xf32>
    %eq3A_340 = arith.cmpf oeq, %slice3A_23, %eq3A_339 : vector<512x32xf32>
    %lt3A_341 = arith.constant 12 : i32
    %lt3A_342 = vector.broadcast %lt3A_341 : i32 to vector<512x32xi32>
    %lt3A_343 = arith.cmpi slt, %iota3A, %lt3A_342 : vector<512x32xi32>
    %and3A_344 = arith.andi %eq3A_340, %lt3A_343 : vector<512x32xi1>
    %jit3A_345 = arith.constant 1.000000e+00 : f32
    %jit3A_346 = arith.constant 0.000000e+00 : f32
    %broadcast_in_dim3A_347 = vector.broadcast %jit3A_345 : f32 to vector<512x32xf32>
    %broadcast_in_dim3A_348 = vector.broadcast %jit3A_346 : f32 to vector<512x32xf32>
    %select_n3A_349 = arith.select %and3A_344, %broadcast_in_dim3A_347, %broadcast_in_dim3A_348 : vector<512x32xi1>, vector<512x32xf32>
    %reduce_sum3A_350 = arith.constant dense<0.000000e+00> : vector<512xf32>
    %reduce_sum3A_351 = vector.multi_reduction <add>, %select_n3A_349, %reduce_sum3A_350 [1] : vector<512x32xf32> to vector<512xf32>
    %broadcast_in_dim3A_352 = vector.shape_cast %reduce_sum3A_351 : vector<512xf32> to vector<512x1xf32>
    %add3A_353 = arith.addf %broadcast_in_dim3A_338, %broadcast_in_dim3A_352 : vector<512x1xf32>
    %slice3A_354 = vector.extract_strided_slice %logistic3A_22 {offsets = [0, 13], sizes = [512, 1], strides = [1, 1]} : vector<512x1024xf32> to vector<512x1xf32>
    %gt3A_355 = vector.broadcast %slice3A_354 : vector<512x1xf32> to vector<512x1024xf32>
    %gt3A_356 = arith.cmpf ogt, %logistic3A_22, %gt3A_355 : vector<512x1024xf32>
    %jit3A_357 = arith.constant 1.000000e+00 : f32
    %jit3A_358 = arith.constant 0.000000e+00 : f32
    %broadcast_in_dim3A_359 = vector.broadcast %jit3A_357 : f32 to vector<512x1024xf32>
    %broadcast_in_dim3A_360 = vector.broadcast %jit3A_358 : f32 to vector<512x1024xf32>
    %select_n3A_361 = arith.select %gt3A_356, %broadcast_in_dim3A_359, %broadcast_in_dim3A_360 : vector<512x1024xi1>, vector<512x1024xf32>
    %reduce_sum3A_362 = arith.constant dense<0.000000e+00> : vector<512xf32>
    %reduce_sum3A_363 = vector.multi_reduction <add>, %select_n3A_361, %reduce_sum3A_362 [1] : vector<512x1024xf32> to vector<512xf32>
    %broadcast_in_dim3A_364 = vector.shape_cast %reduce_sum3A_363 : vector<512xf32> to vector<512x1xf32>
    %eq3A_365 = vector.broadcast %slice3A_354 : vector<512x1xf32> to vector<512x32xf32>
    %eq3A_366 = arith.cmpf oeq, %slice3A_23, %eq3A_365 : vector<512x32xf32>
    %lt3A_367 = arith.constant 13 : i32
    %lt3A_368 = vector.broadcast %lt3A_367 : i32 to vector<512x32xi32>
    %lt3A_369 = arith.cmpi slt, %iota3A, %lt3A_368 : vector<512x32xi32>
    %and3A_370 = arith.andi %eq3A_366, %lt3A_369 : vector<512x32xi1>
    %jit3A_371 = arith.constant 1.000000e+00 : f32
    %jit3A_372 = arith.constant 0.000000e+00 : f32
    %broadcast_in_dim3A_373 = vector.broadcast %jit3A_371 : f32 to vector<512x32xf32>
    %broadcast_in_dim3A_374 = vector.broadcast %jit3A_372 : f32 to vector<512x32xf32>
    %select_n3A_375 = arith.select %and3A_370, %broadcast_in_dim3A_373, %broadcast_in_dim3A_374 : vector<512x32xi1>, vector<512x32xf32>
    %reduce_sum3A_376 = arith.constant dense<0.000000e+00> : vector<512xf32>
    %reduce_sum3A_377 = vector.multi_reduction <add>, %select_n3A_375, %reduce_sum3A_376 [1] : vector<512x32xf32> to vector<512xf32>
    %broadcast_in_dim3A_378 = vector.shape_cast %reduce_sum3A_377 : vector<512xf32> to vector<512x1xf32>
    %add3A_379 = arith.addf %broadcast_in_dim3A_364, %broadcast_in_dim3A_378 : vector<512x1xf32>
    %slice3A_380 = vector.extract_strided_slice %logistic3A_22 {offsets = [0, 14], sizes = [512, 1], strides = [1, 1]} : vector<512x1024xf32> to vector<512x1xf32>
    %gt3A_381 = vector.broadcast %slice3A_380 : vector<512x1xf32> to vector<512x1024xf32>
    %gt3A_382 = arith.cmpf ogt, %logistic3A_22, %gt3A_381 : vector<512x1024xf32>
    %jit3A_383 = arith.constant 1.000000e+00 : f32
    %jit3A_384 = arith.constant 0.000000e+00 : f32
    %broadcast_in_dim3A_385 = vector.broadcast %jit3A_383 : f32 to vector<512x1024xf32>
    %broadcast_in_dim3A_386 = vector.broadcast %jit3A_384 : f32 to vector<512x1024xf32>
    %select_n3A_387 = arith.select %gt3A_382, %broadcast_in_dim3A_385, %broadcast_in_dim3A_386 : vector<512x1024xi1>, vector<512x1024xf32>
    %reduce_sum3A_388 = arith.constant dense<0.000000e+00> : vector<512xf32>
    %reduce_sum3A_389 = vector.multi_reduction <add>, %select_n3A_387, %reduce_sum3A_388 [1] : vector<512x1024xf32> to vector<512xf32>
    %broadcast_in_dim3A_390 = vector.shape_cast %reduce_sum3A_389 : vector<512xf32> to vector<512x1xf32>
    %eq3A_391 = vector.broadcast %slice3A_380 : vector<512x1xf32> to vector<512x32xf32>
    %eq3A_392 = arith.cmpf oeq, %slice3A_23, %eq3A_391 : vector<512x32xf32>
    %lt3A_393 = arith.constant 14 : i32
    %lt3A_394 = vector.broadcast %lt3A_393 : i32 to vector<512x32xi32>
    %lt3A_395 = arith.cmpi slt, %iota3A, %lt3A_394 : vector<512x32xi32>
    %and3A_396 = arith.andi %eq3A_392, %lt3A_395 : vector<512x32xi1>
    %jit3A_397 = arith.constant 1.000000e+00 : f32
    %jit3A_398 = arith.constant 0.000000e+00 : f32
    %broadcast_in_dim3A_399 = vector.broadcast %jit3A_397 : f32 to vector<512x32xf32>
    %broadcast_in_dim3A_400 = vector.broadcast %jit3A_398 : f32 to vector<512x32xf32>
    %select_n3A_401 = arith.select %and3A_396, %broadcast_in_dim3A_399, %broadcast_in_dim3A_400 : vector<512x32xi1>, vector<512x32xf32>
    %reduce_sum3A_402 = arith.constant dense<0.000000e+00> : vector<512xf32>
    %reduce_sum3A_403 = vector.multi_reduction <add>, %select_n3A_401, %reduce_sum3A_402 [1] : vector<512x32xf32> to vector<512xf32>
    %broadcast_in_dim3A_404 = vector.shape_cast %reduce_sum3A_403 : vector<512xf32> to vector<512x1xf32>
    %add3A_405 = arith.addf %broadcast_in_dim3A_390, %broadcast_in_dim3A_404 : vector<512x1xf32>
    %slice3A_406 = vector.extract_strided_slice %logistic3A_22 {offsets = [0, 15], sizes = [512, 1], strides = [1, 1]} : vector<512x1024xf32> to vector<512x1xf32>
    %gt3A_407 = vector.broadcast %slice3A_406 : vector<512x1xf32> to vector<512x1024xf32>
    %gt3A_408 = arith.cmpf ogt, %logistic3A_22, %gt3A_407 : vector<512x1024xf32>
    %jit3A_409 = arith.constant 1.000000e+00 : f32
    %jit3A_410 = arith.constant 0.000000e+00 : f32
    %broadcast_in_dim3A_411 = vector.broadcast %jit3A_409 : f32 to vector<512x1024xf32>
    %broadcast_in_dim3A_412 = vector.broadcast %jit3A_410 : f32 to vector<512x1024xf32>
    %select_n3A_413 = arith.select %gt3A_408, %broadcast_in_dim3A_411, %broadcast_in_dim3A_412 : vector<512x1024xi1>, vector<512x1024xf32>
    %reduce_sum3A_414 = arith.constant dense<0.000000e+00> : vector<512xf32>
    %reduce_sum3A_415 = vector.multi_reduction <add>, %select_n3A_413, %reduce_sum3A_414 [1] : vector<512x1024xf32> to vector<512xf32>
    %broadcast_in_dim3A_416 = vector.shape_cast %reduce_sum3A_415 : vector<512xf32> to vector<512x1xf32>
    %eq3A_417 = vector.broadcast %slice3A_406 : vector<512x1xf32> to vector<512x32xf32>
    %eq3A_418 = arith.cmpf oeq, %slice3A_23, %eq3A_417 : vector<512x32xf32>
    %lt3A_419 = arith.constant 15 : i32
    %lt3A_420 = vector.broadcast %lt3A_419 : i32 to vector<512x32xi32>
    %lt3A_421 = arith.cmpi slt, %iota3A, %lt3A_420 : vector<512x32xi32>
    %and3A_422 = arith.andi %eq3A_418, %lt3A_421 : vector<512x32xi1>
    %jit3A_423 = arith.constant 1.000000e+00 : f32
    %jit3A_424 = arith.constant 0.000000e+00 : f32
    %broadcast_in_dim3A_425 = vector.broadcast %jit3A_423 : f32 to vector<512x32xf32>
    %broadcast_in_dim3A_426 = vector.broadcast %jit3A_424 : f32 to vector<512x32xf32>
    %select_n3A_427 = arith.select %and3A_422, %broadcast_in_dim3A_425, %broadcast_in_dim3A_426 : vector<512x32xi1>, vector<512x32xf32>
    %reduce_sum3A_428 = arith.constant dense<0.000000e+00> : vector<512xf32>
    %reduce_sum3A_429 = vector.multi_reduction <add>, %select_n3A_427, %reduce_sum3A_428 [1] : vector<512x32xf32> to vector<512xf32>
    %broadcast_in_dim3A_430 = vector.shape_cast %reduce_sum3A_429 : vector<512xf32> to vector<512x1xf32>
    %add3A_431 = arith.addf %broadcast_in_dim3A_416, %broadcast_in_dim3A_430 : vector<512x1xf32>
    %slice3A_432 = vector.extract_strided_slice %logistic3A_22 {offsets = [0, 16], sizes = [512, 1], strides = [1, 1]} : vector<512x1024xf32> to vector<512x1xf32>
    %gt3A_433 = vector.broadcast %slice3A_432 : vector<512x1xf32> to vector<512x1024xf32>
    %gt3A_434 = arith.cmpf ogt, %logistic3A_22, %gt3A_433 : vector<512x1024xf32>
    %jit3A_435 = arith.constant 1.000000e+00 : f32
    %jit3A_436 = arith.constant 0.000000e+00 : f32
    %broadcast_in_dim3A_437 = vector.broadcast %jit3A_435 : f32 to vector<512x1024xf32>
    %broadcast_in_dim3A_438 = vector.broadcast %jit3A_436 : f32 to vector<512x1024xf32>
    %select_n3A_439 = arith.select %gt3A_434, %broadcast_in_dim3A_437, %broadcast_in_dim3A_438 : vector<512x1024xi1>, vector<512x1024xf32>
    %reduce_sum3A_440 = arith.constant dense<0.000000e+00> : vector<512xf32>
    %reduce_sum3A_441 = vector.multi_reduction <add>, %select_n3A_439, %reduce_sum3A_440 [1] : vector<512x1024xf32> to vector<512xf32>
    %broadcast_in_dim3A_442 = vector.shape_cast %reduce_sum3A_441 : vector<512xf32> to vector<512x1xf32>
    %eq3A_443 = vector.broadcast %slice3A_432 : vector<512x1xf32> to vector<512x32xf32>
    %eq3A_444 = arith.cmpf oeq, %slice3A_23, %eq3A_443 : vector<512x32xf32>
    %lt3A_445 = arith.constant 16 : i32
    %lt3A_446 = vector.broadcast %lt3A_445 : i32 to vector<512x32xi32>
    %lt3A_447 = arith.cmpi slt, %iota3A, %lt3A_446 : vector<512x32xi32>
    %and3A_448 = arith.andi %eq3A_444, %lt3A_447 : vector<512x32xi1>
    %jit3A_449 = arith.constant 1.000000e+00 : f32
    %jit3A_450 = arith.constant 0.000000e+00 : f32
    %broadcast_in_dim3A_451 = vector.broadcast %jit3A_449 : f32 to vector<512x32xf32>
    %broadcast_in_dim3A_452 = vector.broadcast %jit3A_450 : f32 to vector<512x32xf32>
    %select_n3A_453 = arith.select %and3A_448, %broadcast_in_dim3A_451, %broadcast_in_dim3A_452 : vector<512x32xi1>, vector<512x32xf32>
    %reduce_sum3A_454 = arith.constant dense<0.000000e+00> : vector<512xf32>
    %reduce_sum3A_455 = vector.multi_reduction <add>, %select_n3A_453, %reduce_sum3A_454 [1] : vector<512x32xf32> to vector<512xf32>
    %broadcast_in_dim3A_456 = vector.shape_cast %reduce_sum3A_455 : vector<512xf32> to vector<512x1xf32>
    %add3A_457 = arith.addf %broadcast_in_dim3A_442, %broadcast_in_dim3A_456 : vector<512x1xf32>
    %slice3A_458 = vector.extract_strided_slice %logistic3A_22 {offsets = [0, 17], sizes = [512, 1], strides = [1, 1]} : vector<512x1024xf32> to vector<512x1xf32>
    %gt3A_459 = vector.broadcast %slice3A_458 : vector<512x1xf32> to vector<512x1024xf32>
    %gt3A_460 = arith.cmpf ogt, %logistic3A_22, %gt3A_459 : vector<512x1024xf32>
    %jit3A_461 = arith.constant 1.000000e+00 : f32
    %jit3A_462 = arith.constant 0.000000e+00 : f32
    %broadcast_in_dim3A_463 = vector.broadcast %jit3A_461 : f32 to vector<512x1024xf32>
    %broadcast_in_dim3A_464 = vector.broadcast %jit3A_462 : f32 to vector<512x1024xf32>
    %select_n3A_465 = arith.select %gt3A_460, %broadcast_in_dim3A_463, %broadcast_in_dim3A_464 : vector<512x1024xi1>, vector<512x1024xf32>
    %reduce_sum3A_466 = arith.constant dense<0.000000e+00> : vector<512xf32>
    %reduce_sum3A_467 = vector.multi_reduction <add>, %select_n3A_465, %reduce_sum3A_466 [1] : vector<512x1024xf32> to vector<512xf32>
    %broadcast_in_dim3A_468 = vector.shape_cast %reduce_sum3A_467 : vector<512xf32> to vector<512x1xf32>
    %eq3A_469 = vector.broadcast %slice3A_458 : vector<512x1xf32> to vector<512x32xf32>
    %eq3A_470 = arith.cmpf oeq, %slice3A_23, %eq3A_469 : vector<512x32xf32>
    %lt3A_471 = arith.constant 17 : i32
    %lt3A_472 = vector.broadcast %lt3A_471 : i32 to vector<512x32xi32>
    %lt3A_473 = arith.cmpi slt, %iota3A, %lt3A_472 : vector<512x32xi32>
    %and3A_474 = arith.andi %eq3A_470, %lt3A_473 : vector<512x32xi1>
    %jit3A_475 = arith.constant 1.000000e+00 : f32
    %jit3A_476 = arith.constant 0.000000e+00 : f32
    %broadcast_in_dim3A_477 = vector.broadcast %jit3A_475 : f32 to vector<512x32xf32>
    %broadcast_in_dim3A_478 = vector.broadcast %jit3A_476 : f32 to vector<512x32xf32>
    %select_n3A_479 = arith.select %and3A_474, %broadcast_in_dim3A_477, %broadcast_in_dim3A_478 : vector<512x32xi1>, vector<512x32xf32>
    %reduce_sum3A_480 = arith.constant dense<0.000000e+00> : vector<512xf32>
    %reduce_sum3A_481 = vector.multi_reduction <add>, %select_n3A_479, %reduce_sum3A_480 [1] : vector<512x32xf32> to vector<512xf32>
    %broadcast_in_dim3A_482 = vector.shape_cast %reduce_sum3A_481 : vector<512xf32> to vector<512x1xf32>
    %add3A_483 = arith.addf %broadcast_in_dim3A_468, %broadcast_in_dim3A_482 : vector<512x1xf32>
    %slice3A_484 = vector.extract_strided_slice %logistic3A_22 {offsets = [0, 18], sizes = [512, 1], strides = [1, 1]} : vector<512x1024xf32> to vector<512x1xf32>
    %gt3A_485 = vector.broadcast %slice3A_484 : vector<512x1xf32> to vector<512x1024xf32>
    %gt3A_486 = arith.cmpf ogt, %logistic3A_22, %gt3A_485 : vector<512x1024xf32>
    %jit3A_487 = arith.constant 1.000000e+00 : f32
    %jit3A_488 = arith.constant 0.000000e+00 : f32
    %broadcast_in_dim3A_489 = vector.broadcast %jit3A_487 : f32 to vector<512x1024xf32>
    %broadcast_in_dim3A_490 = vector.broadcast %jit3A_488 : f32 to vector<512x1024xf32>
    %select_n3A_491 = arith.select %gt3A_486, %broadcast_in_dim3A_489, %broadcast_in_dim3A_490 : vector<512x1024xi1>, vector<512x1024xf32>
    %reduce_sum3A_492 = arith.constant dense<0.000000e+00> : vector<512xf32>
    %reduce_sum3A_493 = vector.multi_reduction <add>, %select_n3A_491, %reduce_sum3A_492 [1] : vector<512x1024xf32> to vector<512xf32>
    %broadcast_in_dim3A_494 = vector.shape_cast %reduce_sum3A_493 : vector<512xf32> to vector<512x1xf32>
    %eq3A_495 = vector.broadcast %slice3A_484 : vector<512x1xf32> to vector<512x32xf32>
    %eq3A_496 = arith.cmpf oeq, %slice3A_23, %eq3A_495 : vector<512x32xf32>
    %lt3A_497 = arith.constant 18 : i32
    %lt3A_498 = vector.broadcast %lt3A_497 : i32 to vector<512x32xi32>
    %lt3A_499 = arith.cmpi slt, %iota3A, %lt3A_498 : vector<512x32xi32>
    %and3A_500 = arith.andi %eq3A_496, %lt3A_499 : vector<512x32xi1>
    %jit3A_501 = arith.constant 1.000000e+00 : f32
    %jit3A_502 = arith.constant 0.000000e+00 : f32
    %broadcast_in_dim3A_503 = vector.broadcast %jit3A_501 : f32 to vector<512x32xf32>
    %broadcast_in_dim3A_504 = vector.broadcast %jit3A_502 : f32 to vector<512x32xf32>
    %select_n3A_505 = arith.select %and3A_500, %broadcast_in_dim3A_503, %broadcast_in_dim3A_504 : vector<512x32xi1>, vector<512x32xf32>
    %reduce_sum3A_506 = arith.constant dense<0.000000e+00> : vector<512xf32>
    %reduce_sum3A_507 = vector.multi_reduction <add>, %select_n3A_505, %reduce_sum3A_506 [1] : vector<512x32xf32> to vector<512xf32>
    %broadcast_in_dim3A_508 = vector.shape_cast %reduce_sum3A_507 : vector<512xf32> to vector<512x1xf32>
    %add3A_509 = arith.addf %broadcast_in_dim3A_494, %broadcast_in_dim3A_508 : vector<512x1xf32>
    %slice3A_510 = vector.extract_strided_slice %logistic3A_22 {offsets = [0, 19], sizes = [512, 1], strides = [1, 1]} : vector<512x1024xf32> to vector<512x1xf32>
    %gt3A_511 = vector.broadcast %slice3A_510 : vector<512x1xf32> to vector<512x1024xf32>
    %gt3A_512 = arith.cmpf ogt, %logistic3A_22, %gt3A_511 : vector<512x1024xf32>
    %jit3A_513 = arith.constant 1.000000e+00 : f32
    %jit3A_514 = arith.constant 0.000000e+00 : f32
    %broadcast_in_dim3A_515 = vector.broadcast %jit3A_513 : f32 to vector<512x1024xf32>
    %broadcast_in_dim3A_516 = vector.broadcast %jit3A_514 : f32 to vector<512x1024xf32>
    %select_n3A_517 = arith.select %gt3A_512, %broadcast_in_dim3A_515, %broadcast_in_dim3A_516 : vector<512x1024xi1>, vector<512x1024xf32>
    %reduce_sum3A_518 = arith.constant dense<0.000000e+00> : vector<512xf32>
    %reduce_sum3A_519 = vector.multi_reduction <add>, %select_n3A_517, %reduce_sum3A_518 [1] : vector<512x1024xf32> to vector<512xf32>
    %broadcast_in_dim3A_520 = vector.shape_cast %reduce_sum3A_519 : vector<512xf32> to vector<512x1xf32>
    %eq3A_521 = vector.broadcast %slice3A_510 : vector<512x1xf32> to vector<512x32xf32>
    %eq3A_522 = arith.cmpf oeq, %slice3A_23, %eq3A_521 : vector<512x32xf32>
    %lt3A_523 = arith.constant 19 : i32
    %lt3A_524 = vector.broadcast %lt3A_523 : i32 to vector<512x32xi32>
    %lt3A_525 = arith.cmpi slt, %iota3A, %lt3A_524 : vector<512x32xi32>
    %and3A_526 = arith.andi %eq3A_522, %lt3A_525 : vector<512x32xi1>
    %jit3A_527 = arith.constant 1.000000e+00 : f32
    %jit3A_528 = arith.constant 0.000000e+00 : f32
    %broadcast_in_dim3A_529 = vector.broadcast %jit3A_527 : f32 to vector<512x32xf32>
    %broadcast_in_dim3A_530 = vector.broadcast %jit3A_528 : f32 to vector<512x32xf32>
    %select_n3A_531 = arith.select %and3A_526, %broadcast_in_dim3A_529, %broadcast_in_dim3A_530 : vector<512x32xi1>, vector<512x32xf32>
    %reduce_sum3A_532 = arith.constant dense<0.000000e+00> : vector<512xf32>
    %reduce_sum3A_533 = vector.multi_reduction <add>, %select_n3A_531, %reduce_sum3A_532 [1] : vector<512x32xf32> to vector<512xf32>
    %broadcast_in_dim3A_534 = vector.shape_cast %reduce_sum3A_533 : vector<512xf32> to vector<512x1xf32>
    %add3A_535 = arith.addf %broadcast_in_dim3A_520, %broadcast_in_dim3A_534 : vector<512x1xf32>
    %slice3A_536 = vector.extract_strided_slice %logistic3A_22 {offsets = [0, 20], sizes = [512, 1], strides = [1, 1]} : vector<512x1024xf32> to vector<512x1xf32>
    %gt3A_537 = vector.broadcast %slice3A_536 : vector<512x1xf32> to vector<512x1024xf32>
    %gt3A_538 = arith.cmpf ogt, %logistic3A_22, %gt3A_537 : vector<512x1024xf32>
    %jit3A_539 = arith.constant 1.000000e+00 : f32
    %jit3A_540 = arith.constant 0.000000e+00 : f32
    %broadcast_in_dim3A_541 = vector.broadcast %jit3A_539 : f32 to vector<512x1024xf32>
    %broadcast_in_dim3A_542 = vector.broadcast %jit3A_540 : f32 to vector<512x1024xf32>
    %select_n3A_543 = arith.select %gt3A_538, %broadcast_in_dim3A_541, %broadcast_in_dim3A_542 : vector<512x1024xi1>, vector<512x1024xf32>
    %reduce_sum3A_544 = arith.constant dense<0.000000e+00> : vector<512xf32>
    %reduce_sum3A_545 = vector.multi_reduction <add>, %select_n3A_543, %reduce_sum3A_544 [1] : vector<512x1024xf32> to vector<512xf32>
    %broadcast_in_dim3A_546 = vector.shape_cast %reduce_sum3A_545 : vector<512xf32> to vector<512x1xf32>
    %eq3A_547 = vector.broadcast %slice3A_536 : vector<512x1xf32> to vector<512x32xf32>
    %eq3A_548 = arith.cmpf oeq, %slice3A_23, %eq3A_547 : vector<512x32xf32>
    %lt3A_549 = arith.constant 20 : i32
    %lt3A_550 = vector.broadcast %lt3A_549 : i32 to vector<512x32xi32>
    %lt3A_551 = arith.cmpi slt, %iota3A, %lt3A_550 : vector<512x32xi32>
    %and3A_552 = arith.andi %eq3A_548, %lt3A_551 : vector<512x32xi1>
    %jit3A_553 = arith.constant 1.000000e+00 : f32
    %jit3A_554 = arith.constant 0.000000e+00 : f32
    %broadcast_in_dim3A_555 = vector.broadcast %jit3A_553 : f32 to vector<512x32xf32>
    %broadcast_in_dim3A_556 = vector.broadcast %jit3A_554 : f32 to vector<512x32xf32>
    %select_n3A_557 = arith.select %and3A_552, %broadcast_in_dim3A_555, %broadcast_in_dim3A_556 : vector<512x32xi1>, vector<512x32xf32>
    %reduce_sum3A_558 = arith.constant dense<0.000000e+00> : vector<512xf32>
    %reduce_sum3A_559 = vector.multi_reduction <add>, %select_n3A_557, %reduce_sum3A_558 [1] : vector<512x32xf32> to vector<512xf32>
    %broadcast_in_dim3A_560 = vector.shape_cast %reduce_sum3A_559 : vector<512xf32> to vector<512x1xf32>
    %add3A_561 = arith.addf %broadcast_in_dim3A_546, %broadcast_in_dim3A_560 : vector<512x1xf32>
    %slice3A_562 = vector.extract_strided_slice %logistic3A_22 {offsets = [0, 21], sizes = [512, 1], strides = [1, 1]} : vector<512x1024xf32> to vector<512x1xf32>
    %gt3A_563 = vector.broadcast %slice3A_562 : vector<512x1xf32> to vector<512x1024xf32>
    %gt3A_564 = arith.cmpf ogt, %logistic3A_22, %gt3A_563 : vector<512x1024xf32>
    %jit3A_565 = arith.constant 1.000000e+00 : f32
    %jit3A_566 = arith.constant 0.000000e+00 : f32
    %broadcast_in_dim3A_567 = vector.broadcast %jit3A_565 : f32 to vector<512x1024xf32>
    %broadcast_in_dim3A_568 = vector.broadcast %jit3A_566 : f32 to vector<512x1024xf32>
    %select_n3A_569 = arith.select %gt3A_564, %broadcast_in_dim3A_567, %broadcast_in_dim3A_568 : vector<512x1024xi1>, vector<512x1024xf32>
    %reduce_sum3A_570 = arith.constant dense<0.000000e+00> : vector<512xf32>
    %reduce_sum3A_571 = vector.multi_reduction <add>, %select_n3A_569, %reduce_sum3A_570 [1] : vector<512x1024xf32> to vector<512xf32>
    %broadcast_in_dim3A_572 = vector.shape_cast %reduce_sum3A_571 : vector<512xf32> to vector<512x1xf32>
    %eq3A_573 = vector.broadcast %slice3A_562 : vector<512x1xf32> to vector<512x32xf32>
    %eq3A_574 = arith.cmpf oeq, %slice3A_23, %eq3A_573 : vector<512x32xf32>
    %lt3A_575 = arith.constant 21 : i32
    %lt3A_576 = vector.broadcast %lt3A_575 : i32 to vector<512x32xi32>
    %lt3A_577 = arith.cmpi slt, %iota3A, %lt3A_576 : vector<512x32xi32>
    %and3A_578 = arith.andi %eq3A_574, %lt3A_577 : vector<512x32xi1>
    %jit3A_579 = arith.constant 1.000000e+00 : f32
    %jit3A_580 = arith.constant 0.000000e+00 : f32
    %broadcast_in_dim3A_581 = vector.broadcast %jit3A_579 : f32 to vector<512x32xf32>
    %broadcast_in_dim3A_582 = vector.broadcast %jit3A_580 : f32 to vector<512x32xf32>
    %select_n3A_583 = arith.select %and3A_578, %broadcast_in_dim3A_581, %broadcast_in_dim3A_582 : vector<512x32xi1>, vector<512x32xf32>
    %reduce_sum3A_584 = arith.constant dense<0.000000e+00> : vector<512xf32>
    %reduce_sum3A_585 = vector.multi_reduction <add>, %select_n3A_583, %reduce_sum3A_584 [1] : vector<512x32xf32> to vector<512xf32>
    %broadcast_in_dim3A_586 = vector.shape_cast %reduce_sum3A_585 : vector<512xf32> to vector<512x1xf32>
    %add3A_587 = arith.addf %broadcast_in_dim3A_572, %broadcast_in_dim3A_586 : vector<512x1xf32>
    %slice3A_588 = vector.extract_strided_slice %logistic3A_22 {offsets = [0, 22], sizes = [512, 1], strides = [1, 1]} : vector<512x1024xf32> to vector<512x1xf32>
    %gt3A_589 = vector.broadcast %slice3A_588 : vector<512x1xf32> to vector<512x1024xf32>
    %gt3A_590 = arith.cmpf ogt, %logistic3A_22, %gt3A_589 : vector<512x1024xf32>
    %jit3A_591 = arith.constant 1.000000e+00 : f32
    %jit3A_592 = arith.constant 0.000000e+00 : f32
    %broadcast_in_dim3A_593 = vector.broadcast %jit3A_591 : f32 to vector<512x1024xf32>
    %broadcast_in_dim3A_594 = vector.broadcast %jit3A_592 : f32 to vector<512x1024xf32>
    %select_n3A_595 = arith.select %gt3A_590, %broadcast_in_dim3A_593, %broadcast_in_dim3A_594 : vector<512x1024xi1>, vector<512x1024xf32>
    %reduce_sum3A_596 = arith.constant dense<0.000000e+00> : vector<512xf32>
    %reduce_sum3A_597 = vector.multi_reduction <add>, %select_n3A_595, %reduce_sum3A_596 [1] : vector<512x1024xf32> to vector<512xf32>
    %broadcast_in_dim3A_598 = vector.shape_cast %reduce_sum3A_597 : vector<512xf32> to vector<512x1xf32>
    %eq3A_599 = vector.broadcast %slice3A_588 : vector<512x1xf32> to vector<512x32xf32>
    %eq3A_600 = arith.cmpf oeq, %slice3A_23, %eq3A_599 : vector<512x32xf32>
    %lt3A_601 = arith.constant 22 : i32
    %lt3A_602 = vector.broadcast %lt3A_601 : i32 to vector<512x32xi32>
    %lt3A_603 = arith.cmpi slt, %iota3A, %lt3A_602 : vector<512x32xi32>
    %and3A_604 = arith.andi %eq3A_600, %lt3A_603 : vector<512x32xi1>
    %jit3A_605 = arith.constant 1.000000e+00 : f32
    %jit3A_606 = arith.constant 0.000000e+00 : f32
    %broadcast_in_dim3A_607 = vector.broadcast %jit3A_605 : f32 to vector<512x32xf32>
    %broadcast_in_dim3A_608 = vector.broadcast %jit3A_606 : f32 to vector<512x32xf32>
    %select_n3A_609 = arith.select %and3A_604, %broadcast_in_dim3A_607, %broadcast_in_dim3A_608 : vector<512x32xi1>, vector<512x32xf32>
    %reduce_sum3A_610 = arith.constant dense<0.000000e+00> : vector<512xf32>
    %reduce_sum3A_611 = vector.multi_reduction <add>, %select_n3A_609, %reduce_sum3A_610 [1] : vector<512x32xf32> to vector<512xf32>
    %broadcast_in_dim3A_612 = vector.shape_cast %reduce_sum3A_611 : vector<512xf32> to vector<512x1xf32>
    %add3A_613 = arith.addf %broadcast_in_dim3A_598, %broadcast_in_dim3A_612 : vector<512x1xf32>
    %slice3A_614 = vector.extract_strided_slice %logistic3A_22 {offsets = [0, 23], sizes = [512, 1], strides = [1, 1]} : vector<512x1024xf32> to vector<512x1xf32>
    %gt3A_615 = vector.broadcast %slice3A_614 : vector<512x1xf32> to vector<512x1024xf32>
    %gt3A_616 = arith.cmpf ogt, %logistic3A_22, %gt3A_615 : vector<512x1024xf32>
    %jit3A_617 = arith.constant 1.000000e+00 : f32
    %jit3A_618 = arith.constant 0.000000e+00 : f32
    %broadcast_in_dim3A_619 = vector.broadcast %jit3A_617 : f32 to vector<512x1024xf32>
    %broadcast_in_dim3A_620 = vector.broadcast %jit3A_618 : f32 to vector<512x1024xf32>
    %select_n3A_621 = arith.select %gt3A_616, %broadcast_in_dim3A_619, %broadcast_in_dim3A_620 : vector<512x1024xi1>, vector<512x1024xf32>
    %reduce_sum3A_622 = arith.constant dense<0.000000e+00> : vector<512xf32>
    %reduce_sum3A_623 = vector.multi_reduction <add>, %select_n3A_621, %reduce_sum3A_622 [1] : vector<512x1024xf32> to vector<512xf32>
    %broadcast_in_dim3A_624 = vector.shape_cast %reduce_sum3A_623 : vector<512xf32> to vector<512x1xf32>
    %eq3A_625 = vector.broadcast %slice3A_614 : vector<512x1xf32> to vector<512x32xf32>
    %eq3A_626 = arith.cmpf oeq, %slice3A_23, %eq3A_625 : vector<512x32xf32>
    %lt3A_627 = arith.constant 23 : i32
    %lt3A_628 = vector.broadcast %lt3A_627 : i32 to vector<512x32xi32>
    %lt3A_629 = arith.cmpi slt, %iota3A, %lt3A_628 : vector<512x32xi32>
    %and3A_630 = arith.andi %eq3A_626, %lt3A_629 : vector<512x32xi1>
    %jit3A_631 = arith.constant 1.000000e+00 : f32
    %jit3A_632 = arith.constant 0.000000e+00 : f32
    %broadcast_in_dim3A_633 = vector.broadcast %jit3A_631 : f32 to vector<512x32xf32>
    %broadcast_in_dim3A_634 = vector.broadcast %jit3A_632 : f32 to vector<512x32xf32>
    %select_n3A_635 = arith.select %and3A_630, %broadcast_in_dim3A_633, %broadcast_in_dim3A_634 : vector<512x32xi1>, vector<512x32xf32>
    %reduce_sum3A_636 = arith.constant dense<0.000000e+00> : vector<512xf32>
    %reduce_sum3A_637 = vector.multi_reduction <add>, %select_n3A_635, %reduce_sum3A_636 [1] : vector<512x32xf32> to vector<512xf32>
    %broadcast_in_dim3A_638 = vector.shape_cast %reduce_sum3A_637 : vector<512xf32> to vector<512x1xf32>
    %add3A_639 = arith.addf %broadcast_in_dim3A_624, %broadcast_in_dim3A_638 : vector<512x1xf32>
    %slice3A_640 = vector.extract_strided_slice %logistic3A_22 {offsets = [0, 24], sizes = [512, 1], strides = [1, 1]} : vector<512x1024xf32> to vector<512x1xf32>
    %gt3A_641 = vector.broadcast %slice3A_640 : vector<512x1xf32> to vector<512x1024xf32>
    %gt3A_642 = arith.cmpf ogt, %logistic3A_22, %gt3A_641 : vector<512x1024xf32>
    %jit3A_643 = arith.constant 1.000000e+00 : f32
    %jit3A_644 = arith.constant 0.000000e+00 : f32
    %broadcast_in_dim3A_645 = vector.broadcast %jit3A_643 : f32 to vector<512x1024xf32>
    %broadcast_in_dim3A_646 = vector.broadcast %jit3A_644 : f32 to vector<512x1024xf32>
    %select_n3A_647 = arith.select %gt3A_642, %broadcast_in_dim3A_645, %broadcast_in_dim3A_646 : vector<512x1024xi1>, vector<512x1024xf32>
    %reduce_sum3A_648 = arith.constant dense<0.000000e+00> : vector<512xf32>
    %reduce_sum3A_649 = vector.multi_reduction <add>, %select_n3A_647, %reduce_sum3A_648 [1] : vector<512x1024xf32> to vector<512xf32>
    %broadcast_in_dim3A_650 = vector.shape_cast %reduce_sum3A_649 : vector<512xf32> to vector<512x1xf32>
    %eq3A_651 = vector.broadcast %slice3A_640 : vector<512x1xf32> to vector<512x32xf32>
    %eq3A_652 = arith.cmpf oeq, %slice3A_23, %eq3A_651 : vector<512x32xf32>
    %lt3A_653 = arith.constant 24 : i32
    %lt3A_654 = vector.broadcast %lt3A_653 : i32 to vector<512x32xi32>
    %lt3A_655 = arith.cmpi slt, %iota3A, %lt3A_654 : vector<512x32xi32>
    %and3A_656 = arith.andi %eq3A_652, %lt3A_655 : vector<512x32xi1>
    %jit3A_657 = arith.constant 1.000000e+00 : f32
    %jit3A_658 = arith.constant 0.000000e+00 : f32
    %broadcast_in_dim3A_659 = vector.broadcast %jit3A_657 : f32 to vector<512x32xf32>
    %broadcast_in_dim3A_660 = vector.broadcast %jit3A_658 : f32 to vector<512x32xf32>
    %select_n3A_661 = arith.select %and3A_656, %broadcast_in_dim3A_659, %broadcast_in_dim3A_660 : vector<512x32xi1>, vector<512x32xf32>
    %reduce_sum3A_662 = arith.constant dense<0.000000e+00> : vector<512xf32>
    %reduce_sum3A_663 = vector.multi_reduction <add>, %select_n3A_661, %reduce_sum3A_662 [1] : vector<512x32xf32> to vector<512xf32>
    %broadcast_in_dim3A_664 = vector.shape_cast %reduce_sum3A_663 : vector<512xf32> to vector<512x1xf32>
    %add3A_665 = arith.addf %broadcast_in_dim3A_650, %broadcast_in_dim3A_664 : vector<512x1xf32>
    %slice3A_666 = vector.extract_strided_slice %logistic3A_22 {offsets = [0, 25], sizes = [512, 1], strides = [1, 1]} : vector<512x1024xf32> to vector<512x1xf32>
    %gt3A_667 = vector.broadcast %slice3A_666 : vector<512x1xf32> to vector<512x1024xf32>
    %gt3A_668 = arith.cmpf ogt, %logistic3A_22, %gt3A_667 : vector<512x1024xf32>
    %jit3A_669 = arith.constant 1.000000e+00 : f32
    %jit3A_670 = arith.constant 0.000000e+00 : f32
    %broadcast_in_dim3A_671 = vector.broadcast %jit3A_669 : f32 to vector<512x1024xf32>
    %broadcast_in_dim3A_672 = vector.broadcast %jit3A_670 : f32 to vector<512x1024xf32>
    %select_n3A_673 = arith.select %gt3A_668, %broadcast_in_dim3A_671, %broadcast_in_dim3A_672 : vector<512x1024xi1>, vector<512x1024xf32>
    %reduce_sum3A_674 = arith.constant dense<0.000000e+00> : vector<512xf32>
    %reduce_sum3A_675 = vector.multi_reduction <add>, %select_n3A_673, %reduce_sum3A_674 [1] : vector<512x1024xf32> to vector<512xf32>
    %broadcast_in_dim3A_676 = vector.shape_cast %reduce_sum3A_675 : vector<512xf32> to vector<512x1xf32>
    %eq3A_677 = vector.broadcast %slice3A_666 : vector<512x1xf32> to vector<512x32xf32>
    %eq3A_678 = arith.cmpf oeq, %slice3A_23, %eq3A_677 : vector<512x32xf32>
    %lt3A_679 = arith.constant 25 : i32
    %lt3A_680 = vector.broadcast %lt3A_679 : i32 to vector<512x32xi32>
    %lt3A_681 = arith.cmpi slt, %iota3A, %lt3A_680 : vector<512x32xi32>
    %and3A_682 = arith.andi %eq3A_678, %lt3A_681 : vector<512x32xi1>
    %jit3A_683 = arith.constant 1.000000e+00 : f32
    %jit3A_684 = arith.constant 0.000000e+00 : f32
    %broadcast_in_dim3A_685 = vector.broadcast %jit3A_683 : f32 to vector<512x32xf32>
    %broadcast_in_dim3A_686 = vector.broadcast %jit3A_684 : f32 to vector<512x32xf32>
    %select_n3A_687 = arith.select %and3A_682, %broadcast_in_dim3A_685, %broadcast_in_dim3A_686 : vector<512x32xi1>, vector<512x32xf32>
    %reduce_sum3A_688 = arith.constant dense<0.000000e+00> : vector<512xf32>
    %reduce_sum3A_689 = vector.multi_reduction <add>, %select_n3A_687, %reduce_sum3A_688 [1] : vector<512x32xf32> to vector<512xf32>
    %broadcast_in_dim3A_690 = vector.shape_cast %reduce_sum3A_689 : vector<512xf32> to vector<512x1xf32>
    %add3A_691 = arith.addf %broadcast_in_dim3A_676, %broadcast_in_dim3A_690 : vector<512x1xf32>
    %slice3A_692 = vector.extract_strided_slice %logistic3A_22 {offsets = [0, 26], sizes = [512, 1], strides = [1, 1]} : vector<512x1024xf32> to vector<512x1xf32>
    %gt3A_693 = vector.broadcast %slice3A_692 : vector<512x1xf32> to vector<512x1024xf32>
    %gt3A_694 = arith.cmpf ogt, %logistic3A_22, %gt3A_693 : vector<512x1024xf32>
    %jit3A_695 = arith.constant 1.000000e+00 : f32
    %jit3A_696 = arith.constant 0.000000e+00 : f32
    %broadcast_in_dim3A_697 = vector.broadcast %jit3A_695 : f32 to vector<512x1024xf32>
    %broadcast_in_dim3A_698 = vector.broadcast %jit3A_696 : f32 to vector<512x1024xf32>
    %select_n3A_699 = arith.select %gt3A_694, %broadcast_in_dim3A_697, %broadcast_in_dim3A_698 : vector<512x1024xi1>, vector<512x1024xf32>
    %reduce_sum3A_700 = arith.constant dense<0.000000e+00> : vector<512xf32>
    %reduce_sum3A_701 = vector.multi_reduction <add>, %select_n3A_699, %reduce_sum3A_700 [1] : vector<512x1024xf32> to vector<512xf32>
    %broadcast_in_dim3A_702 = vector.shape_cast %reduce_sum3A_701 : vector<512xf32> to vector<512x1xf32>
    %eq3A_703 = vector.broadcast %slice3A_692 : vector<512x1xf32> to vector<512x32xf32>
    %eq3A_704 = arith.cmpf oeq, %slice3A_23, %eq3A_703 : vector<512x32xf32>
    %lt3A_705 = arith.constant 26 : i32
    %lt3A_706 = vector.broadcast %lt3A_705 : i32 to vector<512x32xi32>
    %lt3A_707 = arith.cmpi slt, %iota3A, %lt3A_706 : vector<512x32xi32>
    %and3A_708 = arith.andi %eq3A_704, %lt3A_707 : vector<512x32xi1>
    %jit3A_709 = arith.constant 1.000000e+00 : f32
    %jit3A_710 = arith.constant 0.000000e+00 : f32
    %broadcast_in_dim3A_711 = vector.broadcast %jit3A_709 : f32 to vector<512x32xf32>
    %broadcast_in_dim3A_712 = vector.broadcast %jit3A_710 : f32 to vector<512x32xf32>
    %select_n3A_713 = arith.select %and3A_708, %broadcast_in_dim3A_711, %broadcast_in_dim3A_712 : vector<512x32xi1>, vector<512x32xf32>
    %reduce_sum3A_714 = arith.constant dense<0.000000e+00> : vector<512xf32>
    %reduce_sum3A_715 = vector.multi_reduction <add>, %select_n3A_713, %reduce_sum3A_714 [1] : vector<512x32xf32> to vector<512xf32>
    %broadcast_in_dim3A_716 = vector.shape_cast %reduce_sum3A_715 : vector<512xf32> to vector<512x1xf32>
    %add3A_717 = arith.addf %broadcast_in_dim3A_702, %broadcast_in_dim3A_716 : vector<512x1xf32>
    %slice3A_718 = vector.extract_strided_slice %logistic3A_22 {offsets = [0, 27], sizes = [512, 1], strides = [1, 1]} : vector<512x1024xf32> to vector<512x1xf32>
    %gt3A_719 = vector.broadcast %slice3A_718 : vector<512x1xf32> to vector<512x1024xf32>
    %gt3A_720 = arith.cmpf ogt, %logistic3A_22, %gt3A_719 : vector<512x1024xf32>
    %jit3A_721 = arith.constant 1.000000e+00 : f32
    %jit3A_722 = arith.constant 0.000000e+00 : f32
    %broadcast_in_dim3A_723 = vector.broadcast %jit3A_721 : f32 to vector<512x1024xf32>
    %broadcast_in_dim3A_724 = vector.broadcast %jit3A_722 : f32 to vector<512x1024xf32>
    %select_n3A_725 = arith.select %gt3A_720, %broadcast_in_dim3A_723, %broadcast_in_dim3A_724 : vector<512x1024xi1>, vector<512x1024xf32>
    %reduce_sum3A_726 = arith.constant dense<0.000000e+00> : vector<512xf32>
    %reduce_sum3A_727 = vector.multi_reduction <add>, %select_n3A_725, %reduce_sum3A_726 [1] : vector<512x1024xf32> to vector<512xf32>
    %broadcast_in_dim3A_728 = vector.shape_cast %reduce_sum3A_727 : vector<512xf32> to vector<512x1xf32>
    %eq3A_729 = vector.broadcast %slice3A_718 : vector<512x1xf32> to vector<512x32xf32>
    %eq3A_730 = arith.cmpf oeq, %slice3A_23, %eq3A_729 : vector<512x32xf32>
    %lt3A_731 = arith.constant 27 : i32
    %lt3A_732 = vector.broadcast %lt3A_731 : i32 to vector<512x32xi32>
    %lt3A_733 = arith.cmpi slt, %iota3A, %lt3A_732 : vector<512x32xi32>
    %and3A_734 = arith.andi %eq3A_730, %lt3A_733 : vector<512x32xi1>
    %jit3A_735 = arith.constant 1.000000e+00 : f32
    %jit3A_736 = arith.constant 0.000000e+00 : f32
    %broadcast_in_dim3A_737 = vector.broadcast %jit3A_735 : f32 to vector<512x32xf32>
    %broadcast_in_dim3A_738 = vector.broadcast %jit3A_736 : f32 to vector<512x32xf32>
    %select_n3A_739 = arith.select %and3A_734, %broadcast_in_dim3A_737, %broadcast_in_dim3A_738 : vector<512x32xi1>, vector<512x32xf32>
    %reduce_sum3A_740 = arith.constant dense<0.000000e+00> : vector<512xf32>
    %reduce_sum3A_741 = vector.multi_reduction <add>, %select_n3A_739, %reduce_sum3A_740 [1] : vector<512x32xf32> to vector<512xf32>
    %broadcast_in_dim3A_742 = vector.shape_cast %reduce_sum3A_741 : vector<512xf32> to vector<512x1xf32>
    %add3A_743 = arith.addf %broadcast_in_dim3A_728, %broadcast_in_dim3A_742 : vector<512x1xf32>
    %slice3A_744 = vector.extract_strided_slice %logistic3A_22 {offsets = [0, 28], sizes = [512, 1], strides = [1, 1]} : vector<512x1024xf32> to vector<512x1xf32>
    %gt3A_745 = vector.broadcast %slice3A_744 : vector<512x1xf32> to vector<512x1024xf32>
    %gt3A_746 = arith.cmpf ogt, %logistic3A_22, %gt3A_745 : vector<512x1024xf32>
    %jit3A_747 = arith.constant 1.000000e+00 : f32
    %jit3A_748 = arith.constant 0.000000e+00 : f32
    %broadcast_in_dim3A_749 = vector.broadcast %jit3A_747 : f32 to vector<512x1024xf32>
    %broadcast_in_dim3A_750 = vector.broadcast %jit3A_748 : f32 to vector<512x1024xf32>
    %select_n3A_751 = arith.select %gt3A_746, %broadcast_in_dim3A_749, %broadcast_in_dim3A_750 : vector<512x1024xi1>, vector<512x1024xf32>
    %reduce_sum3A_752 = arith.constant dense<0.000000e+00> : vector<512xf32>
    %reduce_sum3A_753 = vector.multi_reduction <add>, %select_n3A_751, %reduce_sum3A_752 [1] : vector<512x1024xf32> to vector<512xf32>
    %broadcast_in_dim3A_754 = vector.shape_cast %reduce_sum3A_753 : vector<512xf32> to vector<512x1xf32>
    %eq3A_755 = vector.broadcast %slice3A_744 : vector<512x1xf32> to vector<512x32xf32>
    %eq3A_756 = arith.cmpf oeq, %slice3A_23, %eq3A_755 : vector<512x32xf32>
    %lt3A_757 = arith.constant 28 : i32
    %lt3A_758 = vector.broadcast %lt3A_757 : i32 to vector<512x32xi32>
    %lt3A_759 = arith.cmpi slt, %iota3A, %lt3A_758 : vector<512x32xi32>
    %and3A_760 = arith.andi %eq3A_756, %lt3A_759 : vector<512x32xi1>
    %jit3A_761 = arith.constant 1.000000e+00 : f32
    %jit3A_762 = arith.constant 0.000000e+00 : f32
    %broadcast_in_dim3A_763 = vector.broadcast %jit3A_761 : f32 to vector<512x32xf32>
    %broadcast_in_dim3A_764 = vector.broadcast %jit3A_762 : f32 to vector<512x32xf32>
    %select_n3A_765 = arith.select %and3A_760, %broadcast_in_dim3A_763, %broadcast_in_dim3A_764 : vector<512x32xi1>, vector<512x32xf32>
    %reduce_sum3A_766 = arith.constant dense<0.000000e+00> : vector<512xf32>
    %reduce_sum3A_767 = vector.multi_reduction <add>, %select_n3A_765, %reduce_sum3A_766 [1] : vector<512x32xf32> to vector<512xf32>
    %broadcast_in_dim3A_768 = vector.shape_cast %reduce_sum3A_767 : vector<512xf32> to vector<512x1xf32>
    %add3A_769 = arith.addf %broadcast_in_dim3A_754, %broadcast_in_dim3A_768 : vector<512x1xf32>
    %slice3A_770 = vector.extract_strided_slice %logistic3A_22 {offsets = [0, 29], sizes = [512, 1], strides = [1, 1]} : vector<512x1024xf32> to vector<512x1xf32>
    %gt3A_771 = vector.broadcast %slice3A_770 : vector<512x1xf32> to vector<512x1024xf32>
    %gt3A_772 = arith.cmpf ogt, %logistic3A_22, %gt3A_771 : vector<512x1024xf32>
    %jit3A_773 = arith.constant 1.000000e+00 : f32
    %jit3A_774 = arith.constant 0.000000e+00 : f32
    %broadcast_in_dim3A_775 = vector.broadcast %jit3A_773 : f32 to vector<512x1024xf32>
    %broadcast_in_dim3A_776 = vector.broadcast %jit3A_774 : f32 to vector<512x1024xf32>
    %select_n3A_777 = arith.select %gt3A_772, %broadcast_in_dim3A_775, %broadcast_in_dim3A_776 : vector<512x1024xi1>, vector<512x1024xf32>
    %reduce_sum3A_778 = arith.constant dense<0.000000e+00> : vector<512xf32>
    %reduce_sum3A_779 = vector.multi_reduction <add>, %select_n3A_777, %reduce_sum3A_778 [1] : vector<512x1024xf32> to vector<512xf32>
    %broadcast_in_dim3A_780 = vector.shape_cast %reduce_sum3A_779 : vector<512xf32> to vector<512x1xf32>
    %eq3A_781 = vector.broadcast %slice3A_770 : vector<512x1xf32> to vector<512x32xf32>
    %eq3A_782 = arith.cmpf oeq, %slice3A_23, %eq3A_781 : vector<512x32xf32>
    %lt3A_783 = arith.constant 29 : i32
    %lt3A_784 = vector.broadcast %lt3A_783 : i32 to vector<512x32xi32>
    %lt3A_785 = arith.cmpi slt, %iota3A, %lt3A_784 : vector<512x32xi32>
    %and3A_786 = arith.andi %eq3A_782, %lt3A_785 : vector<512x32xi1>
    %jit3A_787 = arith.constant 1.000000e+00 : f32
    %jit3A_788 = arith.constant 0.000000e+00 : f32
    %broadcast_in_dim3A_789 = vector.broadcast %jit3A_787 : f32 to vector<512x32xf32>
    %broadcast_in_dim3A_790 = vector.broadcast %jit3A_788 : f32 to vector<512x32xf32>
    %select_n3A_791 = arith.select %and3A_786, %broadcast_in_dim3A_789, %broadcast_in_dim3A_790 : vector<512x32xi1>, vector<512x32xf32>
    %reduce_sum3A_792 = arith.constant dense<0.000000e+00> : vector<512xf32>
    %reduce_sum3A_793 = vector.multi_reduction <add>, %select_n3A_791, %reduce_sum3A_792 [1] : vector<512x32xf32> to vector<512xf32>
    %broadcast_in_dim3A_794 = vector.shape_cast %reduce_sum3A_793 : vector<512xf32> to vector<512x1xf32>
    %add3A_795 = arith.addf %broadcast_in_dim3A_780, %broadcast_in_dim3A_794 : vector<512x1xf32>
    %slice3A_796 = vector.extract_strided_slice %logistic3A_22 {offsets = [0, 30], sizes = [512, 1], strides = [1, 1]} : vector<512x1024xf32> to vector<512x1xf32>
    %gt3A_797 = vector.broadcast %slice3A_796 : vector<512x1xf32> to vector<512x1024xf32>
    %gt3A_798 = arith.cmpf ogt, %logistic3A_22, %gt3A_797 : vector<512x1024xf32>
    %jit3A_799 = arith.constant 1.000000e+00 : f32
    %jit3A_800 = arith.constant 0.000000e+00 : f32
    %broadcast_in_dim3A_801 = vector.broadcast %jit3A_799 : f32 to vector<512x1024xf32>
    %broadcast_in_dim3A_802 = vector.broadcast %jit3A_800 : f32 to vector<512x1024xf32>
    %select_n3A_803 = arith.select %gt3A_798, %broadcast_in_dim3A_801, %broadcast_in_dim3A_802 : vector<512x1024xi1>, vector<512x1024xf32>
    %reduce_sum3A_804 = arith.constant dense<0.000000e+00> : vector<512xf32>
    %reduce_sum3A_805 = vector.multi_reduction <add>, %select_n3A_803, %reduce_sum3A_804 [1] : vector<512x1024xf32> to vector<512xf32>
    %broadcast_in_dim3A_806 = vector.shape_cast %reduce_sum3A_805 : vector<512xf32> to vector<512x1xf32>
    %eq3A_807 = vector.broadcast %slice3A_796 : vector<512x1xf32> to vector<512x32xf32>
    %eq3A_808 = arith.cmpf oeq, %slice3A_23, %eq3A_807 : vector<512x32xf32>
    %lt3A_809 = arith.constant 30 : i32
    %lt3A_810 = vector.broadcast %lt3A_809 : i32 to vector<512x32xi32>
    %lt3A_811 = arith.cmpi slt, %iota3A, %lt3A_810 : vector<512x32xi32>
    %and3A_812 = arith.andi %eq3A_808, %lt3A_811 : vector<512x32xi1>
    %jit3A_813 = arith.constant 1.000000e+00 : f32
    %jit3A_814 = arith.constant 0.000000e+00 : f32
    %broadcast_in_dim3A_815 = vector.broadcast %jit3A_813 : f32 to vector<512x32xf32>
    %broadcast_in_dim3A_816 = vector.broadcast %jit3A_814 : f32 to vector<512x32xf32>
    %select_n3A_817 = arith.select %and3A_812, %broadcast_in_dim3A_815, %broadcast_in_dim3A_816 : vector<512x32xi1>, vector<512x32xf32>
    %reduce_sum3A_818 = arith.constant dense<0.000000e+00> : vector<512xf32>
    %reduce_sum3A_819 = vector.multi_reduction <add>, %select_n3A_817, %reduce_sum3A_818 [1] : vector<512x32xf32> to vector<512xf32>
    %broadcast_in_dim3A_820 = vector.shape_cast %reduce_sum3A_819 : vector<512xf32> to vector<512x1xf32>
    %add3A_821 = arith.addf %broadcast_in_dim3A_806, %broadcast_in_dim3A_820 : vector<512x1xf32>
    %slice3A_822 = vector.extract_strided_slice %logistic3A_22 {offsets = [0, 31], sizes = [512, 1], strides = [1, 1]} : vector<512x1024xf32> to vector<512x1xf32>
    %gt3A_823 = vector.broadcast %slice3A_822 : vector<512x1xf32> to vector<512x1024xf32>
    %gt3A_824 = arith.cmpf ogt, %logistic3A_22, %gt3A_823 : vector<512x1024xf32>
    %jit3A_825 = arith.constant 1.000000e+00 : f32
    %jit3A_826 = arith.constant 0.000000e+00 : f32
    %broadcast_in_dim3A_827 = vector.broadcast %jit3A_825 : f32 to vector<512x1024xf32>
    %broadcast_in_dim3A_828 = vector.broadcast %jit3A_826 : f32 to vector<512x1024xf32>
    %select_n3A_829 = arith.select %gt3A_824, %broadcast_in_dim3A_827, %broadcast_in_dim3A_828 : vector<512x1024xi1>, vector<512x1024xf32>
    %reduce_sum3A_830 = arith.constant dense<0.000000e+00> : vector<512xf32>
    %reduce_sum3A_831 = vector.multi_reduction <add>, %select_n3A_829, %reduce_sum3A_830 [1] : vector<512x1024xf32> to vector<512xf32>
    %broadcast_in_dim3A_832 = vector.shape_cast %reduce_sum3A_831 : vector<512xf32> to vector<512x1xf32>
    %eq3A_833 = vector.broadcast %slice3A_822 : vector<512x1xf32> to vector<512x32xf32>
    %eq3A_834 = arith.cmpf oeq, %slice3A_23, %eq3A_833 : vector<512x32xf32>
    %lt3A_835 = arith.constant 31 : i32
    %lt3A_836 = vector.broadcast %lt3A_835 : i32 to vector<512x32xi32>
    %lt3A_837 = arith.cmpi slt, %iota3A, %lt3A_836 : vector<512x32xi32>
    %and3A_838 = arith.andi %eq3A_834, %lt3A_837 : vector<512x32xi1>
    %jit3A_839 = arith.constant 1.000000e+00 : f32
    %jit3A_840 = arith.constant 0.000000e+00 : f32
    %broadcast_in_dim3A_841 = vector.broadcast %jit3A_839 : f32 to vector<512x32xf32>
    %broadcast_in_dim3A_842 = vector.broadcast %jit3A_840 : f32 to vector<512x32xf32>
    %select_n3A_843 = arith.select %and3A_838, %broadcast_in_dim3A_841, %broadcast_in_dim3A_842 : vector<512x32xi1>, vector<512x32xf32>
    %reduce_sum3A_844 = arith.constant dense<0.000000e+00> : vector<512xf32>
    %reduce_sum3A_845 = vector.multi_reduction <add>, %select_n3A_843, %reduce_sum3A_844 [1] : vector<512x32xf32> to vector<512xf32>
    %broadcast_in_dim3A_846 = vector.shape_cast %reduce_sum3A_845 : vector<512xf32> to vector<512x1xf32>
    %add3A_847 = arith.addf %broadcast_in_dim3A_832, %broadcast_in_dim3A_846 : vector<512x1xf32>
    %concatenate3A = tpu.concatenate %add3A, %add3A_67, %add3A_93, %add3A_119, %add3A_145, %add3A_171, %add3A_197, %add3A_223, %add3A_249, %add3A_275, %add3A_301, %add3A_327, %add3A_353, %add3A_379, %add3A_405, %add3A_431, %add3A_457, %add3A_483, %add3A_509, %add3A_535, %add3A_561, %add3A_587, %add3A_613, %add3A_639, %add3A_665, %add3A_691, %add3A_717, %add3A_743, %add3A_769, %add3A_795, %add3A_821, %add3A_847 in 1 : vector<512x1xf32>, vector<512x1xf32>, vector<512x1xf32>, vector<512x1xf32>, vector<512x1xf32>, vector<512x1xf32>, vector<512x1xf32>, vector<512x1xf32>, vector<512x1xf32>, vector<512x1xf32>, vector<512x1xf32>, vector<512x1xf32>, vector<512x1xf32>, vector<512x1xf32>, vector<512x1xf32>, vector<512x1xf32>, vector<512x1xf32>, vector<512x1xf32>, vector<512x1xf32>, vector<512x1xf32>, vector<512x1xf32>, vector<512x1xf32>, vector<512x1xf32>, vector<512x1xf32>, vector<512x1xf32>, vector<512x1xf32>, vector<512x1xf32>, vector<512x1xf32>, vector<512x1xf32>, vector<512x1xf32>, vector<512x1xf32>, vector<512x1xf32> -> vector<512x32xf32>
    %slice3A_848 = vector.extract_strided_slice %concatenate3A {offsets = [0, 0], sizes = [512, 1], strides = [1, 1]} : vector<512x32xf32> to vector<512x1xf32>
    %lt3A_849 = vector.broadcast %slice3A_848 : vector<512x1xf32> to vector<512x32xf32>
    %lt3A_850 = arith.cmpf olt, %concatenate3A, %lt3A_849 : vector<512x32xf32>
    %jit3A_851 = arith.constant 1.000000e+00 : f32
    %jit3A_852 = arith.constant 0.000000e+00 : f32
    %broadcast_in_dim3A_853 = vector.broadcast %jit3A_851 : f32 to vector<512x32xf32>
    %broadcast_in_dim3A_854 = vector.broadcast %jit3A_852 : f32 to vector<512x32xf32>
    %select_n3A_855 = arith.select %lt3A_850, %broadcast_in_dim3A_853, %broadcast_in_dim3A_854 : vector<512x32xi1>, vector<512x32xf32>
    %reduce_sum3A_856 = arith.constant dense<0.000000e+00> : vector<512xf32>
    %reduce_sum3A_857 = vector.multi_reduction <add>, %select_n3A_855, %reduce_sum3A_856 [1] : vector<512x32xf32> to vector<512xf32>
    %broadcast_in_dim3A_858 = vector.shape_cast %reduce_sum3A_857 : vector<512xf32> to vector<512x1xf32>
    %slice3A_859 = vector.extract_strided_slice %concatenate3A {offsets = [0, 1], sizes = [512, 1], strides = [1, 1]} : vector<512x32xf32> to vector<512x1xf32>
    %lt3A_860 = vector.broadcast %slice3A_859 : vector<512x1xf32> to vector<512x32xf32>
    %lt3A_861 = arith.cmpf olt, %concatenate3A, %lt3A_860 : vector<512x32xf32>
    %jit3A_862 = arith.constant 1.000000e+00 : f32
    %jit3A_863 = arith.constant 0.000000e+00 : f32
    %broadcast_in_dim3A_864 = vector.broadcast %jit3A_862 : f32 to vector<512x32xf32>
    %broadcast_in_dim3A_865 = vector.broadcast %jit3A_863 : f32 to vector<512x32xf32>
    %select_n3A_866 = arith.select %lt3A_861, %broadcast_in_dim3A_864, %broadcast_in_dim3A_865 : vector<512x32xi1>, vector<512x32xf32>
    %reduce_sum3A_867 = arith.constant dense<0.000000e+00> : vector<512xf32>
    %reduce_sum3A_868 = vector.multi_reduction <add>, %select_n3A_866, %reduce_sum3A_867 [1] : vector<512x32xf32> to vector<512xf32>
    %broadcast_in_dim3A_869 = vector.shape_cast %reduce_sum3A_868 : vector<512xf32> to vector<512x1xf32>
    %slice3A_870 = vector.extract_strided_slice %concatenate3A {offsets = [0, 2], sizes = [512, 1], strides = [1, 1]} : vector<512x32xf32> to vector<512x1xf32>
    %lt3A_871 = vector.broadcast %slice3A_870 : vector<512x1xf32> to vector<512x32xf32>
    %lt3A_872 = arith.cmpf olt, %concatenate3A, %lt3A_871 : vector<512x32xf32>
    %jit3A_873 = arith.constant 1.000000e+00 : f32
    %jit3A_874 = arith.constant 0.000000e+00 : f32
    %broadcast_in_dim3A_875 = vector.broadcast %jit3A_873 : f32 to vector<512x32xf32>
    %broadcast_in_dim3A_876 = vector.broadcast %jit3A_874 : f32 to vector<512x32xf32>
    %select_n3A_877 = arith.select %lt3A_872, %broadcast_in_dim3A_875, %broadcast_in_dim3A_876 : vector<512x32xi1>, vector<512x32xf32>
    %reduce_sum3A_878 = arith.constant dense<0.000000e+00> : vector<512xf32>
    %reduce_sum3A_879 = vector.multi_reduction <add>, %select_n3A_877, %reduce_sum3A_878 [1] : vector<512x32xf32> to vector<512xf32>
    %broadcast_in_dim3A_880 = vector.shape_cast %reduce_sum3A_879 : vector<512xf32> to vector<512x1xf32>
    %slice3A_881 = vector.extract_strided_slice %concatenate3A {offsets = [0, 3], sizes = [512, 1], strides = [1, 1]} : vector<512x32xf32> to vector<512x1xf32>
    %lt3A_882 = vector.broadcast %slice3A_881 : vector<512x1xf32> to vector<512x32xf32>
    %lt3A_883 = arith.cmpf olt, %concatenate3A, %lt3A_882 : vector<512x32xf32>
    %jit3A_884 = arith.constant 1.000000e+00 : f32
    %jit3A_885 = arith.constant 0.000000e+00 : f32
    %broadcast_in_dim3A_886 = vector.broadcast %jit3A_884 : f32 to vector<512x32xf32>
    %broadcast_in_dim3A_887 = vector.broadcast %jit3A_885 : f32 to vector<512x32xf32>
    %select_n3A_888 = arith.select %lt3A_883, %broadcast_in_dim3A_886, %broadcast_in_dim3A_887 : vector<512x32xi1>, vector<512x32xf32>
    %reduce_sum3A_889 = arith.constant dense<0.000000e+00> : vector<512xf32>
    %reduce_sum3A_890 = vector.multi_reduction <add>, %select_n3A_888, %reduce_sum3A_889 [1] : vector<512x32xf32> to vector<512xf32>
    %broadcast_in_dim3A_891 = vector.shape_cast %reduce_sum3A_890 : vector<512xf32> to vector<512x1xf32>
    %slice3A_892 = vector.extract_strided_slice %concatenate3A {offsets = [0, 4], sizes = [512, 1], strides = [1, 1]} : vector<512x32xf32> to vector<512x1xf32>
    %lt3A_893 = vector.broadcast %slice3A_892 : vector<512x1xf32> to vector<512x32xf32>
    %lt3A_894 = arith.cmpf olt, %concatenate3A, %lt3A_893 : vector<512x32xf32>
    %jit3A_895 = arith.constant 1.000000e+00 : f32
    %jit3A_896 = arith.constant 0.000000e+00 : f32
    %broadcast_in_dim3A_897 = vector.broadcast %jit3A_895 : f32 to vector<512x32xf32>
    %broadcast_in_dim3A_898 = vector.broadcast %jit3A_896 : f32 to vector<512x32xf32>
    %select_n3A_899 = arith.select %lt3A_894, %broadcast_in_dim3A_897, %broadcast_in_dim3A_898 : vector<512x32xi1>, vector<512x32xf32>
    %reduce_sum3A_900 = arith.constant dense<0.000000e+00> : vector<512xf32>
    %reduce_sum3A_901 = vector.multi_reduction <add>, %select_n3A_899, %reduce_sum3A_900 [1] : vector<512x32xf32> to vector<512xf32>
    %broadcast_in_dim3A_902 = vector.shape_cast %reduce_sum3A_901 : vector<512xf32> to vector<512x1xf32>
    %slice3A_903 = vector.extract_strided_slice %concatenate3A {offsets = [0, 5], sizes = [512, 1], strides = [1, 1]} : vector<512x32xf32> to vector<512x1xf32>
    %lt3A_904 = vector.broadcast %slice3A_903 : vector<512x1xf32> to vector<512x32xf32>
    %lt3A_905 = arith.cmpf olt, %concatenate3A, %lt3A_904 : vector<512x32xf32>
    %jit3A_906 = arith.constant 1.000000e+00 : f32
    %jit3A_907 = arith.constant 0.000000e+00 : f32
    %broadcast_in_dim3A_908 = vector.broadcast %jit3A_906 : f32 to vector<512x32xf32>
    %broadcast_in_dim3A_909 = vector.broadcast %jit3A_907 : f32 to vector<512x32xf32>
    %select_n3A_910 = arith.select %lt3A_905, %broadcast_in_dim3A_908, %broadcast_in_dim3A_909 : vector<512x32xi1>, vector<512x32xf32>
    %reduce_sum3A_911 = arith.constant dense<0.000000e+00> : vector<512xf32>
    %reduce_sum3A_912 = vector.multi_reduction <add>, %select_n3A_910, %reduce_sum3A_911 [1] : vector<512x32xf32> to vector<512xf32>
    %broadcast_in_dim3A_913 = vector.shape_cast %reduce_sum3A_912 : vector<512xf32> to vector<512x1xf32>
    %slice3A_914 = vector.extract_strided_slice %concatenate3A {offsets = [0, 6], sizes = [512, 1], strides = [1, 1]} : vector<512x32xf32> to vector<512x1xf32>
    %lt3A_915 = vector.broadcast %slice3A_914 : vector<512x1xf32> to vector<512x32xf32>
    %lt3A_916 = arith.cmpf olt, %concatenate3A, %lt3A_915 : vector<512x32xf32>
    %jit3A_917 = arith.constant 1.000000e+00 : f32
    %jit3A_918 = arith.constant 0.000000e+00 : f32
    %broadcast_in_dim3A_919 = vector.broadcast %jit3A_917 : f32 to vector<512x32xf32>
    %broadcast_in_dim3A_920 = vector.broadcast %jit3A_918 : f32 to vector<512x32xf32>
    %select_n3A_921 = arith.select %lt3A_916, %broadcast_in_dim3A_919, %broadcast_in_dim3A_920 : vector<512x32xi1>, vector<512x32xf32>
    %reduce_sum3A_922 = arith.constant dense<0.000000e+00> : vector<512xf32>
    %reduce_sum3A_923 = vector.multi_reduction <add>, %select_n3A_921, %reduce_sum3A_922 [1] : vector<512x32xf32> to vector<512xf32>
    %broadcast_in_dim3A_924 = vector.shape_cast %reduce_sum3A_923 : vector<512xf32> to vector<512x1xf32>
    %slice3A_925 = vector.extract_strided_slice %concatenate3A {offsets = [0, 7], sizes = [512, 1], strides = [1, 1]} : vector<512x32xf32> to vector<512x1xf32>
    %lt3A_926 = vector.broadcast %slice3A_925 : vector<512x1xf32> to vector<512x32xf32>
    %lt3A_927 = arith.cmpf olt, %concatenate3A, %lt3A_926 : vector<512x32xf32>
    %jit3A_928 = arith.constant 1.000000e+00 : f32
    %jit3A_929 = arith.constant 0.000000e+00 : f32
    %broadcast_in_dim3A_930 = vector.broadcast %jit3A_928 : f32 to vector<512x32xf32>
    %broadcast_in_dim3A_931 = vector.broadcast %jit3A_929 : f32 to vector<512x32xf32>
    %select_n3A_932 = arith.select %lt3A_927, %broadcast_in_dim3A_930, %broadcast_in_dim3A_931 : vector<512x32xi1>, vector<512x32xf32>
    %reduce_sum3A_933 = arith.constant dense<0.000000e+00> : vector<512xf32>
    %reduce_sum3A_934 = vector.multi_reduction <add>, %select_n3A_932, %reduce_sum3A_933 [1] : vector<512x32xf32> to vector<512xf32>
    %broadcast_in_dim3A_935 = vector.shape_cast %reduce_sum3A_934 : vector<512xf32> to vector<512x1xf32>
    %slice3A_936 = vector.extract_strided_slice %concatenate3A {offsets = [0, 8], sizes = [512, 1], strides = [1, 1]} : vector<512x32xf32> to vector<512x1xf32>
    %lt3A_937 = vector.broadcast %slice3A_936 : vector<512x1xf32> to vector<512x32xf32>
    %lt3A_938 = arith.cmpf olt, %concatenate3A, %lt3A_937 : vector<512x32xf32>
    %jit3A_939 = arith.constant 1.000000e+00 : f32
    %jit3A_940 = arith.constant 0.000000e+00 : f32
    %broadcast_in_dim3A_941 = vector.broadcast %jit3A_939 : f32 to vector<512x32xf32>
    %broadcast_in_dim3A_942 = vector.broadcast %jit3A_940 : f32 to vector<512x32xf32>
    %select_n3A_943 = arith.select %lt3A_938, %broadcast_in_dim3A_941, %broadcast_in_dim3A_942 : vector<512x32xi1>, vector<512x32xf32>
    %reduce_sum3A_944 = arith.constant dense<0.000000e+00> : vector<512xf32>
    %reduce_sum3A_945 = vector.multi_reduction <add>, %select_n3A_943, %reduce_sum3A_944 [1] : vector<512x32xf32> to vector<512xf32>
    %broadcast_in_dim3A_946 = vector.shape_cast %reduce_sum3A_945 : vector<512xf32> to vector<512x1xf32>
    %slice3A_947 = vector.extract_strided_slice %concatenate3A {offsets = [0, 9], sizes = [512, 1], strides = [1, 1]} : vector<512x32xf32> to vector<512x1xf32>
    %lt3A_948 = vector.broadcast %slice3A_947 : vector<512x1xf32> to vector<512x32xf32>
    %lt3A_949 = arith.cmpf olt, %concatenate3A, %lt3A_948 : vector<512x32xf32>
    %jit3A_950 = arith.constant 1.000000e+00 : f32
    %jit3A_951 = arith.constant 0.000000e+00 : f32
    %broadcast_in_dim3A_952 = vector.broadcast %jit3A_950 : f32 to vector<512x32xf32>
    %broadcast_in_dim3A_953 = vector.broadcast %jit3A_951 : f32 to vector<512x32xf32>
    %select_n3A_954 = arith.select %lt3A_949, %broadcast_in_dim3A_952, %broadcast_in_dim3A_953 : vector<512x32xi1>, vector<512x32xf32>
    %reduce_sum3A_955 = arith.constant dense<0.000000e+00> : vector<512xf32>
    %reduce_sum3A_956 = vector.multi_reduction <add>, %select_n3A_954, %reduce_sum3A_955 [1] : vector<512x32xf32> to vector<512xf32>
    %broadcast_in_dim3A_957 = vector.shape_cast %reduce_sum3A_956 : vector<512xf32> to vector<512x1xf32>
    %slice3A_958 = vector.extract_strided_slice %concatenate3A {offsets = [0, 10], sizes = [512, 1], strides = [1, 1]} : vector<512x32xf32> to vector<512x1xf32>
    %lt3A_959 = vector.broadcast %slice3A_958 : vector<512x1xf32> to vector<512x32xf32>
    %lt3A_960 = arith.cmpf olt, %concatenate3A, %lt3A_959 : vector<512x32xf32>
    %jit3A_961 = arith.constant 1.000000e+00 : f32
    %jit3A_962 = arith.constant 0.000000e+00 : f32
    %broadcast_in_dim3A_963 = vector.broadcast %jit3A_961 : f32 to vector<512x32xf32>
    %broadcast_in_dim3A_964 = vector.broadcast %jit3A_962 : f32 to vector<512x32xf32>
    %select_n3A_965 = arith.select %lt3A_960, %broadcast_in_dim3A_963, %broadcast_in_dim3A_964 : vector<512x32xi1>, vector<512x32xf32>
    %reduce_sum3A_966 = arith.constant dense<0.000000e+00> : vector<512xf32>
    %reduce_sum3A_967 = vector.multi_reduction <add>, %select_n3A_965, %reduce_sum3A_966 [1] : vector<512x32xf32> to vector<512xf32>
    %broadcast_in_dim3A_968 = vector.shape_cast %reduce_sum3A_967 : vector<512xf32> to vector<512x1xf32>
    %slice3A_969 = vector.extract_strided_slice %concatenate3A {offsets = [0, 11], sizes = [512, 1], strides = [1, 1]} : vector<512x32xf32> to vector<512x1xf32>
    %lt3A_970 = vector.broadcast %slice3A_969 : vector<512x1xf32> to vector<512x32xf32>
    %lt3A_971 = arith.cmpf olt, %concatenate3A, %lt3A_970 : vector<512x32xf32>
    %jit3A_972 = arith.constant 1.000000e+00 : f32
    %jit3A_973 = arith.constant 0.000000e+00 : f32
    %broadcast_in_dim3A_974 = vector.broadcast %jit3A_972 : f32 to vector<512x32xf32>
    %broadcast_in_dim3A_975 = vector.broadcast %jit3A_973 : f32 to vector<512x32xf32>
    %select_n3A_976 = arith.select %lt3A_971, %broadcast_in_dim3A_974, %broadcast_in_dim3A_975 : vector<512x32xi1>, vector<512x32xf32>
    %reduce_sum3A_977 = arith.constant dense<0.000000e+00> : vector<512xf32>
    %reduce_sum3A_978 = vector.multi_reduction <add>, %select_n3A_976, %reduce_sum3A_977 [1] : vector<512x32xf32> to vector<512xf32>
    %broadcast_in_dim3A_979 = vector.shape_cast %reduce_sum3A_978 : vector<512xf32> to vector<512x1xf32>
    %slice3A_980 = vector.extract_strided_slice %concatenate3A {offsets = [0, 12], sizes = [512, 1], strides = [1, 1]} : vector<512x32xf32> to vector<512x1xf32>
    %lt3A_981 = vector.broadcast %slice3A_980 : vector<512x1xf32> to vector<512x32xf32>
    %lt3A_982 = arith.cmpf olt, %concatenate3A, %lt3A_981 : vector<512x32xf32>
    %jit3A_983 = arith.constant 1.000000e+00 : f32
    %jit3A_984 = arith.constant 0.000000e+00 : f32
    %broadcast_in_dim3A_985 = vector.broadcast %jit3A_983 : f32 to vector<512x32xf32>
    %broadcast_in_dim3A_986 = vector.broadcast %jit3A_984 : f32 to vector<512x32xf32>
    %select_n3A_987 = arith.select %lt3A_982, %broadcast_in_dim3A_985, %broadcast_in_dim3A_986 : vector<512x32xi1>, vector<512x32xf32>
    %reduce_sum3A_988 = arith.constant dense<0.000000e+00> : vector<512xf32>
    %reduce_sum3A_989 = vector.multi_reduction <add>, %select_n3A_987, %reduce_sum3A_988 [1] : vector<512x32xf32> to vector<512xf32>
    %broadcast_in_dim3A_990 = vector.shape_cast %reduce_sum3A_989 : vector<512xf32> to vector<512x1xf32>
    %slice3A_991 = vector.extract_strided_slice %concatenate3A {offsets = [0, 13], sizes = [512, 1], strides = [1, 1]} : vector<512x32xf32> to vector<512x1xf32>
    %lt3A_992 = vector.broadcast %slice3A_991 : vector<512x1xf32> to vector<512x32xf32>
    %lt3A_993 = arith.cmpf olt, %concatenate3A, %lt3A_992 : vector<512x32xf32>
    %jit3A_994 = arith.constant 1.000000e+00 : f32
    %jit3A_995 = arith.constant 0.000000e+00 : f32
    %broadcast_in_dim3A_996 = vector.broadcast %jit3A_994 : f32 to vector<512x32xf32>
    %broadcast_in_dim3A_997 = vector.broadcast %jit3A_995 : f32 to vector<512x32xf32>
    %select_n3A_998 = arith.select %lt3A_993, %broadcast_in_dim3A_996, %broadcast_in_dim3A_997 : vector<512x32xi1>, vector<512x32xf32>
    %reduce_sum3A_999 = arith.constant dense<0.000000e+00> : vector<512xf32>
    %reduce_sum3A_1000 = vector.multi_reduction <add>, %select_n3A_998, %reduce_sum3A_999 [1] : vector<512x32xf32> to vector<512xf32>
    %broadcast_in_dim3A_1001 = vector.shape_cast %reduce_sum3A_1000 : vector<512xf32> to vector<512x1xf32>
    %slice3A_1002 = vector.extract_strided_slice %concatenate3A {offsets = [0, 14], sizes = [512, 1], strides = [1, 1]} : vector<512x32xf32> to vector<512x1xf32>
    %lt3A_1003 = vector.broadcast %slice3A_1002 : vector<512x1xf32> to vector<512x32xf32>
    %lt3A_1004 = arith.cmpf olt, %concatenate3A, %lt3A_1003 : vector<512x32xf32>
    %jit3A_1005 = arith.constant 1.000000e+00 : f32
    %jit3A_1006 = arith.constant 0.000000e+00 : f32
    %broadcast_in_dim3A_1007 = vector.broadcast %jit3A_1005 : f32 to vector<512x32xf32>
    %broadcast_in_dim3A_1008 = vector.broadcast %jit3A_1006 : f32 to vector<512x32xf32>
    %select_n3A_1009 = arith.select %lt3A_1004, %broadcast_in_dim3A_1007, %broadcast_in_dim3A_1008 : vector<512x32xi1>, vector<512x32xf32>
    %reduce_sum3A_1010 = arith.constant dense<0.000000e+00> : vector<512xf32>
    %reduce_sum3A_1011 = vector.multi_reduction <add>, %select_n3A_1009, %reduce_sum3A_1010 [1] : vector<512x32xf32> to vector<512xf32>
    %broadcast_in_dim3A_1012 = vector.shape_cast %reduce_sum3A_1011 : vector<512xf32> to vector<512x1xf32>
    %slice3A_1013 = vector.extract_strided_slice %concatenate3A {offsets = [0, 15], sizes = [512, 1], strides = [1, 1]} : vector<512x32xf32> to vector<512x1xf32>
    %lt3A_1014 = vector.broadcast %slice3A_1013 : vector<512x1xf32> to vector<512x32xf32>
    %lt3A_1015 = arith.cmpf olt, %concatenate3A, %lt3A_1014 : vector<512x32xf32>
    %jit3A_1016 = arith.constant 1.000000e+00 : f32
    %jit3A_1017 = arith.constant 0.000000e+00 : f32
    %broadcast_in_dim3A_1018 = vector.broadcast %jit3A_1016 : f32 to vector<512x32xf32>
    %broadcast_in_dim3A_1019 = vector.broadcast %jit3A_1017 : f32 to vector<512x32xf32>
    %select_n3A_1020 = arith.select %lt3A_1015, %broadcast_in_dim3A_1018, %broadcast_in_dim3A_1019 : vector<512x32xi1>, vector<512x32xf32>
    %reduce_sum3A_1021 = arith.constant dense<0.000000e+00> : vector<512xf32>
    %reduce_sum3A_1022 = vector.multi_reduction <add>, %select_n3A_1020, %reduce_sum3A_1021 [1] : vector<512x32xf32> to vector<512xf32>
    %broadcast_in_dim3A_1023 = vector.shape_cast %reduce_sum3A_1022 : vector<512xf32> to vector<512x1xf32>
    %slice3A_1024 = vector.extract_strided_slice %concatenate3A {offsets = [0, 16], sizes = [512, 1], strides = [1, 1]} : vector<512x32xf32> to vector<512x1xf32>
    %lt3A_1025 = vector.broadcast %slice3A_1024 : vector<512x1xf32> to vector<512x32xf32>
    %lt3A_1026 = arith.cmpf olt, %concatenate3A, %lt3A_1025 : vector<512x32xf32>
    %jit3A_1027 = arith.constant 1.000000e+00 : f32
    %jit3A_1028 = arith.constant 0.000000e+00 : f32
    %broadcast_in_dim3A_1029 = vector.broadcast %jit3A_1027 : f32 to vector<512x32xf32>
    %broadcast_in_dim3A_1030 = vector.broadcast %jit3A_1028 : f32 to vector<512x32xf32>
    %select_n3A_1031 = arith.select %lt3A_1026, %broadcast_in_dim3A_1029, %broadcast_in_dim3A_1030 : vector<512x32xi1>, vector<512x32xf32>
    %reduce_sum3A_1032 = arith.constant dense<0.000000e+00> : vector<512xf32>
    %reduce_sum3A_1033 = vector.multi_reduction <add>, %select_n3A_1031, %reduce_sum3A_1032 [1] : vector<512x32xf32> to vector<512xf32>
    %broadcast_in_dim3A_1034 = vector.shape_cast %reduce_sum3A_1033 : vector<512xf32> to vector<512x1xf32>
    %slice3A_1035 = vector.extract_strided_slice %concatenate3A {offsets = [0, 17], sizes = [512, 1], strides = [1, 1]} : vector<512x32xf32> to vector<512x1xf32>
    %lt3A_1036 = vector.broadcast %slice3A_1035 : vector<512x1xf32> to vector<512x32xf32>
    %lt3A_1037 = arith.cmpf olt, %concatenate3A, %lt3A_1036 : vector<512x32xf32>
    %jit3A_1038 = arith.constant 1.000000e+00 : f32
    %jit3A_1039 = arith.constant 0.000000e+00 : f32
    %broadcast_in_dim3A_1040 = vector.broadcast %jit3A_1038 : f32 to vector<512x32xf32>
    %broadcast_in_dim3A_1041 = vector.broadcast %jit3A_1039 : f32 to vector<512x32xf32>
    %select_n3A_1042 = arith.select %lt3A_1037, %broadcast_in_dim3A_1040, %broadcast_in_dim3A_1041 : vector<512x32xi1>, vector<512x32xf32>
    %reduce_sum3A_1043 = arith.constant dense<0.000000e+00> : vector<512xf32>
    %reduce_sum3A_1044 = vector.multi_reduction <add>, %select_n3A_1042, %reduce_sum3A_1043 [1] : vector<512x32xf32> to vector<512xf32>
    %broadcast_in_dim3A_1045 = vector.shape_cast %reduce_sum3A_1044 : vector<512xf32> to vector<512x1xf32>
    %slice3A_1046 = vector.extract_strided_slice %concatenate3A {offsets = [0, 18], sizes = [512, 1], strides = [1, 1]} : vector<512x32xf32> to vector<512x1xf32>
    %lt3A_1047 = vector.broadcast %slice3A_1046 : vector<512x1xf32> to vector<512x32xf32>
    %lt3A_1048 = arith.cmpf olt, %concatenate3A, %lt3A_1047 : vector<512x32xf32>
    %jit3A_1049 = arith.constant 1.000000e+00 : f32
    %jit3A_1050 = arith.constant 0.000000e+00 : f32
    %broadcast_in_dim3A_1051 = vector.broadcast %jit3A_1049 : f32 to vector<512x32xf32>
    %broadcast_in_dim3A_1052 = vector.broadcast %jit3A_1050 : f32 to vector<512x32xf32>
    %select_n3A_1053 = arith.select %lt3A_1048, %broadcast_in_dim3A_1051, %broadcast_in_dim3A_1052 : vector<512x32xi1>, vector<512x32xf32>
    %reduce_sum3A_1054 = arith.constant dense<0.000000e+00> : vector<512xf32>
    %reduce_sum3A_1055 = vector.multi_reduction <add>, %select_n3A_1053, %reduce_sum3A_1054 [1] : vector<512x32xf32> to vector<512xf32>
    %broadcast_in_dim3A_1056 = vector.shape_cast %reduce_sum3A_1055 : vector<512xf32> to vector<512x1xf32>
    %slice3A_1057 = vector.extract_strided_slice %concatenate3A {offsets = [0, 19], sizes = [512, 1], strides = [1, 1]} : vector<512x32xf32> to vector<512x1xf32>
    %lt3A_1058 = vector.broadcast %slice3A_1057 : vector<512x1xf32> to vector<512x32xf32>
    %lt3A_1059 = arith.cmpf olt, %concatenate3A, %lt3A_1058 : vector<512x32xf32>
    %jit3A_1060 = arith.constant 1.000000e+00 : f32
    %jit3A_1061 = arith.constant 0.000000e+00 : f32
    %broadcast_in_dim3A_1062 = vector.broadcast %jit3A_1060 : f32 to vector<512x32xf32>
    %broadcast_in_dim3A_1063 = vector.broadcast %jit3A_1061 : f32 to vector<512x32xf32>
    %select_n3A_1064 = arith.select %lt3A_1059, %broadcast_in_dim3A_1062, %broadcast_in_dim3A_1063 : vector<512x32xi1>, vector<512x32xf32>
    %reduce_sum3A_1065 = arith.constant dense<0.000000e+00> : vector<512xf32>
    %reduce_sum3A_1066 = vector.multi_reduction <add>, %select_n3A_1064, %reduce_sum3A_1065 [1] : vector<512x32xf32> to vector<512xf32>
    %broadcast_in_dim3A_1067 = vector.shape_cast %reduce_sum3A_1066 : vector<512xf32> to vector<512x1xf32>
    %slice3A_1068 = vector.extract_strided_slice %concatenate3A {offsets = [0, 20], sizes = [512, 1], strides = [1, 1]} : vector<512x32xf32> to vector<512x1xf32>
    %lt3A_1069 = vector.broadcast %slice3A_1068 : vector<512x1xf32> to vector<512x32xf32>
    %lt3A_1070 = arith.cmpf olt, %concatenate3A, %lt3A_1069 : vector<512x32xf32>
    %jit3A_1071 = arith.constant 1.000000e+00 : f32
    %jit3A_1072 = arith.constant 0.000000e+00 : f32
    %broadcast_in_dim3A_1073 = vector.broadcast %jit3A_1071 : f32 to vector<512x32xf32>
    %broadcast_in_dim3A_1074 = vector.broadcast %jit3A_1072 : f32 to vector<512x32xf32>
    %select_n3A_1075 = arith.select %lt3A_1070, %broadcast_in_dim3A_1073, %broadcast_in_dim3A_1074 : vector<512x32xi1>, vector<512x32xf32>
    %reduce_sum3A_1076 = arith.constant dense<0.000000e+00> : vector<512xf32>
    %reduce_sum3A_1077 = vector.multi_reduction <add>, %select_n3A_1075, %reduce_sum3A_1076 [1] : vector<512x32xf32> to vector<512xf32>
    %broadcast_in_dim3A_1078 = vector.shape_cast %reduce_sum3A_1077 : vector<512xf32> to vector<512x1xf32>
    %slice3A_1079 = vector.extract_strided_slice %concatenate3A {offsets = [0, 21], sizes = [512, 1], strides = [1, 1]} : vector<512x32xf32> to vector<512x1xf32>
    %lt3A_1080 = vector.broadcast %slice3A_1079 : vector<512x1xf32> to vector<512x32xf32>
    %lt3A_1081 = arith.cmpf olt, %concatenate3A, %lt3A_1080 : vector<512x32xf32>
    %jit3A_1082 = arith.constant 1.000000e+00 : f32
    %jit3A_1083 = arith.constant 0.000000e+00 : f32
    %broadcast_in_dim3A_1084 = vector.broadcast %jit3A_1082 : f32 to vector<512x32xf32>
    %broadcast_in_dim3A_1085 = vector.broadcast %jit3A_1083 : f32 to vector<512x32xf32>
    %select_n3A_1086 = arith.select %lt3A_1081, %broadcast_in_dim3A_1084, %broadcast_in_dim3A_1085 : vector<512x32xi1>, vector<512x32xf32>
    %reduce_sum3A_1087 = arith.constant dense<0.000000e+00> : vector<512xf32>
    %reduce_sum3A_1088 = vector.multi_reduction <add>, %select_n3A_1086, %reduce_sum3A_1087 [1] : vector<512x32xf32> to vector<512xf32>
    %broadcast_in_dim3A_1089 = vector.shape_cast %reduce_sum3A_1088 : vector<512xf32> to vector<512x1xf32>
    %slice3A_1090 = vector.extract_strided_slice %concatenate3A {offsets = [0, 22], sizes = [512, 1], strides = [1, 1]} : vector<512x32xf32> to vector<512x1xf32>
    %lt3A_1091 = vector.broadcast %slice3A_1090 : vector<512x1xf32> to vector<512x32xf32>
    %lt3A_1092 = arith.cmpf olt, %concatenate3A, %lt3A_1091 : vector<512x32xf32>
    %jit3A_1093 = arith.constant 1.000000e+00 : f32
    %jit3A_1094 = arith.constant 0.000000e+00 : f32
    %broadcast_in_dim3A_1095 = vector.broadcast %jit3A_1093 : f32 to vector<512x32xf32>
    %broadcast_in_dim3A_1096 = vector.broadcast %jit3A_1094 : f32 to vector<512x32xf32>
    %select_n3A_1097 = arith.select %lt3A_1092, %broadcast_in_dim3A_1095, %broadcast_in_dim3A_1096 : vector<512x32xi1>, vector<512x32xf32>
    %reduce_sum3A_1098 = arith.constant dense<0.000000e+00> : vector<512xf32>
    %reduce_sum3A_1099 = vector.multi_reduction <add>, %select_n3A_1097, %reduce_sum3A_1098 [1] : vector<512x32xf32> to vector<512xf32>
    %broadcast_in_dim3A_1100 = vector.shape_cast %reduce_sum3A_1099 : vector<512xf32> to vector<512x1xf32>
    %slice3A_1101 = vector.extract_strided_slice %concatenate3A {offsets = [0, 23], sizes = [512, 1], strides = [1, 1]} : vector<512x32xf32> to vector<512x1xf32>
    %lt3A_1102 = vector.broadcast %slice3A_1101 : vector<512x1xf32> to vector<512x32xf32>
    %lt3A_1103 = arith.cmpf olt, %concatenate3A, %lt3A_1102 : vector<512x32xf32>
    %jit3A_1104 = arith.constant 1.000000e+00 : f32
    %jit3A_1105 = arith.constant 0.000000e+00 : f32
    %broadcast_in_dim3A_1106 = vector.broadcast %jit3A_1104 : f32 to vector<512x32xf32>
    %broadcast_in_dim3A_1107 = vector.broadcast %jit3A_1105 : f32 to vector<512x32xf32>
    %select_n3A_1108 = arith.select %lt3A_1103, %broadcast_in_dim3A_1106, %broadcast_in_dim3A_1107 : vector<512x32xi1>, vector<512x32xf32>
    %reduce_sum3A_1109 = arith.constant dense<0.000000e+00> : vector<512xf32>
    %reduce_sum3A_1110 = vector.multi_reduction <add>, %select_n3A_1108, %reduce_sum3A_1109 [1] : vector<512x32xf32> to vector<512xf32>
    %broadcast_in_dim3A_1111 = vector.shape_cast %reduce_sum3A_1110 : vector<512xf32> to vector<512x1xf32>
    %slice3A_1112 = vector.extract_strided_slice %concatenate3A {offsets = [0, 24], sizes = [512, 1], strides = [1, 1]} : vector<512x32xf32> to vector<512x1xf32>
    %lt3A_1113 = vector.broadcast %slice3A_1112 : vector<512x1xf32> to vector<512x32xf32>
    %lt3A_1114 = arith.cmpf olt, %concatenate3A, %lt3A_1113 : vector<512x32xf32>
    %jit3A_1115 = arith.constant 1.000000e+00 : f32
    %jit3A_1116 = arith.constant 0.000000e+00 : f32
    %broadcast_in_dim3A_1117 = vector.broadcast %jit3A_1115 : f32 to vector<512x32xf32>
    %broadcast_in_dim3A_1118 = vector.broadcast %jit3A_1116 : f32 to vector<512x32xf32>
    %select_n3A_1119 = arith.select %lt3A_1114, %broadcast_in_dim3A_1117, %broadcast_in_dim3A_1118 : vector<512x32xi1>, vector<512x32xf32>
    %reduce_sum3A_1120 = arith.constant dense<0.000000e+00> : vector<512xf32>
    %reduce_sum3A_1121 = vector.multi_reduction <add>, %select_n3A_1119, %reduce_sum3A_1120 [1] : vector<512x32xf32> to vector<512xf32>
    %broadcast_in_dim3A_1122 = vector.shape_cast %reduce_sum3A_1121 : vector<512xf32> to vector<512x1xf32>
    %slice3A_1123 = vector.extract_strided_slice %concatenate3A {offsets = [0, 25], sizes = [512, 1], strides = [1, 1]} : vector<512x32xf32> to vector<512x1xf32>
    %lt3A_1124 = vector.broadcast %slice3A_1123 : vector<512x1xf32> to vector<512x32xf32>
    %lt3A_1125 = arith.cmpf olt, %concatenate3A, %lt3A_1124 : vector<512x32xf32>
    %jit3A_1126 = arith.constant 1.000000e+00 : f32
    %jit3A_1127 = arith.constant 0.000000e+00 : f32
    %broadcast_in_dim3A_1128 = vector.broadcast %jit3A_1126 : f32 to vector<512x32xf32>
    %broadcast_in_dim3A_1129 = vector.broadcast %jit3A_1127 : f32 to vector<512x32xf32>
    %select_n3A_1130 = arith.select %lt3A_1125, %broadcast_in_dim3A_1128, %broadcast_in_dim3A_1129 : vector<512x32xi1>, vector<512x32xf32>
    %reduce_sum3A_1131 = arith.constant dense<0.000000e+00> : vector<512xf32>
    %reduce_sum3A_1132 = vector.multi_reduction <add>, %select_n3A_1130, %reduce_sum3A_1131 [1] : vector<512x32xf32> to vector<512xf32>
    %broadcast_in_dim3A_1133 = vector.shape_cast %reduce_sum3A_1132 : vector<512xf32> to vector<512x1xf32>
    %slice3A_1134 = vector.extract_strided_slice %concatenate3A {offsets = [0, 26], sizes = [512, 1], strides = [1, 1]} : vector<512x32xf32> to vector<512x1xf32>
    %lt3A_1135 = vector.broadcast %slice3A_1134 : vector<512x1xf32> to vector<512x32xf32>
    %lt3A_1136 = arith.cmpf olt, %concatenate3A, %lt3A_1135 : vector<512x32xf32>
    %jit3A_1137 = arith.constant 1.000000e+00 : f32
    %jit3A_1138 = arith.constant 0.000000e+00 : f32
    %broadcast_in_dim3A_1139 = vector.broadcast %jit3A_1137 : f32 to vector<512x32xf32>
    %broadcast_in_dim3A_1140 = vector.broadcast %jit3A_1138 : f32 to vector<512x32xf32>
    %select_n3A_1141 = arith.select %lt3A_1136, %broadcast_in_dim3A_1139, %broadcast_in_dim3A_1140 : vector<512x32xi1>, vector<512x32xf32>
    %reduce_sum3A_1142 = arith.constant dense<0.000000e+00> : vector<512xf32>
    %reduce_sum3A_1143 = vector.multi_reduction <add>, %select_n3A_1141, %reduce_sum3A_1142 [1] : vector<512x32xf32> to vector<512xf32>
    %broadcast_in_dim3A_1144 = vector.shape_cast %reduce_sum3A_1143 : vector<512xf32> to vector<512x1xf32>
    %slice3A_1145 = vector.extract_strided_slice %concatenate3A {offsets = [0, 27], sizes = [512, 1], strides = [1, 1]} : vector<512x32xf32> to vector<512x1xf32>
    %lt3A_1146 = vector.broadcast %slice3A_1145 : vector<512x1xf32> to vector<512x32xf32>
    %lt3A_1147 = arith.cmpf olt, %concatenate3A, %lt3A_1146 : vector<512x32xf32>
    %jit3A_1148 = arith.constant 1.000000e+00 : f32
    %jit3A_1149 = arith.constant 0.000000e+00 : f32
    %broadcast_in_dim3A_1150 = vector.broadcast %jit3A_1148 : f32 to vector<512x32xf32>
    %broadcast_in_dim3A_1151 = vector.broadcast %jit3A_1149 : f32 to vector<512x32xf32>
    %select_n3A_1152 = arith.select %lt3A_1147, %broadcast_in_dim3A_1150, %broadcast_in_dim3A_1151 : vector<512x32xi1>, vector<512x32xf32>
    %reduce_sum3A_1153 = arith.constant dense<0.000000e+00> : vector<512xf32>
    %reduce_sum3A_1154 = vector.multi_reduction <add>, %select_n3A_1152, %reduce_sum3A_1153 [1] : vector<512x32xf32> to vector<512xf32>
    %broadcast_in_dim3A_1155 = vector.shape_cast %reduce_sum3A_1154 : vector<512xf32> to vector<512x1xf32>
    %slice3A_1156 = vector.extract_strided_slice %concatenate3A {offsets = [0, 28], sizes = [512, 1], strides = [1, 1]} : vector<512x32xf32> to vector<512x1xf32>
    %lt3A_1157 = vector.broadcast %slice3A_1156 : vector<512x1xf32> to vector<512x32xf32>
    %lt3A_1158 = arith.cmpf olt, %concatenate3A, %lt3A_1157 : vector<512x32xf32>
    %jit3A_1159 = arith.constant 1.000000e+00 : f32
    %jit3A_1160 = arith.constant 0.000000e+00 : f32
    %broadcast_in_dim3A_1161 = vector.broadcast %jit3A_1159 : f32 to vector<512x32xf32>
    %broadcast_in_dim3A_1162 = vector.broadcast %jit3A_1160 : f32 to vector<512x32xf32>
    %select_n3A_1163 = arith.select %lt3A_1158, %broadcast_in_dim3A_1161, %broadcast_in_dim3A_1162 : vector<512x32xi1>, vector<512x32xf32>
    %reduce_sum3A_1164 = arith.constant dense<0.000000e+00> : vector<512xf32>
    %reduce_sum3A_1165 = vector.multi_reduction <add>, %select_n3A_1163, %reduce_sum3A_1164 [1] : vector<512x32xf32> to vector<512xf32>
    %broadcast_in_dim3A_1166 = vector.shape_cast %reduce_sum3A_1165 : vector<512xf32> to vector<512x1xf32>
    %slice3A_1167 = vector.extract_strided_slice %concatenate3A {offsets = [0, 29], sizes = [512, 1], strides = [1, 1]} : vector<512x32xf32> to vector<512x1xf32>
    %lt3A_1168 = vector.broadcast %slice3A_1167 : vector<512x1xf32> to vector<512x32xf32>
    %lt3A_1169 = arith.cmpf olt, %concatenate3A, %lt3A_1168 : vector<512x32xf32>
    %jit3A_1170 = arith.constant 1.000000e+00 : f32
    %jit3A_1171 = arith.constant 0.000000e+00 : f32
    %broadcast_in_dim3A_1172 = vector.broadcast %jit3A_1170 : f32 to vector<512x32xf32>
    %broadcast_in_dim3A_1173 = vector.broadcast %jit3A_1171 : f32 to vector<512x32xf32>
    %select_n3A_1174 = arith.select %lt3A_1169, %broadcast_in_dim3A_1172, %broadcast_in_dim3A_1173 : vector<512x32xi1>, vector<512x32xf32>
    %reduce_sum3A_1175 = arith.constant dense<0.000000e+00> : vector<512xf32>
    %reduce_sum3A_1176 = vector.multi_reduction <add>, %select_n3A_1174, %reduce_sum3A_1175 [1] : vector<512x32xf32> to vector<512xf32>
    %broadcast_in_dim3A_1177 = vector.shape_cast %reduce_sum3A_1176 : vector<512xf32> to vector<512x1xf32>
    %slice3A_1178 = vector.extract_strided_slice %concatenate3A {offsets = [0, 30], sizes = [512, 1], strides = [1, 1]} : vector<512x32xf32> to vector<512x1xf32>
    %lt3A_1179 = vector.broadcast %slice3A_1178 : vector<512x1xf32> to vector<512x32xf32>
    %lt3A_1180 = arith.cmpf olt, %concatenate3A, %lt3A_1179 : vector<512x32xf32>
    %jit3A_1181 = arith.constant 1.000000e+00 : f32
    %jit3A_1182 = arith.constant 0.000000e+00 : f32
    %broadcast_in_dim3A_1183 = vector.broadcast %jit3A_1181 : f32 to vector<512x32xf32>
    %broadcast_in_dim3A_1184 = vector.broadcast %jit3A_1182 : f32 to vector<512x32xf32>
    %select_n3A_1185 = arith.select %lt3A_1180, %broadcast_in_dim3A_1183, %broadcast_in_dim3A_1184 : vector<512x32xi1>, vector<512x32xf32>
    %reduce_sum3A_1186 = arith.constant dense<0.000000e+00> : vector<512xf32>
    %reduce_sum3A_1187 = vector.multi_reduction <add>, %select_n3A_1185, %reduce_sum3A_1186 [1] : vector<512x32xf32> to vector<512xf32>
    %broadcast_in_dim3A_1188 = vector.shape_cast %reduce_sum3A_1187 : vector<512xf32> to vector<512x1xf32>
    %slice3A_1189 = vector.extract_strided_slice %concatenate3A {offsets = [0, 31], sizes = [512, 1], strides = [1, 1]} : vector<512x32xf32> to vector<512x1xf32>
    %lt3A_1190 = vector.broadcast %slice3A_1189 : vector<512x1xf32> to vector<512x32xf32>
    %lt3A_1191 = arith.cmpf olt, %concatenate3A, %lt3A_1190 : vector<512x32xf32>
    %jit3A_1192 = arith.constant 1.000000e+00 : f32
    %jit3A_1193 = arith.constant 0.000000e+00 : f32
    %broadcast_in_dim3A_1194 = vector.broadcast %jit3A_1192 : f32 to vector<512x32xf32>
    %broadcast_in_dim3A_1195 = vector.broadcast %jit3A_1193 : f32 to vector<512x32xf32>
    %select_n3A_1196 = arith.select %lt3A_1191, %broadcast_in_dim3A_1194, %broadcast_in_dim3A_1195 : vector<512x32xi1>, vector<512x32xf32>
    %reduce_sum3A_1197 = arith.constant dense<0.000000e+00> : vector<512xf32>
    %reduce_sum3A_1198 = vector.multi_reduction <add>, %select_n3A_1196, %reduce_sum3A_1197 [1] : vector<512x32xf32> to vector<512xf32>
    %broadcast_in_dim3A_1199 = vector.shape_cast %reduce_sum3A_1198 : vector<512xf32> to vector<512x1xf32>
    %concatenate3A_1200 = tpu.concatenate %broadcast_in_dim3A_858, %broadcast_in_dim3A_869, %broadcast_in_dim3A_880, %broadcast_in_dim3A_891, %broadcast_in_dim3A_902, %broadcast_in_dim3A_913, %broadcast_in_dim3A_924, %broadcast_in_dim3A_935, %broadcast_in_dim3A_946, %broadcast_in_dim3A_957, %broadcast_in_dim3A_968, %broadcast_in_dim3A_979, %broadcast_in_dim3A_990, %broadcast_in_dim3A_1001, %broadcast_in_dim3A_1012, %broadcast_in_dim3A_1023, %broadcast_in_dim3A_1034, %broadcast_in_dim3A_1045, %broadcast_in_dim3A_1056, %broadcast_in_dim3A_1067, %broadcast_in_dim3A_1078, %broadcast_in_dim3A_1089, %broadcast_in_dim3A_1100, %broadcast_in_dim3A_1111, %broadcast_in_dim3A_1122, %broadcast_in_dim3A_1133, %broadcast_in_dim3A_1144, %broadcast_in_dim3A_1155, %broadcast_in_dim3A_1166, %broadcast_in_dim3A_1177, %broadcast_in_dim3A_1188, %broadcast_in_dim3A_1199 in 1 : vector<512x1xf32>, vector<512x1xf32>, vector<512x1xf32>, vector<512x1xf32>, vector<512x1xf32>, vector<512x1xf32>, vector<512x1xf32>, vector<512x1xf32>, vector<512x1xf32>, vector<512x1xf32>, vector<512x1xf32>, vector<512x1xf32>, vector<512x1xf32>, vector<512x1xf32>, vector<512x1xf32>, vector<512x1xf32>, vector<512x1xf32>, vector<512x1xf32>, vector<512x1xf32>, vector<512x1xf32>, vector<512x1xf32>, vector<512x1xf32>, vector<512x1xf32>, vector<512x1xf32>, vector<512x1xf32>, vector<512x1xf32>, vector<512x1xf32>, vector<512x1xf32>, vector<512x1xf32>, vector<512x1xf32>, vector<512x1xf32>, vector<512x1xf32> -> vector<512x32xf32>
    %convert_element_type3A = arith.fptosi %concatenate3A_1200 : vector<512x32xf32> to vector<512x32xi32>
    %eq3A_1201 = arith.constant 0 : i32
    %eq3A_1202 = vector.broadcast %eq3A_1201 : i32 to vector<512x32xi32>
    %eq3A_1203 = arith.cmpi eq, %convert_element_type3A, %eq3A_1202 : vector<512x32xi32>
    %jit3A_1204 = arith.constant 0.000000e+00 : f32
    %broadcast_in_dim3A_1205 = vector.broadcast %jit3A_1204 : f32 to vector<512x32xf32>
    %select_n3A_1206 = arith.select %eq3A_1203, %concatenate3A, %broadcast_in_dim3A_1205 : vector<512x32xi1>, vector<512x32xf32>
    %reduce_sum3A_1207 = arith.constant dense<0.000000e+00> : vector<512xf32>
    %reduce_sum3A_1208 = vector.multi_reduction <add>, %select_n3A_1206, %reduce_sum3A_1207 [1] : vector<512x32xf32> to vector<512xf32>
    %broadcast_in_dim3A_1209 = vector.shape_cast %reduce_sum3A_1208 : vector<512xf32> to vector<512x1xf32>
    %eq3A_1210 = arith.constant 1 : i32
    %eq3A_1211 = vector.broadcast %eq3A_1210 : i32 to vector<512x32xi32>
    %eq3A_1212 = arith.cmpi eq, %convert_element_type3A, %eq3A_1211 : vector<512x32xi32>
    %jit3A_1213 = arith.constant 0.000000e+00 : f32
    %broadcast_in_dim3A_1214 = vector.broadcast %jit3A_1213 : f32 to vector<512x32xf32>
    %select_n3A_1215 = arith.select %eq3A_1212, %concatenate3A, %broadcast_in_dim3A_1214 : vector<512x32xi1>, vector<512x32xf32>
    %reduce_sum3A_1216 = arith.constant dense<0.000000e+00> : vector<512xf32>
    %reduce_sum3A_1217 = vector.multi_reduction <add>, %select_n3A_1215, %reduce_sum3A_1216 [1] : vector<512x32xf32> to vector<512xf32>
    %broadcast_in_dim3A_1218 = vector.shape_cast %reduce_sum3A_1217 : vector<512xf32> to vector<512x1xf32>
    %eq3A_1219 = arith.constant 2 : i32
    %eq3A_1220 = vector.broadcast %eq3A_1219 : i32 to vector<512x32xi32>
    %eq3A_1221 = arith.cmpi eq, %convert_element_type3A, %eq3A_1220 : vector<512x32xi32>
    %jit3A_1222 = arith.constant 0.000000e+00 : f32
    %broadcast_in_dim3A_1223 = vector.broadcast %jit3A_1222 : f32 to vector<512x32xf32>
    %select_n3A_1224 = arith.select %eq3A_1221, %concatenate3A, %broadcast_in_dim3A_1223 : vector<512x32xi1>, vector<512x32xf32>
    %reduce_sum3A_1225 = arith.constant dense<0.000000e+00> : vector<512xf32>
    %reduce_sum3A_1226 = vector.multi_reduction <add>, %select_n3A_1224, %reduce_sum3A_1225 [1] : vector<512x32xf32> to vector<512xf32>
    %broadcast_in_dim3A_1227 = vector.shape_cast %reduce_sum3A_1226 : vector<512xf32> to vector<512x1xf32>
    %eq3A_1228 = arith.constant 3 : i32
    %eq3A_1229 = vector.broadcast %eq3A_1228 : i32 to vector<512x32xi32>
    %eq3A_1230 = arith.cmpi eq, %convert_element_type3A, %eq3A_1229 : vector<512x32xi32>
    %jit3A_1231 = arith.constant 0.000000e+00 : f32
    %broadcast_in_dim3A_1232 = vector.broadcast %jit3A_1231 : f32 to vector<512x32xf32>
    %select_n3A_1233 = arith.select %eq3A_1230, %concatenate3A, %broadcast_in_dim3A_1232 : vector<512x32xi1>, vector<512x32xf32>
    %reduce_sum3A_1234 = arith.constant dense<0.000000e+00> : vector<512xf32>
    %reduce_sum3A_1235 = vector.multi_reduction <add>, %select_n3A_1233, %reduce_sum3A_1234 [1] : vector<512x32xf32> to vector<512xf32>
    %broadcast_in_dim3A_1236 = vector.shape_cast %reduce_sum3A_1235 : vector<512xf32> to vector<512x1xf32>
    %eq3A_1237 = arith.constant 4 : i32
    %eq3A_1238 = vector.broadcast %eq3A_1237 : i32 to vector<512x32xi32>
    %eq3A_1239 = arith.cmpi eq, %convert_element_type3A, %eq3A_1238 : vector<512x32xi32>
    %jit3A_1240 = arith.constant 0.000000e+00 : f32
    %broadcast_in_dim3A_1241 = vector.broadcast %jit3A_1240 : f32 to vector<512x32xf32>
    %select_n3A_1242 = arith.select %eq3A_1239, %concatenate3A, %broadcast_in_dim3A_1241 : vector<512x32xi1>, vector<512x32xf32>
    %reduce_sum3A_1243 = arith.constant dense<0.000000e+00> : vector<512xf32>
    %reduce_sum3A_1244 = vector.multi_reduction <add>, %select_n3A_1242, %reduce_sum3A_1243 [1] : vector<512x32xf32> to vector<512xf32>
    %broadcast_in_dim3A_1245 = vector.shape_cast %reduce_sum3A_1244 : vector<512xf32> to vector<512x1xf32>
    %eq3A_1246 = arith.constant 5 : i32
    %eq3A_1247 = vector.broadcast %eq3A_1246 : i32 to vector<512x32xi32>
    %eq3A_1248 = arith.cmpi eq, %convert_element_type3A, %eq3A_1247 : vector<512x32xi32>
    %jit3A_1249 = arith.constant 0.000000e+00 : f32
    %broadcast_in_dim3A_1250 = vector.broadcast %jit3A_1249 : f32 to vector<512x32xf32>
    %select_n3A_1251 = arith.select %eq3A_1248, %concatenate3A, %broadcast_in_dim3A_1250 : vector<512x32xi1>, vector<512x32xf32>
    %reduce_sum3A_1252 = arith.constant dense<0.000000e+00> : vector<512xf32>
    %reduce_sum3A_1253 = vector.multi_reduction <add>, %select_n3A_1251, %reduce_sum3A_1252 [1] : vector<512x32xf32> to vector<512xf32>
    %broadcast_in_dim3A_1254 = vector.shape_cast %reduce_sum3A_1253 : vector<512xf32> to vector<512x1xf32>
    %eq3A_1255 = arith.constant 6 : i32
    %eq3A_1256 = vector.broadcast %eq3A_1255 : i32 to vector<512x32xi32>
    %eq3A_1257 = arith.cmpi eq, %convert_element_type3A, %eq3A_1256 : vector<512x32xi32>
    %jit3A_1258 = arith.constant 0.000000e+00 : f32
    %broadcast_in_dim3A_1259 = vector.broadcast %jit3A_1258 : f32 to vector<512x32xf32>
    %select_n3A_1260 = arith.select %eq3A_1257, %concatenate3A, %broadcast_in_dim3A_1259 : vector<512x32xi1>, vector<512x32xf32>
    %reduce_sum3A_1261 = arith.constant dense<0.000000e+00> : vector<512xf32>
    %reduce_sum3A_1262 = vector.multi_reduction <add>, %select_n3A_1260, %reduce_sum3A_1261 [1] : vector<512x32xf32> to vector<512xf32>
    %broadcast_in_dim3A_1263 = vector.shape_cast %reduce_sum3A_1262 : vector<512xf32> to vector<512x1xf32>
    %eq3A_1264 = arith.constant 7 : i32
    %eq3A_1265 = vector.broadcast %eq3A_1264 : i32 to vector<512x32xi32>
    %eq3A_1266 = arith.cmpi eq, %convert_element_type3A, %eq3A_1265 : vector<512x32xi32>
    %jit3A_1267 = arith.constant 0.000000e+00 : f32
    %broadcast_in_dim3A_1268 = vector.broadcast %jit3A_1267 : f32 to vector<512x32xf32>
    %select_n3A_1269 = arith.select %eq3A_1266, %concatenate3A, %broadcast_in_dim3A_1268 : vector<512x32xi1>, vector<512x32xf32>
    %reduce_sum3A_1270 = arith.constant dense<0.000000e+00> : vector<512xf32>
    %reduce_sum3A_1271 = vector.multi_reduction <add>, %select_n3A_1269, %reduce_sum3A_1270 [1] : vector<512x32xf32> to vector<512xf32>
    %broadcast_in_dim3A_1272 = vector.shape_cast %reduce_sum3A_1271 : vector<512xf32> to vector<512x1xf32>
    %eq3A_1273 = arith.constant 8 : i32
    %eq3A_1274 = vector.broadcast %eq3A_1273 : i32 to vector<512x32xi32>
    %eq3A_1275 = arith.cmpi eq, %convert_element_type3A, %eq3A_1274 : vector<512x32xi32>
    %jit3A_1276 = arith.constant 0.000000e+00 : f32
    %broadcast_in_dim3A_1277 = vector.broadcast %jit3A_1276 : f32 to vector<512x32xf32>
    %select_n3A_1278 = arith.select %eq3A_1275, %concatenate3A, %broadcast_in_dim3A_1277 : vector<512x32xi1>, vector<512x32xf32>
    %reduce_sum3A_1279 = arith.constant dense<0.000000e+00> : vector<512xf32>
    %reduce_sum3A_1280 = vector.multi_reduction <add>, %select_n3A_1278, %reduce_sum3A_1279 [1] : vector<512x32xf32> to vector<512xf32>
    %broadcast_in_dim3A_1281 = vector.shape_cast %reduce_sum3A_1280 : vector<512xf32> to vector<512x1xf32>
    %eq3A_1282 = arith.constant 9 : i32
    %eq3A_1283 = vector.broadcast %eq3A_1282 : i32 to vector<512x32xi32>
    %eq3A_1284 = arith.cmpi eq, %convert_element_type3A, %eq3A_1283 : vector<512x32xi32>
    %jit3A_1285 = arith.constant 0.000000e+00 : f32
    %broadcast_in_dim3A_1286 = vector.broadcast %jit3A_1285 : f32 to vector<512x32xf32>
    %select_n3A_1287 = arith.select %eq3A_1284, %concatenate3A, %broadcast_in_dim3A_1286 : vector<512x32xi1>, vector<512x32xf32>
    %reduce_sum3A_1288 = arith.constant dense<0.000000e+00> : vector<512xf32>
    %reduce_sum3A_1289 = vector.multi_reduction <add>, %select_n3A_1287, %reduce_sum3A_1288 [1] : vector<512x32xf32> to vector<512xf32>
    %broadcast_in_dim3A_1290 = vector.shape_cast %reduce_sum3A_1289 : vector<512xf32> to vector<512x1xf32>
    %eq3A_1291 = arith.constant 10 : i32
    %eq3A_1292 = vector.broadcast %eq3A_1291 : i32 to vector<512x32xi32>
    %eq3A_1293 = arith.cmpi eq, %convert_element_type3A, %eq3A_1292 : vector<512x32xi32>
    %jit3A_1294 = arith.constant 0.000000e+00 : f32
    %broadcast_in_dim3A_1295 = vector.broadcast %jit3A_1294 : f32 to vector<512x32xf32>
    %select_n3A_1296 = arith.select %eq3A_1293, %concatenate3A, %broadcast_in_dim3A_1295 : vector<512x32xi1>, vector<512x32xf32>
    %reduce_sum3A_1297 = arith.constant dense<0.000000e+00> : vector<512xf32>
    %reduce_sum3A_1298 = vector.multi_reduction <add>, %select_n3A_1296, %reduce_sum3A_1297 [1] : vector<512x32xf32> to vector<512xf32>
    %broadcast_in_dim3A_1299 = vector.shape_cast %reduce_sum3A_1298 : vector<512xf32> to vector<512x1xf32>
    %eq3A_1300 = arith.constant 11 : i32
    %eq3A_1301 = vector.broadcast %eq3A_1300 : i32 to vector<512x32xi32>
    %eq3A_1302 = arith.cmpi eq, %convert_element_type3A, %eq3A_1301 : vector<512x32xi32>
    %jit3A_1303 = arith.constant 0.000000e+00 : f32
    %broadcast_in_dim3A_1304 = vector.broadcast %jit3A_1303 : f32 to vector<512x32xf32>
    %select_n3A_1305 = arith.select %eq3A_1302, %concatenate3A, %broadcast_in_dim3A_1304 : vector<512x32xi1>, vector<512x32xf32>
    %reduce_sum3A_1306 = arith.constant dense<0.000000e+00> : vector<512xf32>
    %reduce_sum3A_1307 = vector.multi_reduction <add>, %select_n3A_1305, %reduce_sum3A_1306 [1] : vector<512x32xf32> to vector<512xf32>
    %broadcast_in_dim3A_1308 = vector.shape_cast %reduce_sum3A_1307 : vector<512xf32> to vector<512x1xf32>
    %eq3A_1309 = arith.constant 12 : i32
    %eq3A_1310 = vector.broadcast %eq3A_1309 : i32 to vector<512x32xi32>
    %eq3A_1311 = arith.cmpi eq, %convert_element_type3A, %eq3A_1310 : vector<512x32xi32>
    %jit3A_1312 = arith.constant 0.000000e+00 : f32
    %broadcast_in_dim3A_1313 = vector.broadcast %jit3A_1312 : f32 to vector<512x32xf32>
    %select_n3A_1314 = arith.select %eq3A_1311, %concatenate3A, %broadcast_in_dim3A_1313 : vector<512x32xi1>, vector<512x32xf32>
    %reduce_sum3A_1315 = arith.constant dense<0.000000e+00> : vector<512xf32>
    %reduce_sum3A_1316 = vector.multi_reduction <add>, %select_n3A_1314, %reduce_sum3A_1315 [1] : vector<512x32xf32> to vector<512xf32>
    %broadcast_in_dim3A_1317 = vector.shape_cast %reduce_sum3A_1316 : vector<512xf32> to vector<512x1xf32>
    %eq3A_1318 = arith.constant 13 : i32
    %eq3A_1319 = vector.broadcast %eq3A_1318 : i32 to vector<512x32xi32>
    %eq3A_1320 = arith.cmpi eq, %convert_element_type3A, %eq3A_1319 : vector<512x32xi32>
    %jit3A_1321 = arith.constant 0.000000e+00 : f32
    %broadcast_in_dim3A_1322 = vector.broadcast %jit3A_1321 : f32 to vector<512x32xf32>
    %select_n3A_1323 = arith.select %eq3A_1320, %concatenate3A, %broadcast_in_dim3A_1322 : vector<512x32xi1>, vector<512x32xf32>
    %reduce_sum3A_1324 = arith.constant dense<0.000000e+00> : vector<512xf32>
    %reduce_sum3A_1325 = vector.multi_reduction <add>, %select_n3A_1323, %reduce_sum3A_1324 [1] : vector<512x32xf32> to vector<512xf32>
    %broadcast_in_dim3A_1326 = vector.shape_cast %reduce_sum3A_1325 : vector<512xf32> to vector<512x1xf32>
    %eq3A_1327 = arith.constant 14 : i32
    %eq3A_1328 = vector.broadcast %eq3A_1327 : i32 to vector<512x32xi32>
    %eq3A_1329 = arith.cmpi eq, %convert_element_type3A, %eq3A_1328 : vector<512x32xi32>
    %jit3A_1330 = arith.constant 0.000000e+00 : f32
    %broadcast_in_dim3A_1331 = vector.broadcast %jit3A_1330 : f32 to vector<512x32xf32>
    %select_n3A_1332 = arith.select %eq3A_1329, %concatenate3A, %broadcast_in_dim3A_1331 : vector<512x32xi1>, vector<512x32xf32>
    %reduce_sum3A_1333 = arith.constant dense<0.000000e+00> : vector<512xf32>
    %reduce_sum3A_1334 = vector.multi_reduction <add>, %select_n3A_1332, %reduce_sum3A_1333 [1] : vector<512x32xf32> to vector<512xf32>
    %broadcast_in_dim3A_1335 = vector.shape_cast %reduce_sum3A_1334 : vector<512xf32> to vector<512x1xf32>
    %eq3A_1336 = arith.constant 15 : i32
    %eq3A_1337 = vector.broadcast %eq3A_1336 : i32 to vector<512x32xi32>
    %eq3A_1338 = arith.cmpi eq, %convert_element_type3A, %eq3A_1337 : vector<512x32xi32>
    %jit3A_1339 = arith.constant 0.000000e+00 : f32
    %broadcast_in_dim3A_1340 = vector.broadcast %jit3A_1339 : f32 to vector<512x32xf32>
    %select_n3A_1341 = arith.select %eq3A_1338, %concatenate3A, %broadcast_in_dim3A_1340 : vector<512x32xi1>, vector<512x32xf32>
    %reduce_sum3A_1342 = arith.constant dense<0.000000e+00> : vector<512xf32>
    %reduce_sum3A_1343 = vector.multi_reduction <add>, %select_n3A_1341, %reduce_sum3A_1342 [1] : vector<512x32xf32> to vector<512xf32>
    %broadcast_in_dim3A_1344 = vector.shape_cast %reduce_sum3A_1343 : vector<512xf32> to vector<512x1xf32>
    %eq3A_1345 = arith.constant 16 : i32
    %eq3A_1346 = vector.broadcast %eq3A_1345 : i32 to vector<512x32xi32>
    %eq3A_1347 = arith.cmpi eq, %convert_element_type3A, %eq3A_1346 : vector<512x32xi32>
    %jit3A_1348 = arith.constant 0.000000e+00 : f32
    %broadcast_in_dim3A_1349 = vector.broadcast %jit3A_1348 : f32 to vector<512x32xf32>
    %select_n3A_1350 = arith.select %eq3A_1347, %concatenate3A, %broadcast_in_dim3A_1349 : vector<512x32xi1>, vector<512x32xf32>
    %reduce_sum3A_1351 = arith.constant dense<0.000000e+00> : vector<512xf32>
    %reduce_sum3A_1352 = vector.multi_reduction <add>, %select_n3A_1350, %reduce_sum3A_1351 [1] : vector<512x32xf32> to vector<512xf32>
    %broadcast_in_dim3A_1353 = vector.shape_cast %reduce_sum3A_1352 : vector<512xf32> to vector<512x1xf32>
    %eq3A_1354 = arith.constant 17 : i32
    %eq3A_1355 = vector.broadcast %eq3A_1354 : i32 to vector<512x32xi32>
    %eq3A_1356 = arith.cmpi eq, %convert_element_type3A, %eq3A_1355 : vector<512x32xi32>
    %jit3A_1357 = arith.constant 0.000000e+00 : f32
    %broadcast_in_dim3A_1358 = vector.broadcast %jit3A_1357 : f32 to vector<512x32xf32>
    %select_n3A_1359 = arith.select %eq3A_1356, %concatenate3A, %broadcast_in_dim3A_1358 : vector<512x32xi1>, vector<512x32xf32>
    %reduce_sum3A_1360 = arith.constant dense<0.000000e+00> : vector<512xf32>
    %reduce_sum3A_1361 = vector.multi_reduction <add>, %select_n3A_1359, %reduce_sum3A_1360 [1] : vector<512x32xf32> to vector<512xf32>
    %broadcast_in_dim3A_1362 = vector.shape_cast %reduce_sum3A_1361 : vector<512xf32> to vector<512x1xf32>
    %eq3A_1363 = arith.constant 18 : i32
    %eq3A_1364 = vector.broadcast %eq3A_1363 : i32 to vector<512x32xi32>
    %eq3A_1365 = arith.cmpi eq, %convert_element_type3A, %eq3A_1364 : vector<512x32xi32>
    %jit3A_1366 = arith.constant 0.000000e+00 : f32
    %broadcast_in_dim3A_1367 = vector.broadcast %jit3A_1366 : f32 to vector<512x32xf32>
    %select_n3A_1368 = arith.select %eq3A_1365, %concatenate3A, %broadcast_in_dim3A_1367 : vector<512x32xi1>, vector<512x32xf32>
    %reduce_sum3A_1369 = arith.constant dense<0.000000e+00> : vector<512xf32>
    %reduce_sum3A_1370 = vector.multi_reduction <add>, %select_n3A_1368, %reduce_sum3A_1369 [1] : vector<512x32xf32> to vector<512xf32>
    %broadcast_in_dim3A_1371 = vector.shape_cast %reduce_sum3A_1370 : vector<512xf32> to vector<512x1xf32>
    %eq3A_1372 = arith.constant 19 : i32
    %eq3A_1373 = vector.broadcast %eq3A_1372 : i32 to vector<512x32xi32>
    %eq3A_1374 = arith.cmpi eq, %convert_element_type3A, %eq3A_1373 : vector<512x32xi32>
    %jit3A_1375 = arith.constant 0.000000e+00 : f32
    %broadcast_in_dim3A_1376 = vector.broadcast %jit3A_1375 : f32 to vector<512x32xf32>
    %select_n3A_1377 = arith.select %eq3A_1374, %concatenate3A, %broadcast_in_dim3A_1376 : vector<512x32xi1>, vector<512x32xf32>
    %reduce_sum3A_1378 = arith.constant dense<0.000000e+00> : vector<512xf32>
    %reduce_sum3A_1379 = vector.multi_reduction <add>, %select_n3A_1377, %reduce_sum3A_1378 [1] : vector<512x32xf32> to vector<512xf32>
    %broadcast_in_dim3A_1380 = vector.shape_cast %reduce_sum3A_1379 : vector<512xf32> to vector<512x1xf32>
    %eq3A_1381 = arith.constant 20 : i32
    %eq3A_1382 = vector.broadcast %eq3A_1381 : i32 to vector<512x32xi32>
    %eq3A_1383 = arith.cmpi eq, %convert_element_type3A, %eq3A_1382 : vector<512x32xi32>
    %jit3A_1384 = arith.constant 0.000000e+00 : f32
    %broadcast_in_dim3A_1385 = vector.broadcast %jit3A_1384 : f32 to vector<512x32xf32>
    %select_n3A_1386 = arith.select %eq3A_1383, %concatenate3A, %broadcast_in_dim3A_1385 : vector<512x32xi1>, vector<512x32xf32>
    %reduce_sum3A_1387 = arith.constant dense<0.000000e+00> : vector<512xf32>
    %reduce_sum3A_1388 = vector.multi_reduction <add>, %select_n3A_1386, %reduce_sum3A_1387 [1] : vector<512x32xf32> to vector<512xf32>
    %broadcast_in_dim3A_1389 = vector.shape_cast %reduce_sum3A_1388 : vector<512xf32> to vector<512x1xf32>
    %eq3A_1390 = arith.constant 21 : i32
    %eq3A_1391 = vector.broadcast %eq3A_1390 : i32 to vector<512x32xi32>
    %eq3A_1392 = arith.cmpi eq, %convert_element_type3A, %eq3A_1391 : vector<512x32xi32>
    %jit3A_1393 = arith.constant 0.000000e+00 : f32
    %broadcast_in_dim3A_1394 = vector.broadcast %jit3A_1393 : f32 to vector<512x32xf32>
    %select_n3A_1395 = arith.select %eq3A_1392, %concatenate3A, %broadcast_in_dim3A_1394 : vector<512x32xi1>, vector<512x32xf32>
    %reduce_sum3A_1396 = arith.constant dense<0.000000e+00> : vector<512xf32>
    %reduce_sum3A_1397 = vector.multi_reduction <add>, %select_n3A_1395, %reduce_sum3A_1396 [1] : vector<512x32xf32> to vector<512xf32>
    %broadcast_in_dim3A_1398 = vector.shape_cast %reduce_sum3A_1397 : vector<512xf32> to vector<512x1xf32>
    %eq3A_1399 = arith.constant 22 : i32
    %eq3A_1400 = vector.broadcast %eq3A_1399 : i32 to vector<512x32xi32>
    %eq3A_1401 = arith.cmpi eq, %convert_element_type3A, %eq3A_1400 : vector<512x32xi32>
    %jit3A_1402 = arith.constant 0.000000e+00 : f32
    %broadcast_in_dim3A_1403 = vector.broadcast %jit3A_1402 : f32 to vector<512x32xf32>
    %select_n3A_1404 = arith.select %eq3A_1401, %concatenate3A, %broadcast_in_dim3A_1403 : vector<512x32xi1>, vector<512x32xf32>
    %reduce_sum3A_1405 = arith.constant dense<0.000000e+00> : vector<512xf32>
    %reduce_sum3A_1406 = vector.multi_reduction <add>, %select_n3A_1404, %reduce_sum3A_1405 [1] : vector<512x32xf32> to vector<512xf32>
    %broadcast_in_dim3A_1407 = vector.shape_cast %reduce_sum3A_1406 : vector<512xf32> to vector<512x1xf32>
    %eq3A_1408 = arith.constant 23 : i32
    %eq3A_1409 = vector.broadcast %eq3A_1408 : i32 to vector<512x32xi32>
    %eq3A_1410 = arith.cmpi eq, %convert_element_type3A, %eq3A_1409 : vector<512x32xi32>
    %jit3A_1411 = arith.constant 0.000000e+00 : f32
    %broadcast_in_dim3A_1412 = vector.broadcast %jit3A_1411 : f32 to vector<512x32xf32>
    %select_n3A_1413 = arith.select %eq3A_1410, %concatenate3A, %broadcast_in_dim3A_1412 : vector<512x32xi1>, vector<512x32xf32>
    %reduce_sum3A_1414 = arith.constant dense<0.000000e+00> : vector<512xf32>
    %reduce_sum3A_1415 = vector.multi_reduction <add>, %select_n3A_1413, %reduce_sum3A_1414 [1] : vector<512x32xf32> to vector<512xf32>
    %broadcast_in_dim3A_1416 = vector.shape_cast %reduce_sum3A_1415 : vector<512xf32> to vector<512x1xf32>
    %eq3A_1417 = arith.constant 24 : i32
    %eq3A_1418 = vector.broadcast %eq3A_1417 : i32 to vector<512x32xi32>
    %eq3A_1419 = arith.cmpi eq, %convert_element_type3A, %eq3A_1418 : vector<512x32xi32>
    %jit3A_1420 = arith.constant 0.000000e+00 : f32
    %broadcast_in_dim3A_1421 = vector.broadcast %jit3A_1420 : f32 to vector<512x32xf32>
    %select_n3A_1422 = arith.select %eq3A_1419, %concatenate3A, %broadcast_in_dim3A_1421 : vector<512x32xi1>, vector<512x32xf32>
    %reduce_sum3A_1423 = arith.constant dense<0.000000e+00> : vector<512xf32>
    %reduce_sum3A_1424 = vector.multi_reduction <add>, %select_n3A_1422, %reduce_sum3A_1423 [1] : vector<512x32xf32> to vector<512xf32>
    %broadcast_in_dim3A_1425 = vector.shape_cast %reduce_sum3A_1424 : vector<512xf32> to vector<512x1xf32>
    %eq3A_1426 = arith.constant 25 : i32
    %eq3A_1427 = vector.broadcast %eq3A_1426 : i32 to vector<512x32xi32>
    %eq3A_1428 = arith.cmpi eq, %convert_element_type3A, %eq3A_1427 : vector<512x32xi32>
    %jit3A_1429 = arith.constant 0.000000e+00 : f32
    %broadcast_in_dim3A_1430 = vector.broadcast %jit3A_1429 : f32 to vector<512x32xf32>
    %select_n3A_1431 = arith.select %eq3A_1428, %concatenate3A, %broadcast_in_dim3A_1430 : vector<512x32xi1>, vector<512x32xf32>
    %reduce_sum3A_1432 = arith.constant dense<0.000000e+00> : vector<512xf32>
    %reduce_sum3A_1433 = vector.multi_reduction <add>, %select_n3A_1431, %reduce_sum3A_1432 [1] : vector<512x32xf32> to vector<512xf32>
    %broadcast_in_dim3A_1434 = vector.shape_cast %reduce_sum3A_1433 : vector<512xf32> to vector<512x1xf32>
    %eq3A_1435 = arith.constant 26 : i32
    %eq3A_1436 = vector.broadcast %eq3A_1435 : i32 to vector<512x32xi32>
    %eq3A_1437 = arith.cmpi eq, %convert_element_type3A, %eq3A_1436 : vector<512x32xi32>
    %jit3A_1438 = arith.constant 0.000000e+00 : f32
    %broadcast_in_dim3A_1439 = vector.broadcast %jit3A_1438 : f32 to vector<512x32xf32>
    %select_n3A_1440 = arith.select %eq3A_1437, %concatenate3A, %broadcast_in_dim3A_1439 : vector<512x32xi1>, vector<512x32xf32>
    %reduce_sum3A_1441 = arith.constant dense<0.000000e+00> : vector<512xf32>
    %reduce_sum3A_1442 = vector.multi_reduction <add>, %select_n3A_1440, %reduce_sum3A_1441 [1] : vector<512x32xf32> to vector<512xf32>
    %broadcast_in_dim3A_1443 = vector.shape_cast %reduce_sum3A_1442 : vector<512xf32> to vector<512x1xf32>
    %eq3A_1444 = arith.constant 27 : i32
    %eq3A_1445 = vector.broadcast %eq3A_1444 : i32 to vector<512x32xi32>
    %eq3A_1446 = arith.cmpi eq, %convert_element_type3A, %eq3A_1445 : vector<512x32xi32>
    %jit3A_1447 = arith.constant 0.000000e+00 : f32
    %broadcast_in_dim3A_1448 = vector.broadcast %jit3A_1447 : f32 to vector<512x32xf32>
    %select_n3A_1449 = arith.select %eq3A_1446, %concatenate3A, %broadcast_in_dim3A_1448 : vector<512x32xi1>, vector<512x32xf32>
    %reduce_sum3A_1450 = arith.constant dense<0.000000e+00> : vector<512xf32>
    %reduce_sum3A_1451 = vector.multi_reduction <add>, %select_n3A_1449, %reduce_sum3A_1450 [1] : vector<512x32xf32> to vector<512xf32>
    %broadcast_in_dim3A_1452 = vector.shape_cast %reduce_sum3A_1451 : vector<512xf32> to vector<512x1xf32>
    %eq3A_1453 = arith.constant 28 : i32
    %eq3A_1454 = vector.broadcast %eq3A_1453 : i32 to vector<512x32xi32>
    %eq3A_1455 = arith.cmpi eq, %convert_element_type3A, %eq3A_1454 : vector<512x32xi32>
    %jit3A_1456 = arith.constant 0.000000e+00 : f32
    %broadcast_in_dim3A_1457 = vector.broadcast %jit3A_1456 : f32 to vector<512x32xf32>
    %select_n3A_1458 = arith.select %eq3A_1455, %concatenate3A, %broadcast_in_dim3A_1457 : vector<512x32xi1>, vector<512x32xf32>
    %reduce_sum3A_1459 = arith.constant dense<0.000000e+00> : vector<512xf32>
    %reduce_sum3A_1460 = vector.multi_reduction <add>, %select_n3A_1458, %reduce_sum3A_1459 [1] : vector<512x32xf32> to vector<512xf32>
    %broadcast_in_dim3A_1461 = vector.shape_cast %reduce_sum3A_1460 : vector<512xf32> to vector<512x1xf32>
    %eq3A_1462 = arith.constant 29 : i32
    %eq3A_1463 = vector.broadcast %eq3A_1462 : i32 to vector<512x32xi32>
    %eq3A_1464 = arith.cmpi eq, %convert_element_type3A, %eq3A_1463 : vector<512x32xi32>
    %jit3A_1465 = arith.constant 0.000000e+00 : f32
    %broadcast_in_dim3A_1466 = vector.broadcast %jit3A_1465 : f32 to vector<512x32xf32>
    %select_n3A_1467 = arith.select %eq3A_1464, %concatenate3A, %broadcast_in_dim3A_1466 : vector<512x32xi1>, vector<512x32xf32>
    %reduce_sum3A_1468 = arith.constant dense<0.000000e+00> : vector<512xf32>
    %reduce_sum3A_1469 = vector.multi_reduction <add>, %select_n3A_1467, %reduce_sum3A_1468 [1] : vector<512x32xf32> to vector<512xf32>
    %broadcast_in_dim3A_1470 = vector.shape_cast %reduce_sum3A_1469 : vector<512xf32> to vector<512x1xf32>
    %eq3A_1471 = arith.constant 30 : i32
    %eq3A_1472 = vector.broadcast %eq3A_1471 : i32 to vector<512x32xi32>
    %eq3A_1473 = arith.cmpi eq, %convert_element_type3A, %eq3A_1472 : vector<512x32xi32>
    %jit3A_1474 = arith.constant 0.000000e+00 : f32
    %broadcast_in_dim3A_1475 = vector.broadcast %jit3A_1474 : f32 to vector<512x32xf32>
    %select_n3A_1476 = arith.select %eq3A_1473, %concatenate3A, %broadcast_in_dim3A_1475 : vector<512x32xi1>, vector<512x32xf32>
    %reduce_sum3A_1477 = arith.constant dense<0.000000e+00> : vector<512xf32>
    %reduce_sum3A_1478 = vector.multi_reduction <add>, %select_n3A_1476, %reduce_sum3A_1477 [1] : vector<512x32xf32> to vector<512xf32>
    %broadcast_in_dim3A_1479 = vector.shape_cast %reduce_sum3A_1478 : vector<512xf32> to vector<512x1xf32>
    %eq3A_1480 = arith.constant 31 : i32
    %eq3A_1481 = vector.broadcast %eq3A_1480 : i32 to vector<512x32xi32>
    %eq3A_1482 = arith.cmpi eq, %convert_element_type3A, %eq3A_1481 : vector<512x32xi32>
    %jit3A_1483 = arith.constant 0.000000e+00 : f32
    %broadcast_in_dim3A_1484 = vector.broadcast %jit3A_1483 : f32 to vector<512x32xf32>
    %select_n3A_1485 = arith.select %eq3A_1482, %concatenate3A, %broadcast_in_dim3A_1484 : vector<512x32xi1>, vector<512x32xf32>
    %reduce_sum3A_1486 = arith.constant dense<0.000000e+00> : vector<512xf32>
    %reduce_sum3A_1487 = vector.multi_reduction <add>, %select_n3A_1485, %reduce_sum3A_1486 [1] : vector<512x32xf32> to vector<512xf32>
    %broadcast_in_dim3A_1488 = vector.shape_cast %reduce_sum3A_1487 : vector<512xf32> to vector<512x1xf32>
    %concatenate3A_1489 = tpu.concatenate %broadcast_in_dim3A_1209, %broadcast_in_dim3A_1218, %broadcast_in_dim3A_1227, %broadcast_in_dim3A_1236, %broadcast_in_dim3A_1245, %broadcast_in_dim3A_1254, %broadcast_in_dim3A_1263, %broadcast_in_dim3A_1272, %broadcast_in_dim3A_1281, %broadcast_in_dim3A_1290, %broadcast_in_dim3A_1299, %broadcast_in_dim3A_1308, %broadcast_in_dim3A_1317, %broadcast_in_dim3A_1326, %broadcast_in_dim3A_1335, %broadcast_in_dim3A_1344, %broadcast_in_dim3A_1353, %broadcast_in_dim3A_1362, %broadcast_in_dim3A_1371, %broadcast_in_dim3A_1380, %broadcast_in_dim3A_1389, %broadcast_in_dim3A_1398, %broadcast_in_dim3A_1407, %broadcast_in_dim3A_1416, %broadcast_in_dim3A_1425, %broadcast_in_dim3A_1434, %broadcast_in_dim3A_1443, %broadcast_in_dim3A_1452, %broadcast_in_dim3A_1461, %broadcast_in_dim3A_1470, %broadcast_in_dim3A_1479, %broadcast_in_dim3A_1488 in 1 : vector<512x1xf32>, vector<512x1xf32>, vector<512x1xf32>, vector<512x1xf32>, vector<512x1xf32>, vector<512x1xf32>, vector<512x1xf32>, vector<512x1xf32>, vector<512x1xf32>, vector<512x1xf32>, vector<512x1xf32>, vector<512x1xf32>, vector<512x1xf32>, vector<512x1xf32>, vector<512x1xf32>, vector<512x1xf32>, vector<512x1xf32>, vector<512x1xf32>, vector<512x1xf32>, vector<512x1xf32>, vector<512x1xf32>, vector<512x1xf32>, vector<512x1xf32>, vector<512x1xf32>, vector<512x1xf32>, vector<512x1xf32>, vector<512x1xf32>, vector<512x1xf32>, vector<512x1xf32>, vector<512x1xf32>, vector<512x1xf32>, vector<512x1xf32> -> vector<512x32xf32>
    %convert_element_type3A_1490 = arith.fptosi %concatenate3A_1489 : vector<512x32xf32> to vector<512x32xi32>
    %iota3A_1491 = tpu.iota {dimensions = array<i32: 0>} : vector<512x32xi32>
    %mul3A = arith.constant 512 : i32
    %mul3A_1492 = arith.muli %arg0, %mul3A : i32
    %add3A_1493 = vector.broadcast %mul3A_1492 : i32 to vector<512x32xi32>
    %add3A_1494 = arith.addi %iota3A_1491, %add3A_1493 : vector<512x32xi32>
    %mul3A_1495 = arith.constant 1024 : i32
    %mul3A_1496 = vector.broadcast %mul3A_1495 : i32 to vector<512x32xi32>
    %mul3A_1497 = arith.muli %add3A_1494, %mul3A_1496 : vector<512x32xi32>
    %add3A_1498 = arith.addi %mul3A_1497, %convert_element_type3A_1490 : vector<512x32xi32>
    %swap3A_1499 = arith.constant 0 : index
    %swap3A_1500 = arith.constant 0 : index
    %swap3A_1501 = vector.load %arg5[%swap3A_1499, %swap3A_1500] : memref<512x32xi32, #tpu.memory_space<vmem>>, vector<512x32xi32>
    tpu.vector_store %arg5[%swap3A_1499, %swap3A_1500], %add3A_1498 {strides = array<i32>} : memref<512x32xi32, #tpu.memory_space<vmem>>, vector<512x32xi32>,
    %reduce_max3A_1502 = arith.constant dense<0xFF800000> : vector<512xf32>
    %reduce_max3A_1503 = vector.multi_reduction <maximumf>, %logistic3A_22, %reduce_max3A_1502 [1] : vector<512x1024xf32> to vector<512xf32>
    %broadcast_in_dim3A_1504 = vector.shape_cast %reduce_max3A_1503 : vector<512xf32> to vector<512x1xf32>
    %eq3A_1505 = vector.broadcast %broadcast_in_dim3A_1504 : vector<512x1xf32> to vector<512x1024xf32>
    %eq3A_1506 = arith.cmpf oeq, %logistic3A_22, %eq3A_1505 : vector<512x1024xf32>
    %jit3A_1507 = arith.constant 1.000000e+00 : f32
    %jit3A_1508 = arith.constant 0.000000e+00 : f32
    %broadcast_in_dim3A_1509 = vector.broadcast %jit3A_1507 : f32 to vector<512x1024xf32>
    %broadcast_in_dim3A_1510 = vector.broadcast %jit3A_1508 : f32 to vector<512x1024xf32>
    %select_n3A_1511 = arith.select %eq3A_1506, %broadcast_in_dim3A_1509, %broadcast_in_dim3A_1510 : vector<512x1024xi1>, vector<512x1024xf32>
    %reduce_sum3A_1512 = arith.constant dense<0.000000e+00> : vector<512xf32>
    %reduce_sum3A_1513 = vector.multi_reduction <add>, %select_n3A_1511, %reduce_sum3A_1512 [1] : vector<512x1024xf32> to vector<512xf32>
    %broadcast_in_dim3A_1514 = vector.shape_cast %reduce_sum3A_1513 : vector<512xf32> to vector<512x1xf32>
    %jit3A_1515 = arith.constant -1.000000e+00 : f32
    %broadcast_in_dim3A_1516 = vector.broadcast %jit3A_1515 : f32 to vector<512x1024xf32>
    %select_n3A_1517 = arith.select %eq3A_1506, %broadcast_in_dim3A_1516, %logistic3A_22 : vector<512x1024xi1>, vector<512x1024xf32>
    %reduce_max3A_1518 = arith.constant dense<0xFF800000> : vector<512xf32>
    %reduce_max3A_1519 = vector.multi_reduction <maximumf>, %select_n3A_1517, %reduce_max3A_1518 [1] : vector<512x1024xf32> to vector<512xf32>
    %broadcast_in_dim3A_1520 = vector.shape_cast %reduce_max3A_1519 : vector<512xf32> to vector<512x1xf32>
    %eq3A_1521 = vector.broadcast %broadcast_in_dim3A_1520 : vector<512x1xf32> to vector<512x1024xf32>
    %eq3A_1522 = arith.cmpf oeq, %select_n3A_1517, %eq3A_1521 : vector<512x1024xf32>
    %jit3A_1523 = arith.constant 1.000000e+00 : f32
    %jit3A_1524 = arith.constant 0.000000e+00 : f32
    %broadcast_in_dim3A_1525 = vector.broadcast %jit3A_1523 : f32 to vector<512x1024xf32>
    %broadcast_in_dim3A_1526 = vector.broadcast %jit3A_1524 : f32 to vector<512x1024xf32>
    %select_n3A_1527 = arith.select %eq3A_1522, %broadcast_in_dim3A_1525, %broadcast_in_dim3A_1526 : vector<512x1024xi1>, vector<512x1024xf32>
    %reduce_sum3A_1528 = arith.constant dense<0.000000e+00> : vector<512xf32>
    %reduce_sum3A_1529 = vector.multi_reduction <add>, %select_n3A_1527, %reduce_sum3A_1528 [1] : vector<512x1024xf32> to vector<512xf32>
    %broadcast_in_dim3A_1530 = vector.shape_cast %reduce_sum3A_1529 : vector<512xf32> to vector<512x1xf32>
    %jit3A_1531 = arith.constant -1.000000e+00 : f32
    %broadcast_in_dim3A_1532 = vector.broadcast %jit3A_1531 : f32 to vector<512x1024xf32>
    %select_n3A_1533 = arith.select %eq3A_1522, %broadcast_in_dim3A_1532, %select_n3A_1517 : vector<512x1024xi1>, vector<512x1024xf32>
    %add3A_1534 = arith.addf %broadcast_in_dim3A_1514, %broadcast_in_dim3A_1530 : vector<512x1xf32>
    %reduce_max3A_1535 = arith.constant dense<0xFF800000> : vector<512xf32>
    %reduce_max3A_1536 = vector.multi_reduction <maximumf>, %select_n3A_1533, %reduce_max3A_1535 [1] : vector<512x1024xf32> to vector<512xf32>
    %broadcast_in_dim3A_1537 = vector.shape_cast %reduce_max3A_1536 : vector<512xf32> to vector<512x1xf32>
    %eq3A_1538 = vector.broadcast %broadcast_in_dim3A_1537 : vector<512x1xf32> to vector<512x1024xf32>
    %eq3A_1539 = arith.cmpf oeq, %select_n3A_1533, %eq3A_1538 : vector<512x1024xf32>
    %jit3A_1540 = arith.constant 1.000000e+00 : f32
    %jit3A_1541 = arith.constant 0.000000e+00 : f32
    %broadcast_in_dim3A_1542 = vector.broadcast %jit3A_1540 : f32 to vector<512x1024xf32>
    %broadcast_in_dim3A_1543 = vector.broadcast %jit3A_1541 : f32 to vector<512x1024xf32>
    %select_n3A_1544 = arith.select %eq3A_1539, %broadcast_in_dim3A_1542, %broadcast_in_dim3A_1543 : vector<512x1024xi1>, vector<512x1024xf32>
    %reduce_sum3A_1545 = arith.constant dense<0.000000e+00> : vector<512xf32>
    %reduce_sum3A_1546 = vector.multi_reduction <add>, %select_n3A_1544, %reduce_sum3A_1545 [1] : vector<512x1024xf32> to vector<512xf32>
    %broadcast_in_dim3A_1547 = vector.shape_cast %reduce_sum3A_1546 : vector<512xf32> to vector<512x1xf32>
    %jit3A_1548 = arith.constant -1.000000e+00 : f32
    %broadcast_in_dim3A_1549 = vector.broadcast %jit3A_1548 : f32 to vector<512x1024xf32>
    %select_n3A_1550 = arith.select %eq3A_1539, %broadcast_in_dim3A_1549, %select_n3A_1533 : vector<512x1024xi1>, vector<512x1024xf32>
    %add3A_1551 = arith.addf %add3A_1534, %broadcast_in_dim3A_1547 : vector<512x1xf32>
    %reduce_max3A_1552 = arith.constant dense<0xFF800000> : vector<512xf32>
    %reduce_max3A_1553 = vector.multi_reduction <maximumf>, %select_n3A_1550, %reduce_max3A_1552 [1] : vector<512x1024xf32> to vector<512xf32>
    %broadcast_in_dim3A_1554 = vector.shape_cast %reduce_max3A_1553 : vector<512xf32> to vector<512x1xf32>
    %eq3A_1555 = vector.broadcast %broadcast_in_dim3A_1554 : vector<512x1xf32> to vector<512x1024xf32>
    %eq3A_1556 = arith.cmpf oeq, %select_n3A_1550, %eq3A_1555 : vector<512x1024xf32>
    %jit3A_1557 = arith.constant 1.000000e+00 : f32
    %jit3A_1558 = arith.constant 0.000000e+00 : f32
    %broadcast_in_dim3A_1559 = vector.broadcast %jit3A_1557 : f32 to vector<512x1024xf32>
    %broadcast_in_dim3A_1560 = vector.broadcast %jit3A_1558 : f32 to vector<512x1024xf32>
    %select_n3A_1561 = arith.select %eq3A_1556, %broadcast_in_dim3A_1559, %broadcast_in_dim3A_1560 : vector<512x1024xi1>, vector<512x1024xf32>
    %reduce_sum3A_1562 = arith.constant dense<0.000000e+00> : vector<512xf32>
    %reduce_sum3A_1563 = vector.multi_reduction <add>, %select_n3A_1561, %reduce_sum3A_1562 [1] : vector<512x1024xf32> to vector<512xf32>
    %broadcast_in_dim3A_1564 = vector.shape_cast %reduce_sum3A_1563 : vector<512xf32> to vector<512x1xf32>
    %jit3A_1565 = arith.constant -1.000000e+00 : f32
    %broadcast_in_dim3A_1566 = vector.broadcast %jit3A_1565 : f32 to vector<512x1024xf32>
    %select_n3A_1567 = arith.select %eq3A_1556, %broadcast_in_dim3A_1566, %select_n3A_1550 : vector<512x1024xi1>, vector<512x1024xf32>
    %add3A_1568 = arith.addf %add3A_1551, %broadcast_in_dim3A_1564 : vector<512x1xf32>
    %reduce_max3A_1569 = arith.constant dense<0xFF800000> : vector<512xf32>
    %reduce_max3A_1570 = vector.multi_reduction <maximumf>, %select_n3A_1567, %reduce_max3A_1569 [1] : vector<512x1024xf32> to vector<512xf32>
    %broadcast_in_dim3A_1571 = vector.shape_cast %reduce_max3A_1570 : vector<512xf32> to vector<512x1xf32>
    %eq3A_1572 = vector.broadcast %broadcast_in_dim3A_1571 : vector<512x1xf32> to vector<512x1024xf32>
    %eq3A_1573 = arith.cmpf oeq, %select_n3A_1567, %eq3A_1572 : vector<512x1024xf32>
    %jit3A_1574 = arith.constant 1.000000e+00 : f32
    %jit3A_1575 = arith.constant 0.000000e+00 : f32
    %broadcast_in_dim3A_1576 = vector.broadcast %jit3A_1574 : f32 to vector<512x1024xf32>
    %broadcast_in_dim3A_1577 = vector.broadcast %jit3A_1575 : f32 to vector<512x1024xf32>
    %select_n3A_1578 = arith.select %eq3A_1573, %broadcast_in_dim3A_1576, %broadcast_in_dim3A_1577 : vector<512x1024xi1>, vector<512x1024xf32>
    %reduce_sum3A_1579 = arith.constant dense<0.000000e+00> : vector<512xf32>
    %reduce_sum3A_1580 = vector.multi_reduction <add>, %select_n3A_1578, %reduce_sum3A_1579 [1] : vector<512x1024xf32> to vector<512xf32>
    %broadcast_in_dim3A_1581 = vector.shape_cast %reduce_sum3A_1580 : vector<512xf32> to vector<512x1xf32>
    %jit3A_1582 = arith.constant -1.000000e+00 : f32
    %broadcast_in_dim3A_1583 = vector.broadcast %jit3A_1582 : f32 to vector<512x1024xf32>
    %select_n3A_1584 = arith.select %eq3A_1573, %broadcast_in_dim3A_1583, %select_n3A_1567 : vector<512x1024xi1>, vector<512x1024xf32>
    %add3A_1585 = arith.addf %add3A_1568, %broadcast_in_dim3A_1581 : vector<512x1xf32>
    %reduce_max3A_1586 = arith.constant dense<0xFF800000> : vector<512xf32>
    %reduce_max3A_1587 = vector.multi_reduction <maximumf>, %select_n3A_1584, %reduce_max3A_1586 [1] : vector<512x1024xf32> to vector<512xf32>
    %broadcast_in_dim3A_1588 = vector.shape_cast %reduce_max3A_1587 : vector<512xf32> to vector<512x1xf32>
    %eq3A_1589 = vector.broadcast %broadcast_in_dim3A_1588 : vector<512x1xf32> to vector<512x1024xf32>
    %eq3A_1590 = arith.cmpf oeq, %select_n3A_1584, %eq3A_1589 : vector<512x1024xf32>
    %jit3A_1591 = arith.constant 1.000000e+00 : f32
    %jit3A_1592 = arith.constant 0.000000e+00 : f32
    %broadcast_in_dim3A_1593 = vector.broadcast %jit3A_1591 : f32 to vector<512x1024xf32>
    %broadcast_in_dim3A_1594 = vector.broadcast %jit3A_1592 : f32 to vector<512x1024xf32>
    %select_n3A_1595 = arith.select %eq3A_1590, %broadcast_in_dim3A_1593, %broadcast_in_dim3A_1594 : vector<512x1024xi1>, vector<512x1024xf32>
    %reduce_sum3A_1596 = arith.constant dense<0.000000e+00> : vector<512xf32>
    %reduce_sum3A_1597 = vector.multi_reduction <add>, %select_n3A_1595, %reduce_sum3A_1596 [1] : vector<512x1024xf32> to vector<512xf32>
    %broadcast_in_dim3A_1598 = vector.shape_cast %reduce_sum3A_1597 : vector<512xf32> to vector<512x1xf32>
    %jit3A_1599 = arith.constant -1.000000e+00 : f32
    %broadcast_in_dim3A_1600 = vector.broadcast %jit3A_1599 : f32 to vector<512x1024xf32>
    %select_n3A_1601 = arith.select %eq3A_1590, %broadcast_in_dim3A_1600, %select_n3A_1584 : vector<512x1024xi1>, vector<512x1024xf32>
    %add3A_1602 = arith.addf %add3A_1585, %broadcast_in_dim3A_1598 : vector<512x1xf32>
    %reduce_max3A_1603 = arith.constant dense<0xFF800000> : vector<512xf32>
    %reduce_max3A_1604 = vector.multi_reduction <maximumf>, %select_n3A_1601, %reduce_max3A_1603 [1] : vector<512x1024xf32> to vector<512xf32>
    %broadcast_in_dim3A_1605 = vector.shape_cast %reduce_max3A_1604 : vector<512xf32> to vector<512x1xf32>
    %eq3A_1606 = vector.broadcast %broadcast_in_dim3A_1605 : vector<512x1xf32> to vector<512x1024xf32>
    %eq3A_1607 = arith.cmpf oeq, %select_n3A_1601, %eq3A_1606 : vector<512x1024xf32>
    %jit3A_1608 = arith.constant 1.000000e+00 : f32
    %jit3A_1609 = arith.constant 0.000000e+00 : f32
    %broadcast_in_dim3A_1610 = vector.broadcast %jit3A_1608 : f32 to vector<512x1024xf32>
    %broadcast_in_dim3A_1611 = vector.broadcast %jit3A_1609 : f32 to vector<512x1024xf32>
    %select_n3A_1612 = arith.select %eq3A_1607, %broadcast_in_dim3A_1610, %broadcast_in_dim3A_1611 : vector<512x1024xi1>, vector<512x1024xf32>
    %reduce_sum3A_1613 = arith.constant dense<0.000000e+00> : vector<512xf32>
    %reduce_sum3A_1614 = vector.multi_reduction <add>, %select_n3A_1612, %reduce_sum3A_1613 [1] : vector<512x1024xf32> to vector<512xf32>
    %broadcast_in_dim3A_1615 = vector.shape_cast %reduce_sum3A_1614 : vector<512xf32> to vector<512x1xf32>
    %jit3A_1616 = arith.constant -1.000000e+00 : f32
    %broadcast_in_dim3A_1617 = vector.broadcast %jit3A_1616 : f32 to vector<512x1024xf32>
    %select_n3A_1618 = arith.select %eq3A_1607, %broadcast_in_dim3A_1617, %select_n3A_1601 : vector<512x1024xi1>, vector<512x1024xf32>
    %add3A_1619 = arith.addf %add3A_1602, %broadcast_in_dim3A_1615 : vector<512x1xf32>
    %reduce_max3A_1620 = arith.constant dense<0xFF800000> : vector<512xf32>
    %reduce_max3A_1621 = vector.multi_reduction <maximumf>, %select_n3A_1618, %reduce_max3A_1620 [1] : vector<512x1024xf32> to vector<512xf32>
    %broadcast_in_dim3A_1622 = vector.shape_cast %reduce_max3A_1621 : vector<512xf32> to vector<512x1xf32>
    %eq3A_1623 = vector.broadcast %broadcast_in_dim3A_1622 : vector<512x1xf32> to vector<512x1024xf32>
    %eq3A_1624 = arith.cmpf oeq, %select_n3A_1618, %eq3A_1623 : vector<512x1024xf32>
    %jit3A_1625 = arith.constant 1.000000e+00 : f32
    %jit3A_1626 = arith.constant 0.000000e+00 : f32
    %broadcast_in_dim3A_1627 = vector.broadcast %jit3A_1625 : f32 to vector<512x1024xf32>
    %broadcast_in_dim3A_1628 = vector.broadcast %jit3A_1626 : f32 to vector<512x1024xf32>
    %select_n3A_1629 = arith.select %eq3A_1624, %broadcast_in_dim3A_1627, %broadcast_in_dim3A_1628 : vector<512x1024xi1>, vector<512x1024xf32>
    %reduce_sum3A_1630 = arith.constant dense<0.000000e+00> : vector<512xf32>
    %reduce_sum3A_1631 = vector.multi_reduction <add>, %select_n3A_1629, %reduce_sum3A_1630 [1] : vector<512x1024xf32> to vector<512xf32>
    %broadcast_in_dim3A_1632 = vector.shape_cast %reduce_sum3A_1631 : vector<512xf32> to vector<512x1xf32>
    %jit3A_1633 = arith.constant -1.000000e+00 : f32
    %broadcast_in_dim3A_1634 = vector.broadcast %jit3A_1633 : f32 to vector<512x1024xf32>
    %select_n3A_1635 = arith.select %eq3A_1624, %broadcast_in_dim3A_1634, %select_n3A_1618 : vector<512x1024xi1>, vector<512x1024xf32>
    %add3A_1636 = arith.addf %add3A_1619, %broadcast_in_dim3A_1632 : vector<512x1xf32>
    %reduce_max3A_1637 = arith.constant dense<0xFF800000> : vector<512xf32>
    %reduce_max3A_1638 = vector.multi_reduction <maximumf>, %select_n3A_1635, %reduce_max3A_1637 [1] : vector<512x1024xf32> to vector<512xf32>
    %broadcast_in_dim3A_1639 = vector.shape_cast %reduce_max3A_1638 : vector<512xf32> to vector<512x1xf32>
    %eq3A_1640 = vector.broadcast %broadcast_in_dim3A_1639 : vector<512x1xf32> to vector<512x1024xf32>
    %eq3A_1641 = arith.cmpf oeq, %select_n3A_1635, %eq3A_1640 : vector<512x1024xf32>
    %jit3A_1642 = arith.constant 1.000000e+00 : f32
    %jit3A_1643 = arith.constant 0.000000e+00 : f32
    %broadcast_in_dim3A_1644 = vector.broadcast %jit3A_1642 : f32 to vector<512x1024xf32>
    %broadcast_in_dim3A_1645 = vector.broadcast %jit3A_1643 : f32 to vector<512x1024xf32>
    %select_n3A_1646 = arith.select %eq3A_1641, %broadcast_in_dim3A_1644, %broadcast_in_dim3A_1645 : vector<512x1024xi1>, vector<512x1024xf32>
    %reduce_sum3A_1647 = arith.constant dense<0.000000e+00> : vector<512xf32>
    %reduce_sum3A_1648 = vector.multi_reduction <add>, %select_n3A_1646, %reduce_sum3A_1647 [1] : vector<512x1024xf32> to vector<512xf32>
    %broadcast_in_dim3A_1649 = vector.shape_cast %reduce_sum3A_1648 : vector<512xf32> to vector<512x1xf32>
    %jit3A_1650 = arith.constant -1.000000e+00 : f32
    %broadcast_in_dim3A_1651 = vector.broadcast %jit3A_1650 : f32 to vector<512x1024xf32>
    %select_n3A_1652 = arith.select %eq3A_1641, %broadcast_in_dim3A_1651, %select_n3A_1635 : vector<512x1024xi1>, vector<512x1024xf32>
    %add3A_1653 = arith.addf %add3A_1636, %broadcast_in_dim3A_1649 : vector<512x1xf32>
    %reduce_max3A_1654 = arith.constant dense<0xFF800000> : vector<512xf32>
    %reduce_max3A_1655 = vector.multi_reduction <maximumf>, %select_n3A_1652, %reduce_max3A_1654 [1] : vector<512x1024xf32> to vector<512xf32>
    %broadcast_in_dim3A_1656 = vector.shape_cast %reduce_max3A_1655 : vector<512xf32> to vector<512x1xf32>
    %eq3A_1657 = vector.broadcast %broadcast_in_dim3A_1656 : vector<512x1xf32> to vector<512x1024xf32>
    %eq3A_1658 = arith.cmpf oeq, %select_n3A_1652, %eq3A_1657 : vector<512x1024xf32>
    %jit3A_1659 = arith.constant 1.000000e+00 : f32
    %jit3A_1660 = arith.constant 0.000000e+00 : f32
    %broadcast_in_dim3A_1661 = vector.broadcast %jit3A_1659 : f32 to vector<512x1024xf32>
    %broadcast_in_dim3A_1662 = vector.broadcast %jit3A_1660 : f32 to vector<512x1024xf32>
    %select_n3A_1663 = arith.select %eq3A_1658, %broadcast_in_dim3A_1661, %broadcast_in_dim3A_1662 : vector<512x1024xi1>, vector<512x1024xf32>
    %reduce_sum3A_1664 = arith.constant dense<0.000000e+00> : vector<512xf32>
    %reduce_sum3A_1665 = vector.multi_reduction <add>, %select_n3A_1663, %reduce_sum3A_1664 [1] : vector<512x1024xf32> to vector<512xf32>
    %broadcast_in_dim3A_1666 = vector.shape_cast %reduce_sum3A_1665 : vector<512xf32> to vector<512x1xf32>
    %jit3A_1667 = arith.constant -1.000000e+00 : f32
    %broadcast_in_dim3A_1668 = vector.broadcast %jit3A_1667 : f32 to vector<512x1024xf32>
    %select_n3A_1669 = arith.select %eq3A_1658, %broadcast_in_dim3A_1668, %select_n3A_1652 : vector<512x1024xi1>, vector<512x1024xf32>
    %add3A_1670 = arith.addf %add3A_1653, %broadcast_in_dim3A_1666 : vector<512x1xf32>
    %reduce_max3A_1671 = arith.constant dense<0xFF800000> : vector<512xf32>
    %reduce_max3A_1672 = vector.multi_reduction <maximumf>, %select_n3A_1669, %reduce_max3A_1671 [1] : vector<512x1024xf32> to vector<512xf32>
    %broadcast_in_dim3A_1673 = vector.shape_cast %reduce_max3A_1672 : vector<512xf32> to vector<512x1xf32>
    %eq3A_1674 = vector.broadcast %broadcast_in_dim3A_1673 : vector<512x1xf32> to vector<512x1024xf32>
    %eq3A_1675 = arith.cmpf oeq, %select_n3A_1669, %eq3A_1674 : vector<512x1024xf32>
    %jit3A_1676 = arith.constant 1.000000e+00 : f32
    %jit3A_1677 = arith.constant 0.000000e+00 : f32
    %broadcast_in_dim3A_1678 = vector.broadcast %jit3A_1676 : f32 to vector<512x1024xf32>
    %broadcast_in_dim3A_1679 = vector.broadcast %jit3A_1677 : f32 to vector<512x1024xf32>
    %select_n3A_1680 = arith.select %eq3A_1675, %broadcast_in_dim3A_1678, %broadcast_in_dim3A_1679 : vector<512x1024xi1>, vector<512x1024xf32>
    %reduce_sum3A_1681 = arith.constant dense<0.000000e+00> : vector<512xf32>
    %reduce_sum3A_1682 = vector.multi_reduction <add>, %select_n3A_1680, %reduce_sum3A_1681 [1] : vector<512x1024xf32> to vector<512xf32>
    %broadcast_in_dim3A_1683 = vector.shape_cast %reduce_sum3A_1682 : vector<512xf32> to vector<512x1xf32>
    %jit3A_1684 = arith.constant -1.000000e+00 : f32
    %broadcast_in_dim3A_1685 = vector.broadcast %jit3A_1684 : f32 to vector<512x1024xf32>
    %select_n3A_1686 = arith.select %eq3A_1675, %broadcast_in_dim3A_1685, %select_n3A_1669 : vector<512x1024xi1>, vector<512x1024xf32>
    %add3A_1687 = arith.addf %add3A_1670, %broadcast_in_dim3A_1683 : vector<512x1xf32>
    %reduce_max3A_1688 = arith.constant dense<0xFF800000> : vector<512xf32>
    %reduce_max3A_1689 = vector.multi_reduction <maximumf>, %select_n3A_1686, %reduce_max3A_1688 [1] : vector<512x1024xf32> to vector<512xf32>
    %broadcast_in_dim3A_1690 = vector.shape_cast %reduce_max3A_1689 : vector<512xf32> to vector<512x1xf32>
    %eq3A_1691 = vector.broadcast %broadcast_in_dim3A_1690 : vector<512x1xf32> to vector<512x1024xf32>
    %eq3A_1692 = arith.cmpf oeq, %select_n3A_1686, %eq3A_1691 : vector<512x1024xf32>
    %jit3A_1693 = arith.constant 1.000000e+00 : f32
    %jit3A_1694 = arith.constant 0.000000e+00 : f32
    %broadcast_in_dim3A_1695 = vector.broadcast %jit3A_1693 : f32 to vector<512x1024xf32>
    %broadcast_in_dim3A_1696 = vector.broadcast %jit3A_1694 : f32 to vector<512x1024xf32>
    %select_n3A_1697 = arith.select %eq3A_1692, %broadcast_in_dim3A_1695, %broadcast_in_dim3A_1696 : vector<512x1024xi1>, vector<512x1024xf32>
    %reduce_sum3A_1698 = arith.constant dense<0.000000e+00> : vector<512xf32>
    %reduce_sum3A_1699 = vector.multi_reduction <add>, %select_n3A_1697, %reduce_sum3A_1698 [1] : vector<512x1024xf32> to vector<512xf32>
    %broadcast_in_dim3A_1700 = vector.shape_cast %reduce_sum3A_1699 : vector<512xf32> to vector<512x1xf32>
    %jit3A_1701 = arith.constant -1.000000e+00 : f32
    %broadcast_in_dim3A_1702 = vector.broadcast %jit3A_1701 : f32 to vector<512x1024xf32>
    %select_n3A_1703 = arith.select %eq3A_1692, %broadcast_in_dim3A_1702, %select_n3A_1686 : vector<512x1024xi1>, vector<512x1024xf32>
    %add3A_1704 = arith.addf %add3A_1687, %broadcast_in_dim3A_1700 : vector<512x1xf32>
    %reduce_max3A_1705 = arith.constant dense<0xFF800000> : vector<512xf32>
    %reduce_max3A_1706 = vector.multi_reduction <maximumf>, %select_n3A_1703, %reduce_max3A_1705 [1] : vector<512x1024xf32> to vector<512xf32>
    %broadcast_in_dim3A_1707 = vector.shape_cast %reduce_max3A_1706 : vector<512xf32> to vector<512x1xf32>
    %eq3A_1708 = vector.broadcast %broadcast_in_dim3A_1707 : vector<512x1xf32> to vector<512x1024xf32>
    %eq3A_1709 = arith.cmpf oeq, %select_n3A_1703, %eq3A_1708 : vector<512x1024xf32>
    %jit3A_1710 = arith.constant 1.000000e+00 : f32
    %jit3A_1711 = arith.constant 0.000000e+00 : f32
    %broadcast_in_dim3A_1712 = vector.broadcast %jit3A_1710 : f32 to vector<512x1024xf32>
    %broadcast_in_dim3A_1713 = vector.broadcast %jit3A_1711 : f32 to vector<512x1024xf32>
    %select_n3A_1714 = arith.select %eq3A_1709, %broadcast_in_dim3A_1712, %broadcast_in_dim3A_1713 : vector<512x1024xi1>, vector<512x1024xf32>
    %reduce_sum3A_1715 = arith.constant dense<0.000000e+00> : vector<512xf32>
    %reduce_sum3A_1716 = vector.multi_reduction <add>, %select_n3A_1714, %reduce_sum3A_1715 [1] : vector<512x1024xf32> to vector<512xf32>
    %broadcast_in_dim3A_1717 = vector.shape_cast %reduce_sum3A_1716 : vector<512xf32> to vector<512x1xf32>
    %jit3A_1718 = arith.constant -1.000000e+00 : f32
    %broadcast_in_dim3A_1719 = vector.broadcast %jit3A_1718 : f32 to vector<512x1024xf32>
    %select_n3A_1720 = arith.select %eq3A_1709, %broadcast_in_dim3A_1719, %select_n3A_1703 : vector<512x1024xi1>, vector<512x1024xf32>
    %add3A_1721 = arith.addf %add3A_1704, %broadcast_in_dim3A_1717 : vector<512x1xf32>
    %reduce_max3A_1722 = arith.constant dense<0xFF800000> : vector<512xf32>
    %reduce_max3A_1723 = vector.multi_reduction <maximumf>, %select_n3A_1720, %reduce_max3A_1722 [1] : vector<512x1024xf32> to vector<512xf32>
    %broadcast_in_dim3A_1724 = vector.shape_cast %reduce_max3A_1723 : vector<512xf32> to vector<512x1xf32>
    %eq3A_1725 = vector.broadcast %broadcast_in_dim3A_1724 : vector<512x1xf32> to vector<512x1024xf32>
    %eq3A_1726 = arith.cmpf oeq, %select_n3A_1720, %eq3A_1725 : vector<512x1024xf32>
    %jit3A_1727 = arith.constant 1.000000e+00 : f32
    %jit3A_1728 = arith.constant 0.000000e+00 : f32
    %broadcast_in_dim3A_1729 = vector.broadcast %jit3A_1727 : f32 to vector<512x1024xf32>
    %broadcast_in_dim3A_1730 = vector.broadcast %jit3A_1728 : f32 to vector<512x1024xf32>
    %select_n3A_1731 = arith.select %eq3A_1726, %broadcast_in_dim3A_1729, %broadcast_in_dim3A_1730 : vector<512x1024xi1>, vector<512x1024xf32>
    %reduce_sum3A_1732 = arith.constant dense<0.000000e+00> : vector<512xf32>
    %reduce_sum3A_1733 = vector.multi_reduction <add>, %select_n3A_1731, %reduce_sum3A_1732 [1] : vector<512x1024xf32> to vector<512xf32>
    %broadcast_in_dim3A_1734 = vector.shape_cast %reduce_sum3A_1733 : vector<512xf32> to vector<512x1xf32>
    %jit3A_1735 = arith.constant -1.000000e+00 : f32
    %broadcast_in_dim3A_1736 = vector.broadcast %jit3A_1735 : f32 to vector<512x1024xf32>
    %select_n3A_1737 = arith.select %eq3A_1726, %broadcast_in_dim3A_1736, %select_n3A_1720 : vector<512x1024xi1>, vector<512x1024xf32>
    %add3A_1738 = arith.addf %add3A_1721, %broadcast_in_dim3A_1734 : vector<512x1xf32>
    %reduce_max3A_1739 = arith.constant dense<0xFF800000> : vector<512xf32>
    %reduce_max3A_1740 = vector.multi_reduction <maximumf>, %select_n3A_1737, %reduce_max3A_1739 [1] : vector<512x1024xf32> to vector<512xf32>
    %broadcast_in_dim3A_1741 = vector.shape_cast %reduce_max3A_1740 : vector<512xf32> to vector<512x1xf32>
    %eq3A_1742 = vector.broadcast %broadcast_in_dim3A_1741 : vector<512x1xf32> to vector<512x1024xf32>
    %eq3A_1743 = arith.cmpf oeq, %select_n3A_1737, %eq3A_1742 : vector<512x1024xf32>
    %jit3A_1744 = arith.constant 1.000000e+00 : f32
    %jit3A_1745 = arith.constant 0.000000e+00 : f32
    %broadcast_in_dim3A_1746 = vector.broadcast %jit3A_1744 : f32 to vector<512x1024xf32>
    %broadcast_in_dim3A_1747 = vector.broadcast %jit3A_1745 : f32 to vector<512x1024xf32>
    %select_n3A_1748 = arith.select %eq3A_1743, %broadcast_in_dim3A_1746, %broadcast_in_dim3A_1747 : vector<512x1024xi1>, vector<512x1024xf32>
    %reduce_sum3A_1749 = arith.constant dense<0.000000e+00> : vector<512xf32>
    %reduce_sum3A_1750 = vector.multi_reduction <add>, %select_n3A_1748, %reduce_sum3A_1749 [1] : vector<512x1024xf32> to vector<512xf32>
    %broadcast_in_dim3A_1751 = vector.shape_cast %reduce_sum3A_1750 : vector<512xf32> to vector<512x1xf32>
    %jit3A_1752 = arith.constant -1.000000e+00 : f32
    %broadcast_in_dim3A_1753 = vector.broadcast %jit3A_1752 : f32 to vector<512x1024xf32>
    %select_n3A_1754 = arith.select %eq3A_1743, %broadcast_in_dim3A_1753, %select_n3A_1737 : vector<512x1024xi1>, vector<512x1024xf32>
    %add3A_1755 = arith.addf %add3A_1738, %broadcast_in_dim3A_1751 : vector<512x1xf32>
    %reduce_max3A_1756 = arith.constant dense<0xFF800000> : vector<512xf32>
    %reduce_max3A_1757 = vector.multi_reduction <maximumf>, %select_n3A_1754, %reduce_max3A_1756 [1] : vector<512x1024xf32> to vector<512xf32>
    %broadcast_in_dim3A_1758 = vector.shape_cast %reduce_max3A_1757 : vector<512xf32> to vector<512x1xf32>
    %eq3A_1759 = vector.broadcast %broadcast_in_dim3A_1758 : vector<512x1xf32> to vector<512x1024xf32>
    %eq3A_1760 = arith.cmpf oeq, %select_n3A_1754, %eq3A_1759 : vector<512x1024xf32>
    %jit3A_1761 = arith.constant 1.000000e+00 : f32
    %jit3A_1762 = arith.constant 0.000000e+00 : f32
    %broadcast_in_dim3A_1763 = vector.broadcast %jit3A_1761 : f32 to vector<512x1024xf32>
    %broadcast_in_dim3A_1764 = vector.broadcast %jit3A_1762 : f32 to vector<512x1024xf32>
    %select_n3A_1765 = arith.select %eq3A_1760, %broadcast_in_dim3A_1763, %broadcast_in_dim3A_1764 : vector<512x1024xi1>, vector<512x1024xf32>
    %reduce_sum3A_1766 = arith.constant dense<0.000000e+00> : vector<512xf32>
    %reduce_sum3A_1767 = vector.multi_reduction <add>, %select_n3A_1765, %reduce_sum3A_1766 [1] : vector<512x1024xf32> to vector<512xf32>
    %broadcast_in_dim3A_1768 = vector.shape_cast %reduce_sum3A_1767 : vector<512xf32> to vector<512x1xf32>
    %jit3A_1769 = arith.constant -1.000000e+00 : f32
    %broadcast_in_dim3A_1770 = vector.broadcast %jit3A_1769 : f32 to vector<512x1024xf32>
    %select_n3A_1771 = arith.select %eq3A_1760, %broadcast_in_dim3A_1770, %select_n3A_1754 : vector<512x1024xi1>, vector<512x1024xf32>
    %add3A_1772 = arith.addf %add3A_1755, %broadcast_in_dim3A_1768 : vector<512x1xf32>
    %reduce_max3A_1773 = arith.constant dense<0xFF800000> : vector<512xf32>
    %reduce_max3A_1774 = vector.multi_reduction <maximumf>, %select_n3A_1771, %reduce_max3A_1773 [1] : vector<512x1024xf32> to vector<512xf32>
    %broadcast_in_dim3A_1775 = vector.shape_cast %reduce_max3A_1774 : vector<512xf32> to vector<512x1xf32>
    %eq3A_1776 = vector.broadcast %broadcast_in_dim3A_1775 : vector<512x1xf32> to vector<512x1024xf32>
    %eq3A_1777 = arith.cmpf oeq, %select_n3A_1771, %eq3A_1776 : vector<512x1024xf32>
    %jit3A_1778 = arith.constant 1.000000e+00 : f32
    %jit3A_1779 = arith.constant 0.000000e+00 : f32
    %broadcast_in_dim3A_1780 = vector.broadcast %jit3A_1778 : f32 to vector<512x1024xf32>
    %broadcast_in_dim3A_1781 = vector.broadcast %jit3A_1779 : f32 to vector<512x1024xf32>
    %select_n3A_1782 = arith.select %eq3A_1777, %broadcast_in_dim3A_1780, %broadcast_in_dim3A_1781 : vector<512x1024xi1>, vector<512x1024xf32>
    %reduce_sum3A_1783 = arith.constant dense<0.000000e+00> : vector<512xf32>
    %reduce_sum3A_1784 = vector.multi_reduction <add>, %select_n3A_1782, %reduce_sum3A_1783 [1] : vector<512x1024xf32> to vector<512xf32>
    %broadcast_in_dim3A_1785 = vector.shape_cast %reduce_sum3A_1784 : vector<512xf32> to vector<512x1xf32>
    %jit3A_1786 = arith.constant -1.000000e+00 : f32
    %broadcast_in_dim3A_1787 = vector.broadcast %jit3A_1786 : f32 to vector<512x1024xf32>
    %select_n3A_1788 = arith.select %eq3A_1777, %broadcast_in_dim3A_1787, %select_n3A_1771 : vector<512x1024xi1>, vector<512x1024xf32>
    %add3A_1789 = arith.addf %add3A_1772, %broadcast_in_dim3A_1785 : vector<512x1xf32>
    %reduce_max3A_1790 = arith.constant dense<0xFF800000> : vector<512xf32>
    %reduce_max3A_1791 = vector.multi_reduction <maximumf>, %select_n3A_1788, %reduce_max3A_1790 [1] : vector<512x1024xf32> to vector<512xf32>
    %broadcast_in_dim3A_1792 = vector.shape_cast %reduce_max3A_1791 : vector<512xf32> to vector<512x1xf32>
    %eq3A_1793 = vector.broadcast %broadcast_in_dim3A_1792 : vector<512x1xf32> to vector<512x1024xf32>
    %eq3A_1794 = arith.cmpf oeq, %select_n3A_1788, %eq3A_1793 : vector<512x1024xf32>
    %jit3A_1795 = arith.constant 1.000000e+00 : f32
    %jit3A_1796 = arith.constant 0.000000e+00 : f32
    %broadcast_in_dim3A_1797 = vector.broadcast %jit3A_1795 : f32 to vector<512x1024xf32>
    %broadcast_in_dim3A_1798 = vector.broadcast %jit3A_1796 : f32 to vector<512x1024xf32>
    %select_n3A_1799 = arith.select %eq3A_1794, %broadcast_in_dim3A_1797, %broadcast_in_dim3A_1798 : vector<512x1024xi1>, vector<512x1024xf32>
    %reduce_sum3A_1800 = arith.constant dense<0.000000e+00> : vector<512xf32>
    %reduce_sum3A_1801 = vector.multi_reduction <add>, %select_n3A_1799, %reduce_sum3A_1800 [1] : vector<512x1024xf32> to vector<512xf32>
    %broadcast_in_dim3A_1802 = vector.shape_cast %reduce_sum3A_1801 : vector<512xf32> to vector<512x1xf32>
    %jit3A_1803 = arith.constant -1.000000e+00 : f32
    %broadcast_in_dim3A_1804 = vector.broadcast %jit3A_1803 : f32 to vector<512x1024xf32>
    %select_n3A_1805 = arith.select %eq3A_1794, %broadcast_in_dim3A_1804, %select_n3A_1788 : vector<512x1024xi1>, vector<512x1024xf32>
    %add3A_1806 = arith.addf %add3A_1789, %broadcast_in_dim3A_1802 : vector<512x1xf32>
    %reduce_max3A_1807 = arith.constant dense<0xFF800000> : vector<512xf32>
    %reduce_max3A_1808 = vector.multi_reduction <maximumf>, %select_n3A_1805, %reduce_max3A_1807 [1] : vector<512x1024xf32> to vector<512xf32>
    %broadcast_in_dim3A_1809 = vector.shape_cast %reduce_max3A_1808 : vector<512xf32> to vector<512x1xf32>
    %eq3A_1810 = vector.broadcast %broadcast_in_dim3A_1809 : vector<512x1xf32> to vector<512x1024xf32>
    %eq3A_1811 = arith.cmpf oeq, %select_n3A_1805, %eq3A_1810 : vector<512x1024xf32>
    %jit3A_1812 = arith.constant 1.000000e+00 : f32
    %jit3A_1813 = arith.constant 0.000000e+00 : f32
    %broadcast_in_dim3A_1814 = vector.broadcast %jit3A_1812 : f32 to vector<512x1024xf32>
    %broadcast_in_dim3A_1815 = vector.broadcast %jit3A_1813 : f32 to vector<512x1024xf32>
    %select_n3A_1816 = arith.select %eq3A_1811, %broadcast_in_dim3A_1814, %broadcast_in_dim3A_1815 : vector<512x1024xi1>, vector<512x1024xf32>
    %reduce_sum3A_1817 = arith.constant dense<0.000000e+00> : vector<512xf32>
    %reduce_sum3A_1818 = vector.multi_reduction <add>, %select_n3A_1816, %reduce_sum3A_1817 [1] : vector<512x1024xf32> to vector<512xf32>
    %broadcast_in_dim3A_1819 = vector.shape_cast %reduce_sum3A_1818 : vector<512xf32> to vector<512x1xf32>
    %jit3A_1820 = arith.constant -1.000000e+00 : f32
    %broadcast_in_dim3A_1821 = vector.broadcast %jit3A_1820 : f32 to vector<512x1024xf32>
    %select_n3A_1822 = arith.select %eq3A_1811, %broadcast_in_dim3A_1821, %select_n3A_1805 : vector<512x1024xi1>, vector<512x1024xf32>
    %add3A_1823 = arith.addf %add3A_1806, %broadcast_in_dim3A_1819 : vector<512x1xf32>
    %reduce_max3A_1824 = arith.constant dense<0xFF800000> : vector<512xf32>
    %reduce_max3A_1825 = vector.multi_reduction <maximumf>, %select_n3A_1822, %reduce_max3A_1824 [1] : vector<512x1024xf32> to vector<512xf32>
    %broadcast_in_dim3A_1826 = vector.shape_cast %reduce_max3A_1825 : vector<512xf32> to vector<512x1xf32>
    %eq3A_1827 = vector.broadcast %broadcast_in_dim3A_1826 : vector<512x1xf32> to vector<512x1024xf32>
    %eq3A_1828 = arith.cmpf oeq, %select_n3A_1822, %eq3A_1827 : vector<512x1024xf32>
    %jit3A_1829 = arith.constant 1.000000e+00 : f32
    %jit3A_1830 = arith.constant 0.000000e+00 : f32
    %broadcast_in_dim3A_1831 = vector.broadcast %jit3A_1829 : f32 to vector<512x1024xf32>
    %broadcast_in_dim3A_1832 = vector.broadcast %jit3A_1830 : f32 to vector<512x1024xf32>
    %select_n3A_1833 = arith.select %eq3A_1828, %broadcast_in_dim3A_1831, %broadcast_in_dim3A_1832 : vector<512x1024xi1>, vector<512x1024xf32>
    %reduce_sum3A_1834 = arith.constant dense<0.000000e+00> : vector<512xf32>
    %reduce_sum3A_1835 = vector.multi_reduction <add>, %select_n3A_1833, %reduce_sum3A_1834 [1] : vector<512x1024xf32> to vector<512xf32>
    %broadcast_in_dim3A_1836 = vector.shape_cast %reduce_sum3A_1835 : vector<512xf32> to vector<512x1xf32>
    %jit3A_1837 = arith.constant -1.000000e+00 : f32
    %broadcast_in_dim3A_1838 = vector.broadcast %jit3A_1837 : f32 to vector<512x1024xf32>
    %select_n3A_1839 = arith.select %eq3A_1828, %broadcast_in_dim3A_1838, %select_n3A_1822 : vector<512x1024xi1>, vector<512x1024xf32>
    %add3A_1840 = arith.addf %add3A_1823, %broadcast_in_dim3A_1836 : vector<512x1xf32>
    %reduce_max3A_1841 = arith.constant dense<0xFF800000> : vector<512xf32>
    %reduce_max3A_1842 = vector.multi_reduction <maximumf>, %select_n3A_1839, %reduce_max3A_1841 [1] : vector<512x1024xf32> to vector<512xf32>
    %broadcast_in_dim3A_1843 = vector.shape_cast %reduce_max3A_1842 : vector<512xf32> to vector<512x1xf32>
    %eq3A_1844 = vector.broadcast %broadcast_in_dim3A_1843 : vector<512x1xf32> to vector<512x1024xf32>
    %eq3A_1845 = arith.cmpf oeq, %select_n3A_1839, %eq3A_1844 : vector<512x1024xf32>
    %jit3A_1846 = arith.constant 1.000000e+00 : f32
    %jit3A_1847 = arith.constant 0.000000e+00 : f32
    %broadcast_in_dim3A_1848 = vector.broadcast %jit3A_1846 : f32 to vector<512x1024xf32>
    %broadcast_in_dim3A_1849 = vector.broadcast %jit3A_1847 : f32 to vector<512x1024xf32>
    %select_n3A_1850 = arith.select %eq3A_1845, %broadcast_in_dim3A_1848, %broadcast_in_dim3A_1849 : vector<512x1024xi1>, vector<512x1024xf32>
    %reduce_sum3A_1851 = arith.constant dense<0.000000e+00> : vector<512xf32>
    %reduce_sum3A_1852 = vector.multi_reduction <add>, %select_n3A_1850, %reduce_sum3A_1851 [1] : vector<512x1024xf32> to vector<512xf32>
    %broadcast_in_dim3A_1853 = vector.shape_cast %reduce_sum3A_1852 : vector<512xf32> to vector<512x1xf32>
    %jit3A_1854 = arith.constant -1.000000e+00 : f32
    %broadcast_in_dim3A_1855 = vector.broadcast %jit3A_1854 : f32 to vector<512x1024xf32>
    %select_n3A_1856 = arith.select %eq3A_1845, %broadcast_in_dim3A_1855, %select_n3A_1839 : vector<512x1024xi1>, vector<512x1024xf32>
    %add3A_1857 = arith.addf %add3A_1840, %broadcast_in_dim3A_1853 : vector<512x1xf32>
    %reduce_max3A_1858 = arith.constant dense<0xFF800000> : vector<512xf32>
    %reduce_max3A_1859 = vector.multi_reduction <maximumf>, %select_n3A_1856, %reduce_max3A_1858 [1] : vector<512x1024xf32> to vector<512xf32>
    %broadcast_in_dim3A_1860 = vector.shape_cast %reduce_max3A_1859 : vector<512xf32> to vector<512x1xf32>
    %eq3A_1861 = vector.broadcast %broadcast_in_dim3A_1860 : vector<512x1xf32> to vector<512x1024xf32>
    %eq3A_1862 = arith.cmpf oeq, %select_n3A_1856, %eq3A_1861 : vector<512x1024xf32>
    %jit3A_1863 = arith.constant 1.000000e+00 : f32
    %jit3A_1864 = arith.constant 0.000000e+00 : f32
    %broadcast_in_dim3A_1865 = vector.broadcast %jit3A_1863 : f32 to vector<512x1024xf32>
    %broadcast_in_dim3A_1866 = vector.broadcast %jit3A_1864 : f32 to vector<512x1024xf32>
    %select_n3A_1867 = arith.select %eq3A_1862, %broadcast_in_dim3A_1865, %broadcast_in_dim3A_1866 : vector<512x1024xi1>, vector<512x1024xf32>
    %reduce_sum3A_1868 = arith.constant dense<0.000000e+00> : vector<512xf32>
    %reduce_sum3A_1869 = vector.multi_reduction <add>, %select_n3A_1867, %reduce_sum3A_1868 [1] : vector<512x1024xf32> to vector<512xf32>
    %broadcast_in_dim3A_1870 = vector.shape_cast %reduce_sum3A_1869 : vector<512xf32> to vector<512x1xf32>
    %jit3A_1871 = arith.constant -1.000000e+00 : f32
    %broadcast_in_dim3A_1872 = vector.broadcast %jit3A_1871 : f32 to vector<512x1024xf32>
    %select_n3A_1873 = arith.select %eq3A_1862, %broadcast_in_dim3A_1872, %select_n3A_1856 : vector<512x1024xi1>, vector<512x1024xf32>
    %add3A_1874 = arith.addf %add3A_1857, %broadcast_in_dim3A_1870 : vector<512x1xf32>
    %reduce_max3A_1875 = arith.constant dense<0xFF800000> : vector<512xf32>
    %reduce_max3A_1876 = vector.multi_reduction <maximumf>, %select_n3A_1873, %reduce_max3A_1875 [1] : vector<512x1024xf32> to vector<512xf32>
    %broadcast_in_dim3A_1877 = vector.shape_cast %reduce_max3A_1876 : vector<512xf32> to vector<512x1xf32>
    %eq3A_1878 = vector.broadcast %broadcast_in_dim3A_1877 : vector<512x1xf32> to vector<512x1024xf32>
    %eq3A_1879 = arith.cmpf oeq, %select_n3A_1873, %eq3A_1878 : vector<512x1024xf32>
    %jit3A_1880 = arith.constant 1.000000e+00 : f32
    %jit3A_1881 = arith.constant 0.000000e+00 : f32
    %broadcast_in_dim3A_1882 = vector.broadcast %jit3A_1880 : f32 to vector<512x1024xf32>
    %broadcast_in_dim3A_1883 = vector.broadcast %jit3A_1881 : f32 to vector<512x1024xf32>
    %select_n3A_1884 = arith.select %eq3A_1879, %broadcast_in_dim3A_1882, %broadcast_in_dim3A_1883 : vector<512x1024xi1>, vector<512x1024xf32>
    %reduce_sum3A_1885 = arith.constant dense<0.000000e+00> : vector<512xf32>
    %reduce_sum3A_1886 = vector.multi_reduction <add>, %select_n3A_1884, %reduce_sum3A_1885 [1] : vector<512x1024xf32> to vector<512xf32>
    %broadcast_in_dim3A_1887 = vector.shape_cast %reduce_sum3A_1886 : vector<512xf32> to vector<512x1xf32>
    %jit3A_1888 = arith.constant -1.000000e+00 : f32
    %broadcast_in_dim3A_1889 = vector.broadcast %jit3A_1888 : f32 to vector<512x1024xf32>
    %select_n3A_1890 = arith.select %eq3A_1879, %broadcast_in_dim3A_1889, %select_n3A_1873 : vector<512x1024xi1>, vector<512x1024xf32>
    %add3A_1891 = arith.addf %add3A_1874, %broadcast_in_dim3A_1887 : vector<512x1xf32>
    %reduce_max3A_1892 = arith.constant dense<0xFF800000> : vector<512xf32>
    %reduce_max3A_1893 = vector.multi_reduction <maximumf>, %select_n3A_1890, %reduce_max3A_1892 [1] : vector<512x1024xf32> to vector<512xf32>
    %broadcast_in_dim3A_1894 = vector.shape_cast %reduce_max3A_1893 : vector<512xf32> to vector<512x1xf32>
    %eq3A_1895 = vector.broadcast %broadcast_in_dim3A_1894 : vector<512x1xf32> to vector<512x1024xf32>
    %eq3A_1896 = arith.cmpf oeq, %select_n3A_1890, %eq3A_1895 : vector<512x1024xf32>
    %jit3A_1897 = arith.constant 1.000000e+00 : f32
    %jit3A_1898 = arith.constant 0.000000e+00 : f32
    %broadcast_in_dim3A_1899 = vector.broadcast %jit3A_1897 : f32 to vector<512x1024xf32>
    %broadcast_in_dim3A_1900 = vector.broadcast %jit3A_1898 : f32 to vector<512x1024xf32>
    %select_n3A_1901 = arith.select %eq3A_1896, %broadcast_in_dim3A_1899, %broadcast_in_dim3A_1900 : vector<512x1024xi1>, vector<512x1024xf32>
    %reduce_sum3A_1902 = arith.constant dense<0.000000e+00> : vector<512xf32>
    %reduce_sum3A_1903 = vector.multi_reduction <add>, %select_n3A_1901, %reduce_sum3A_1902 [1] : vector<512x1024xf32> to vector<512xf32>
    %broadcast_in_dim3A_1904 = vector.shape_cast %reduce_sum3A_1903 : vector<512xf32> to vector<512x1xf32>
    %jit3A_1905 = arith.constant -1.000000e+00 : f32
    %broadcast_in_dim3A_1906 = vector.broadcast %jit3A_1905 : f32 to vector<512x1024xf32>
    %select_n3A_1907 = arith.select %eq3A_1896, %broadcast_in_dim3A_1906, %select_n3A_1890 : vector<512x1024xi1>, vector<512x1024xf32>
    %add3A_1908 = arith.addf %add3A_1891, %broadcast_in_dim3A_1904 : vector<512x1xf32>
    %reduce_max3A_1909 = arith.constant dense<0xFF800000> : vector<512xf32>
    %reduce_max3A_1910 = vector.multi_reduction <maximumf>, %select_n3A_1907, %reduce_max3A_1909 [1] : vector<512x1024xf32> to vector<512xf32>
    %broadcast_in_dim3A_1911 = vector.shape_cast %reduce_max3A_1910 : vector<512xf32> to vector<512x1xf32>
    %eq3A_1912 = vector.broadcast %broadcast_in_dim3A_1911 : vector<512x1xf32> to vector<512x1024xf32>
    %eq3A_1913 = arith.cmpf oeq, %select_n3A_1907, %eq3A_1912 : vector<512x1024xf32>
    %jit3A_1914 = arith.constant 1.000000e+00 : f32
    %jit3A_1915 = arith.constant 0.000000e+00 : f32
    %broadcast_in_dim3A_1916 = vector.broadcast %jit3A_1914 : f32 to vector<512x1024xf32>
    %broadcast_in_dim3A_1917 = vector.broadcast %jit3A_1915 : f32 to vector<512x1024xf32>
    %select_n3A_1918 = arith.select %eq3A_1913, %broadcast_in_dim3A_1916, %broadcast_in_dim3A_1917 : vector<512x1024xi1>, vector<512x1024xf32>
    %reduce_sum3A_1919 = arith.constant dense<0.000000e+00> : vector<512xf32>
    %reduce_sum3A_1920 = vector.multi_reduction <add>, %select_n3A_1918, %reduce_sum3A_1919 [1] : vector<512x1024xf32> to vector<512xf32>
    %broadcast_in_dim3A_1921 = vector.shape_cast %reduce_sum3A_1920 : vector<512xf32> to vector<512x1xf32>
    %jit3A_1922 = arith.constant -1.000000e+00 : f32
    %broadcast_in_dim3A_1923 = vector.broadcast %jit3A_1922 : f32 to vector<512x1024xf32>
    %select_n3A_1924 = arith.select %eq3A_1913, %broadcast_in_dim3A_1923, %select_n3A_1907 : vector<512x1024xi1>, vector<512x1024xf32>
    %add3A_1925 = arith.addf %add3A_1908, %broadcast_in_dim3A_1921 : vector<512x1xf32>
    %reduce_max3A_1926 = arith.constant dense<0xFF800000> : vector<512xf32>
    %reduce_max3A_1927 = vector.multi_reduction <maximumf>, %select_n3A_1924, %reduce_max3A_1926 [1] : vector<512x1024xf32> to vector<512xf32>
    %broadcast_in_dim3A_1928 = vector.shape_cast %reduce_max3A_1927 : vector<512xf32> to vector<512x1xf32>
    %eq3A_1929 = vector.broadcast %broadcast_in_dim3A_1928 : vector<512x1xf32> to vector<512x1024xf32>
    %eq3A_1930 = arith.cmpf oeq, %select_n3A_1924, %eq3A_1929 : vector<512x1024xf32>
    %jit3A_1931 = arith.constant 1.000000e+00 : f32
    %jit3A_1932 = arith.constant 0.000000e+00 : f32
    %broadcast_in_dim3A_1933 = vector.broadcast %jit3A_1931 : f32 to vector<512x1024xf32>
    %broadcast_in_dim3A_1934 = vector.broadcast %jit3A_1932 : f32 to vector<512x1024xf32>
    %select_n3A_1935 = arith.select %eq3A_1930, %broadcast_in_dim3A_1933, %broadcast_in_dim3A_1934 : vector<512x1024xi1>, vector<512x1024xf32>
    %reduce_sum3A_1936 = arith.constant dense<0.000000e+00> : vector<512xf32>
    %reduce_sum3A_1937 = vector.multi_reduction <add>, %select_n3A_1935, %reduce_sum3A_1936 [1] : vector<512x1024xf32> to vector<512xf32>
    %broadcast_in_dim3A_1938 = vector.shape_cast %reduce_sum3A_1937 : vector<512xf32> to vector<512x1xf32>
    %jit3A_1939 = arith.constant -1.000000e+00 : f32
    %broadcast_in_dim3A_1940 = vector.broadcast %jit3A_1939 : f32 to vector<512x1024xf32>
    %select_n3A_1941 = arith.select %eq3A_1930, %broadcast_in_dim3A_1940, %select_n3A_1924 : vector<512x1024xi1>, vector<512x1024xf32>
    %add3A_1942 = arith.addf %add3A_1925, %broadcast_in_dim3A_1938 : vector<512x1xf32>
    %reduce_max3A_1943 = arith.constant dense<0xFF800000> : vector<512xf32>
    %reduce_max3A_1944 = vector.multi_reduction <maximumf>, %select_n3A_1941, %reduce_max3A_1943 [1] : vector<512x1024xf32> to vector<512xf32>
    %broadcast_in_dim3A_1945 = vector.shape_cast %reduce_max3A_1944 : vector<512xf32> to vector<512x1xf32>
    %eq3A_1946 = vector.broadcast %broadcast_in_dim3A_1945 : vector<512x1xf32> to vector<512x1024xf32>
    %eq3A_1947 = arith.cmpf oeq, %select_n3A_1941, %eq3A_1946 : vector<512x1024xf32>
    %jit3A_1948 = arith.constant 1.000000e+00 : f32
    %jit3A_1949 = arith.constant 0.000000e+00 : f32
    %broadcast_in_dim3A_1950 = vector.broadcast %jit3A_1948 : f32 to vector<512x1024xf32>
    %broadcast_in_dim3A_1951 = vector.broadcast %jit3A_1949 : f32 to vector<512x1024xf32>
    %select_n3A_1952 = arith.select %eq3A_1947, %broadcast_in_dim3A_1950, %broadcast_in_dim3A_1951 : vector<512x1024xi1>, vector<512x1024xf32>
    %reduce_sum3A_1953 = arith.constant dense<0.000000e+00> : vector<512xf32>
    %reduce_sum3A_1954 = vector.multi_reduction <add>, %select_n3A_1952, %reduce_sum3A_1953 [1] : vector<512x1024xf32> to vector<512xf32>
    %broadcast_in_dim3A_1955 = vector.shape_cast %reduce_sum3A_1954 : vector<512xf32> to vector<512x1xf32>
    %jit3A_1956 = arith.constant -1.000000e+00 : f32
    %broadcast_in_dim3A_1957 = vector.broadcast %jit3A_1956 : f32 to vector<512x1024xf32>
    %select_n3A_1958 = arith.select %eq3A_1947, %broadcast_in_dim3A_1957, %select_n3A_1941 : vector<512x1024xi1>, vector<512x1024xf32>
    %add3A_1959 = arith.addf %add3A_1942, %broadcast_in_dim3A_1955 : vector<512x1xf32>
    %reduce_max3A_1960 = arith.constant dense<0xFF800000> : vector<512xf32>
    %reduce_max3A_1961 = vector.multi_reduction <maximumf>, %select_n3A_1958, %reduce_max3A_1960 [1] : vector<512x1024xf32> to vector<512xf32>
    %broadcast_in_dim3A_1962 = vector.shape_cast %reduce_max3A_1961 : vector<512xf32> to vector<512x1xf32>
    %eq3A_1963 = vector.broadcast %broadcast_in_dim3A_1962 : vector<512x1xf32> to vector<512x1024xf32>
    %eq3A_1964 = arith.cmpf oeq, %select_n3A_1958, %eq3A_1963 : vector<512x1024xf32>
    %jit3A_1965 = arith.constant 1.000000e+00 : f32
    %jit3A_1966 = arith.constant 0.000000e+00 : f32
    %broadcast_in_dim3A_1967 = vector.broadcast %jit3A_1965 : f32 to vector<512x1024xf32>
    %broadcast_in_dim3A_1968 = vector.broadcast %jit3A_1966 : f32 to vector<512x1024xf32>
    %select_n3A_1969 = arith.select %eq3A_1964, %broadcast_in_dim3A_1967, %broadcast_in_dim3A_1968 : vector<512x1024xi1>, vector<512x1024xf32>
    %reduce_sum3A_1970 = arith.constant dense<0.000000e+00> : vector<512xf32>
    %reduce_sum3A_1971 = vector.multi_reduction <add>, %select_n3A_1969, %reduce_sum3A_1970 [1] : vector<512x1024xf32> to vector<512xf32>
    %broadcast_in_dim3A_1972 = vector.shape_cast %reduce_sum3A_1971 : vector<512xf32> to vector<512x1xf32>
    %jit3A_1973 = arith.constant -1.000000e+00 : f32
    %broadcast_in_dim3A_1974 = vector.broadcast %jit3A_1973 : f32 to vector<512x1024xf32>
    %select_n3A_1975 = arith.select %eq3A_1964, %broadcast_in_dim3A_1974, %select_n3A_1958 : vector<512x1024xi1>, vector<512x1024xf32>
    %add3A_1976 = arith.addf %add3A_1959, %broadcast_in_dim3A_1972 : vector<512x1xf32>
    %reduce_max3A_1977 = arith.constant dense<0xFF800000> : vector<512xf32>
    %reduce_max3A_1978 = vector.multi_reduction <maximumf>, %select_n3A_1975, %reduce_max3A_1977 [1] : vector<512x1024xf32> to vector<512xf32>
    %broadcast_in_dim3A_1979 = vector.shape_cast %reduce_max3A_1978 : vector<512xf32> to vector<512x1xf32>
    %eq3A_1980 = vector.broadcast %broadcast_in_dim3A_1979 : vector<512x1xf32> to vector<512x1024xf32>
    %eq3A_1981 = arith.cmpf oeq, %select_n3A_1975, %eq3A_1980 : vector<512x1024xf32>
    %jit3A_1982 = arith.constant 1.000000e+00 : f32
    %jit3A_1983 = arith.constant 0.000000e+00 : f32
    %broadcast_in_dim3A_1984 = vector.broadcast %jit3A_1982 : f32 to vector<512x1024xf32>
    %broadcast_in_dim3A_1985 = vector.broadcast %jit3A_1983 : f32 to vector<512x1024xf32>
    %select_n3A_1986 = arith.select %eq3A_1981, %broadcast_in_dim3A_1984, %broadcast_in_dim3A_1985 : vector<512x1024xi1>, vector<512x1024xf32>
    %reduce_sum3A_1987 = arith.constant dense<0.000000e+00> : vector<512xf32>
    %reduce_sum3A_1988 = vector.multi_reduction <add>, %select_n3A_1986, %reduce_sum3A_1987 [1] : vector<512x1024xf32> to vector<512xf32>
    %broadcast_in_dim3A_1989 = vector.shape_cast %reduce_sum3A_1988 : vector<512xf32> to vector<512x1xf32>
    %jit3A_1990 = arith.constant -1.000000e+00 : f32
    %broadcast_in_dim3A_1991 = vector.broadcast %jit3A_1990 : f32 to vector<512x1024xf32>
    %select_n3A_1992 = arith.select %eq3A_1981, %broadcast_in_dim3A_1991, %select_n3A_1975 : vector<512x1024xi1>, vector<512x1024xf32>
    %add3A_1993 = arith.addf %add3A_1976, %broadcast_in_dim3A_1989 : vector<512x1xf32>
    %reduce_max3A_1994 = arith.constant dense<0xFF800000> : vector<512xf32>
    %reduce_max3A_1995 = vector.multi_reduction <maximumf>, %select_n3A_1992, %reduce_max3A_1994 [1] : vector<512x1024xf32> to vector<512xf32>
    %broadcast_in_dim3A_1996 = vector.shape_cast %reduce_max3A_1995 : vector<512xf32> to vector<512x1xf32>
    %eq3A_1997 = vector.broadcast %broadcast_in_dim3A_1996 : vector<512x1xf32> to vector<512x1024xf32>
    %eq3A_1998 = arith.cmpf oeq, %select_n3A_1992, %eq3A_1997 : vector<512x1024xf32>
    %jit3A_1999 = arith.constant 1.000000e+00 : f32
    %jit3A_2000 = arith.constant 0.000000e+00 : f32
    %broadcast_in_dim3A_2001 = vector.broadcast %jit3A_1999 : f32 to vector<512x1024xf32>
    %broadcast_in_dim3A_2002 = vector.broadcast %jit3A_2000 : f32 to vector<512x1024xf32>
    %select_n3A_2003 = arith.select %eq3A_1998, %broadcast_in_dim3A_2001, %broadcast_in_dim3A_2002 : vector<512x1024xi1>, vector<512x1024xf32>
    %reduce_sum3A_2004 = arith.constant dense<0.000000e+00> : vector<512xf32>
    %reduce_sum3A_2005 = vector.multi_reduction <add>, %select_n3A_2003, %reduce_sum3A_2004 [1] : vector<512x1024xf32> to vector<512xf32>
    %broadcast_in_dim3A_2006 = vector.shape_cast %reduce_sum3A_2005 : vector<512xf32> to vector<512x1xf32>
    %jit3A_2007 = arith.constant -1.000000e+00 : f32
    %broadcast_in_dim3A_2008 = vector.broadcast %jit3A_2007 : f32 to vector<512x1024xf32>
    %select_n3A_2009 = arith.select %eq3A_1998, %broadcast_in_dim3A_2008, %select_n3A_1992 : vector<512x1024xi1>, vector<512x1024xf32>
    %add3A_2010 = arith.addf %add3A_1993, %broadcast_in_dim3A_2006 : vector<512x1xf32>
    %reduce_max3A_2011 = arith.constant dense<0xFF800000> : vector<512xf32>
    %reduce_max3A_2012 = vector.multi_reduction <maximumf>, %select_n3A_2009, %reduce_max3A_2011 [1] : vector<512x1024xf32> to vector<512xf32>
    %broadcast_in_dim3A_2013 = vector.shape_cast %reduce_max3A_2012 : vector<512xf32> to vector<512x1xf32>
    %eq3A_2014 = vector.broadcast %broadcast_in_dim3A_2013 : vector<512x1xf32> to vector<512x1024xf32>
    %eq3A_2015 = arith.cmpf oeq, %select_n3A_2009, %eq3A_2014 : vector<512x1024xf32>
    %jit3A_2016 = arith.constant 1.000000e+00 : f32
    %jit3A_2017 = arith.constant 0.000000e+00 : f32
    %broadcast_in_dim3A_2018 = vector.broadcast %jit3A_2016 : f32 to vector<512x1024xf32>
    %broadcast_in_dim3A_2019 = vector.broadcast %jit3A_2017 : f32 to vector<512x1024xf32>
    %select_n3A_2020 = arith.select %eq3A_2015, %broadcast_in_dim3A_2018, %broadcast_in_dim3A_2019 : vector<512x1024xi1>, vector<512x1024xf32>
    %reduce_sum3A_2021 = arith.constant dense<0.000000e+00> : vector<512xf32>
    %reduce_sum3A_2022 = vector.multi_reduction <add>, %select_n3A_2020, %reduce_sum3A_2021 [1] : vector<512x1024xf32> to vector<512xf32>
    %broadcast_in_dim3A_2023 = vector.shape_cast %reduce_sum3A_2022 : vector<512xf32> to vector<512x1xf32>
    %jit3A_2024 = arith.constant -1.000000e+00 : f32
    %broadcast_in_dim3A_2025 = vector.broadcast %jit3A_2024 : f32 to vector<512x1024xf32>
    %select_n3A_2026 = arith.select %eq3A_2015, %broadcast_in_dim3A_2025, %select_n3A_2009 : vector<512x1024xi1>, vector<512x1024xf32>
    %add3A_2027 = arith.addf %add3A_2010, %broadcast_in_dim3A_2023 : vector<512x1xf32>
    %reduce_max3A_2028 = arith.constant dense<0xFF800000> : vector<512xf32>
    %reduce_max3A_2029 = vector.multi_reduction <maximumf>, %select_n3A_2026, %reduce_max3A_2028 [1] : vector<512x1024xf32> to vector<512xf32>
    %broadcast_in_dim3A_2030 = vector.shape_cast %reduce_max3A_2029 : vector<512xf32> to vector<512x1xf32>
    %eq3A_2031 = vector.broadcast %broadcast_in_dim3A_2030 : vector<512x1xf32> to vector<512x1024xf32>
    %eq3A_2032 = arith.cmpf oeq, %select_n3A_2026, %eq3A_2031 : vector<512x1024xf32>
    %jit3A_2033 = arith.constant 1.000000e+00 : f32
    %jit3A_2034 = arith.constant 0.000000e+00 : f32
    %broadcast_in_dim3A_2035 = vector.broadcast %jit3A_2033 : f32 to vector<512x1024xf32>
    %broadcast_in_dim3A_2036 = vector.broadcast %jit3A_2034 : f32 to vector<512x1024xf32>
    %select_n3A_2037 = arith.select %eq3A_2032, %broadcast_in_dim3A_2035, %broadcast_in_dim3A_2036 : vector<512x1024xi1>, vector<512x1024xf32>
    %reduce_sum3A_2038 = arith.constant dense<0.000000e+00> : vector<512xf32>
    %reduce_sum3A_2039 = vector.multi_reduction <add>, %select_n3A_2037, %reduce_sum3A_2038 [1] : vector<512x1024xf32> to vector<512xf32>
    %broadcast_in_dim3A_2040 = vector.shape_cast %reduce_sum3A_2039 : vector<512xf32> to vector<512x1xf32>
    %add3A_2041 = arith.addf %add3A_2027, %broadcast_in_dim3A_2040 : vector<512x1xf32>
    %convert_element_type3A_2042 = arith.sitofp %iota3A : vector<512x32xi32> to vector<512x32xf32>
    %broadcast_in_dim3A_2043 = arith.constant 0.000000e+00 : f32
    %broadcast_in_dim3A_2044 = vector.broadcast %broadcast_in_dim3A_2043 : f32 to vector<512x32xf32>
    %broadcast_in_dim3A_2045 = arith.constant 0.000000e+00 : f32
    %broadcast_in_dim3A_2046 = vector.broadcast %broadcast_in_dim3A_2045 : f32 to vector<512x1xf32>
    %ge3A = vector.broadcast %broadcast_in_dim3A_2046 : vector<512x1xf32> to vector<512x32xf32>
    %ge3A_2047 = arith.cmpf oge, %convert_element_type3A_2042, %ge3A : vector<512x32xf32>
    %lt3A_2048 = vector.broadcast %broadcast_in_dim3A_1514 : vector<512x1xf32> to vector<512x32xf32>
    %lt3A_2049 = arith.cmpf olt, %convert_element_type3A_2042, %lt3A_2048 : vector<512x32xf32>
    %and3A_2050 = arith.andi %ge3A_2047, %lt3A_2049 : vector<512x32xi1>
    %jit3A_2051 = arith.constant 0.000000e+00 : f32
    %broadcast_in_dim3A_2052 = vector.shape_cast %broadcast_in_dim3A_1504 : vector<512x1xf32> to vector<512x1xf32>
    %broadcast_in_dim3A_2053 = vector.broadcast %broadcast_in_dim3A_2052 : vector<512x1xf32> to vector<512x32xf32>
    %broadcast_in_dim3A_2054 = vector.broadcast %jit3A_2051 : f32 to vector<512x32xf32>
    %select_n3A_2055 = arith.select %and3A_2050, %broadcast_in_dim3A_2053, %broadcast_in_dim3A_2054 : vector<512x32xi1>, vector<512x32xf32>
    %add3A_2056 = arith.addf %broadcast_in_dim3A_2044, %select_n3A_2055 : vector<512x32xf32>
    %ge3A_2057 = vector.broadcast %broadcast_in_dim3A_1514 : vector<512x1xf32> to vector<512x32xf32>
    %ge3A_2058 = arith.cmpf oge, %convert_element_type3A_2042, %ge3A_2057 : vector<512x32xf32>
    %lt3A_2059 = vector.broadcast %add3A_1534 : vector<512x1xf32> to vector<512x32xf32>
    %lt3A_2060 = arith.cmpf olt, %convert_element_type3A_2042, %lt3A_2059 : vector<512x32xf32>
    %and3A_2061 = arith.andi %ge3A_2058, %lt3A_2060 : vector<512x32xi1>
    %jit3A_2062 = arith.constant 0.000000e+00 : f32
    %broadcast_in_dim3A_2063 = vector.shape_cast %broadcast_in_dim3A_1520 : vector<512x1xf32> to vector<512x1xf32>
    %broadcast_in_dim3A_2064 = vector.broadcast %broadcast_in_dim3A_2063 : vector<512x1xf32> to vector<512x32xf32>
    %broadcast_in_dim3A_2065 = vector.broadcast %jit3A_2062 : f32 to vector<512x32xf32>
    %select_n3A_2066 = arith.select %and3A_2061, %broadcast_in_dim3A_2064, %broadcast_in_dim3A_2065 : vector<512x32xi1>, vector<512x32xf32>
    %add3A_2067 = arith.addf %add3A_2056, %select_n3A_2066 : vector<512x32xf32>
    %ge3A_2068 = vector.broadcast %add3A_1534 : vector<512x1xf32> to vector<512x32xf32>
    %ge3A_2069 = arith.cmpf oge, %convert_element_type3A_2042, %ge3A_2068 : vector<512x32xf32>
    %lt3A_2070 = vector.broadcast %add3A_1551 : vector<512x1xf32> to vector<512x32xf32>
    %lt3A_2071 = arith.cmpf olt, %convert_element_type3A_2042, %lt3A_2070 : vector<512x32xf32>
    %and3A_2072 = arith.andi %ge3A_2069, %lt3A_2071 : vector<512x32xi1>
    %jit3A_2073 = arith.constant 0.000000e+00 : f32
    %broadcast_in_dim3A_2074 = vector.shape_cast %broadcast_in_dim3A_1537 : vector<512x1xf32> to vector<512x1xf32>
    %broadcast_in_dim3A_2075 = vector.broadcast %broadcast_in_dim3A_2074 : vector<512x1xf32> to vector<512x32xf32>
    %broadcast_in_dim3A_2076 = vector.broadcast %jit3A_2073 : f32 to vector<512x32xf32>
    %select_n3A_2077 = arith.select %and3A_2072, %broadcast_in_dim3A_2075, %broadcast_in_dim3A_2076 : vector<512x32xi1>, vector<512x32xf32>
    %add3A_2078 = arith.addf %add3A_2067, %select_n3A_2077 : vector<512x32xf32>
    %ge3A_2079 = vector.broadcast %add3A_1551 : vector<512x1xf32> to vector<512x32xf32>
    %ge3A_2080 = arith.cmpf oge, %convert_element_type3A_2042, %ge3A_2079 : vector<512x32xf32>
    %lt3A_2081 = vector.broadcast %add3A_1568 : vector<512x1xf32> to vector<512x32xf32>
    %lt3A_2082 = arith.cmpf olt, %convert_element_type3A_2042, %lt3A_2081 : vector<512x32xf32>
    %and3A_2083 = arith.andi %ge3A_2080, %lt3A_2082 : vector<512x32xi1>
    %jit3A_2084 = arith.constant 0.000000e+00 : f32
    %broadcast_in_dim3A_2085 = vector.shape_cast %broadcast_in_dim3A_1554 : vector<512x1xf32> to vector<512x1xf32>
    %broadcast_in_dim3A_2086 = vector.broadcast %broadcast_in_dim3A_2085 : vector<512x1xf32> to vector<512x32xf32>
    %broadcast_in_dim3A_2087 = vector.broadcast %jit3A_2084 : f32 to vector<512x32xf32>
    %select_n3A_2088 = arith.select %and3A_2083, %broadcast_in_dim3A_2086, %broadcast_in_dim3A_2087 : vector<512x32xi1>, vector<512x32xf32>
    %add3A_2089 = arith.addf %add3A_2078, %select_n3A_2088 : vector<512x32xf32>
    %ge3A_2090 = vector.broadcast %add3A_1568 : vector<512x1xf32> to vector<512x32xf32>
    %ge3A_2091 = arith.cmpf oge, %convert_element_type3A_2042, %ge3A_2090 : vector<512x32xf32>
    %lt3A_2092 = vector.broadcast %add3A_1585 : vector<512x1xf32> to vector<512x32xf32>
    %lt3A_2093 = arith.cmpf olt, %convert_element_type3A_2042, %lt3A_2092 : vector<512x32xf32>
    %and3A_2094 = arith.andi %ge3A_2091, %lt3A_2093 : vector<512x32xi1>
    %jit3A_2095 = arith.constant 0.000000e+00 : f32
    %broadcast_in_dim3A_2096 = vector.shape_cast %broadcast_in_dim3A_1571 : vector<512x1xf32> to vector<512x1xf32>
    %broadcast_in_dim3A_2097 = vector.broadcast %broadcast_in_dim3A_2096 : vector<512x1xf32> to vector<512x32xf32>
    %broadcast_in_dim3A_2098 = vector.broadcast %jit3A_2095 : f32 to vector<512x32xf32>
    %select_n3A_2099 = arith.select %and3A_2094, %broadcast_in_dim3A_2097, %broadcast_in_dim3A_2098 : vector<512x32xi1>, vector<512x32xf32>
    %add3A_2100 = arith.addf %add3A_2089, %select_n3A_2099 : vector<512x32xf32>
    %ge3A_2101 = vector.broadcast %add3A_1585 : vector<512x1xf32> to vector<512x32xf32>
    %ge3A_2102 = arith.cmpf oge, %convert_element_type3A_2042, %ge3A_2101 : vector<512x32xf32>
    %lt3A_2103 = vector.broadcast %add3A_1602 : vector<512x1xf32> to vector<512x32xf32>
    %lt3A_2104 = arith.cmpf olt, %convert_element_type3A_2042, %lt3A_2103 : vector<512x32xf32>
    %and3A_2105 = arith.andi %ge3A_2102, %lt3A_2104 : vector<512x32xi1>
    %jit3A_2106 = arith.constant 0.000000e+00 : f32
    %broadcast_in_dim3A_2107 = vector.shape_cast %broadcast_in_dim3A_1588 : vector<512x1xf32> to vector<512x1xf32>
    %broadcast_in_dim3A_2108 = vector.broadcast %broadcast_in_dim3A_2107 : vector<512x1xf32> to vector<512x32xf32>
    %broadcast_in_dim3A_2109 = vector.broadcast %jit3A_2106 : f32 to vector<512x32xf32>
    %select_n3A_2110 = arith.select %and3A_2105, %broadcast_in_dim3A_2108, %broadcast_in_dim3A_2109 : vector<512x32xi1>, vector<512x32xf32>
    %add3A_2111 = arith.addf %add3A_2100, %select_n3A_2110 : vector<512x32xf32>
    %ge3A_2112 = vector.broadcast %add3A_1602 : vector<512x1xf32> to vector<512x32xf32>
    %ge3A_2113 = arith.cmpf oge, %convert_element_type3A_2042, %ge3A_2112 : vector<512x32xf32>
    %lt3A_2114 = vector.broadcast %add3A_1619 : vector<512x1xf32> to vector<512x32xf32>
    %lt3A_2115 = arith.cmpf olt, %convert_element_type3A_2042, %lt3A_2114 : vector<512x32xf32>
    %and3A_2116 = arith.andi %ge3A_2113, %lt3A_2115 : vector<512x32xi1>
    %jit3A_2117 = arith.constant 0.000000e+00 : f32
    %broadcast_in_dim3A_2118 = vector.shape_cast %broadcast_in_dim3A_1605 : vector<512x1xf32> to vector<512x1xf32>
    %broadcast_in_dim3A_2119 = vector.broadcast %broadcast_in_dim3A_2118 : vector<512x1xf32> to vector<512x32xf32>
    %broadcast_in_dim3A_2120 = vector.broadcast %jit3A_2117 : f32 to vector<512x32xf32>
    %select_n3A_2121 = arith.select %and3A_2116, %broadcast_in_dim3A_2119, %broadcast_in_dim3A_2120 : vector<512x32xi1>, vector<512x32xf32>
    %add3A_2122 = arith.addf %add3A_2111, %select_n3A_2121 : vector<512x32xf32>
    %ge3A_2123 = vector.broadcast %add3A_1619 : vector<512x1xf32> to vector<512x32xf32>
    %ge3A_2124 = arith.cmpf oge, %convert_element_type3A_2042, %ge3A_2123 : vector<512x32xf32>
    %lt3A_2125 = vector.broadcast %add3A_1636 : vector<512x1xf32> to vector<512x32xf32>
    %lt3A_2126 = arith.cmpf olt, %convert_element_type3A_2042, %lt3A_2125 : vector<512x32xf32>
    %and3A_2127 = arith.andi %ge3A_2124, %lt3A_2126 : vector<512x32xi1>
    %jit3A_2128 = arith.constant 0.000000e+00 : f32
    %broadcast_in_dim3A_2129 = vector.shape_cast %broadcast_in_dim3A_1622 : vector<512x1xf32> to vector<512x1xf32>
    %broadcast_in_dim3A_2130 = vector.broadcast %broadcast_in_dim3A_2129 : vector<512x1xf32> to vector<512x32xf32>
    %broadcast_in_dim3A_2131 = vector.broadcast %jit3A_2128 : f32 to vector<512x32xf32>
    %select_n3A_2132 = arith.select %and3A_2127, %broadcast_in_dim3A_2130, %broadcast_in_dim3A_2131 : vector<512x32xi1>, vector<512x32xf32>
    %add3A_2133 = arith.addf %add3A_2122, %select_n3A_2132 : vector<512x32xf32>
    %ge3A_2134 = vector.broadcast %add3A_1636 : vector<512x1xf32> to vector<512x32xf32>
    %ge3A_2135 = arith.cmpf oge, %convert_element_type3A_2042, %ge3A_2134 : vector<512x32xf32>
    %lt3A_2136 = vector.broadcast %add3A_1653 : vector<512x1xf32> to vector<512x32xf32>
    %lt3A_2137 = arith.cmpf olt, %convert_element_type3A_2042, %lt3A_2136 : vector<512x32xf32>
    %and3A_2138 = arith.andi %ge3A_2135, %lt3A_2137 : vector<512x32xi1>
    %jit3A_2139 = arith.constant 0.000000e+00 : f32
    %broadcast_in_dim3A_2140 = vector.shape_cast %broadcast_in_dim3A_1639 : vector<512x1xf32> to vector<512x1xf32>
    %broadcast_in_dim3A_2141 = vector.broadcast %broadcast_in_dim3A_2140 : vector<512x1xf32> to vector<512x32xf32>
    %broadcast_in_dim3A_2142 = vector.broadcast %jit3A_2139 : f32 to vector<512x32xf32>
    %select_n3A_2143 = arith.select %and3A_2138, %broadcast_in_dim3A_2141, %broadcast_in_dim3A_2142 : vector<512x32xi1>, vector<512x32xf32>
    %add3A_2144 = arith.addf %add3A_2133, %select_n3A_2143 : vector<512x32xf32>
    %ge3A_2145 = vector.broadcast %add3A_1653 : vector<512x1xf32> to vector<512x32xf32>
    %ge3A_2146 = arith.cmpf oge, %convert_element_type3A_2042, %ge3A_2145 : vector<512x32xf32>
    %lt3A_2147 = vector.broadcast %add3A_1670 : vector<512x1xf32> to vector<512x32xf32>
    %lt3A_2148 = arith.cmpf olt, %convert_element_type3A_2042, %lt3A_2147 : vector<512x32xf32>
    %and3A_2149 = arith.andi %ge3A_2146, %lt3A_2148 : vector<512x32xi1>
    %jit3A_2150 = arith.constant 0.000000e+00 : f32
    %broadcast_in_dim3A_2151 = vector.shape_cast %broadcast_in_dim3A_1656 : vector<512x1xf32> to vector<512x1xf32>
    %broadcast_in_dim3A_2152 = vector.broadcast %broadcast_in_dim3A_2151 : vector<512x1xf32> to vector<512x32xf32>
    %broadcast_in_dim3A_2153 = vector.broadcast %jit3A_2150 : f32 to vector<512x32xf32>
    %select_n3A_2154 = arith.select %and3A_2149, %broadcast_in_dim3A_2152, %broadcast_in_dim3A_2153 : vector<512x32xi1>, vector<512x32xf32>
    %add3A_2155 = arith.addf %add3A_2144, %select_n3A_2154 : vector<512x32xf32>
    %ge3A_2156 = vector.broadcast %add3A_1670 : vector<512x1xf32> to vector<512x32xf32>
    %ge3A_2157 = arith.cmpf oge, %convert_element_type3A_2042, %ge3A_2156 : vector<512x32xf32>
    %lt3A_2158 = vector.broadcast %add3A_1687 : vector<512x1xf32> to vector<512x32xf32>
    %lt3A_2159 = arith.cmpf olt, %convert_element_type3A_2042, %lt3A_2158 : vector<512x32xf32>
    %and3A_2160 = arith.andi %ge3A_2157, %lt3A_2159 : vector<512x32xi1>
    %jit3A_2161 = arith.constant 0.000000e+00 : f32
    %broadcast_in_dim3A_2162 = vector.shape_cast %broadcast_in_dim3A_1673 : vector<512x1xf32> to vector<512x1xf32>
    %broadcast_in_dim3A_2163 = vector.broadcast %broadcast_in_dim3A_2162 : vector<512x1xf32> to vector<512x32xf32>
    %broadcast_in_dim3A_2164 = vector.broadcast %jit3A_2161 : f32 to vector<512x32xf32>
    %select_n3A_2165 = arith.select %and3A_2160, %broadcast_in_dim3A_2163, %broadcast_in_dim3A_2164 : vector<512x32xi1>, vector<512x32xf32>
    %add3A_2166 = arith.addf %add3A_2155, %select_n3A_2165 : vector<512x32xf32>
    %ge3A_2167 = vector.broadcast %add3A_1687 : vector<512x1xf32> to vector<512x32xf32>
    %ge3A_2168 = arith.cmpf oge, %convert_element_type3A_2042, %ge3A_2167 : vector<512x32xf32>
    %lt3A_2169 = vector.broadcast %add3A_1704 : vector<512x1xf32> to vector<512x32xf32>
    %lt3A_2170 = arith.cmpf olt, %convert_element_type3A_2042, %lt3A_2169 : vector<512x32xf32>
    %and3A_2171 = arith.andi %ge3A_2168, %lt3A_2170 : vector<512x32xi1>
    %jit3A_2172 = arith.constant 0.000000e+00 : f32
    %broadcast_in_dim3A_2173 = vector.shape_cast %broadcast_in_dim3A_1690 : vector<512x1xf32> to vector<512x1xf32>
    %broadcast_in_dim3A_2174 = vector.broadcast %broadcast_in_dim3A_2173 : vector<512x1xf32> to vector<512x32xf32>
    %broadcast_in_dim3A_2175 = vector.broadcast %jit3A_2172 : f32 to vector<512x32xf32>
    %select_n3A_2176 = arith.select %and3A_2171, %broadcast_in_dim3A_2174, %broadcast_in_dim3A_2175 : vector<512x32xi1>, vector<512x32xf32>
    %add3A_2177 = arith.addf %add3A_2166, %select_n3A_2176 : vector<512x32xf32>
    %ge3A_2178 = vector.broadcast %add3A_1704 : vector<512x1xf32> to vector<512x32xf32>
    %ge3A_2179 = arith.cmpf oge, %convert_element_type3A_2042, %ge3A_2178 : vector<512x32xf32>
    %lt3A_2180 = vector.broadcast %add3A_1721 : vector<512x1xf32> to vector<512x32xf32>
    %lt3A_2181 = arith.cmpf olt, %convert_element_type3A_2042, %lt3A_2180 : vector<512x32xf32>
    %and3A_2182 = arith.andi %ge3A_2179, %lt3A_2181 : vector<512x32xi1>
    %jit3A_2183 = arith.constant 0.000000e+00 : f32
    %broadcast_in_dim3A_2184 = vector.shape_cast %broadcast_in_dim3A_1707 : vector<512x1xf32> to vector<512x1xf32>
    %broadcast_in_dim3A_2185 = vector.broadcast %broadcast_in_dim3A_2184 : vector<512x1xf32> to vector<512x32xf32>
    %broadcast_in_dim3A_2186 = vector.broadcast %jit3A_2183 : f32 to vector<512x32xf32>
    %select_n3A_2187 = arith.select %and3A_2182, %broadcast_in_dim3A_2185, %broadcast_in_dim3A_2186 : vector<512x32xi1>, vector<512x32xf32>
    %add3A_2188 = arith.addf %add3A_2177, %select_n3A_2187 : vector<512x32xf32>
    %ge3A_2189 = vector.broadcast %add3A_1721 : vector<512x1xf32> to vector<512x32xf32>
    %ge3A_2190 = arith.cmpf oge, %convert_element_type3A_2042, %ge3A_2189 : vector<512x32xf32>
    %lt3A_2191 = vector.broadcast %add3A_1738 : vector<512x1xf32> to vector<512x32xf32>
    %lt3A_2192 = arith.cmpf olt, %convert_element_type3A_2042, %lt3A_2191 : vector<512x32xf32>
    %and3A_2193 = arith.andi %ge3A_2190, %lt3A_2192 : vector<512x32xi1>
    %jit3A_2194 = arith.constant 0.000000e+00 : f32
    %broadcast_in_dim3A_2195 = vector.shape_cast %broadcast_in_dim3A_1724 : vector<512x1xf32> to vector<512x1xf32>
    %broadcast_in_dim3A_2196 = vector.broadcast %broadcast_in_dim3A_2195 : vector<512x1xf32> to vector<512x32xf32>
    %broadcast_in_dim3A_2197 = vector.broadcast %jit3A_2194 : f32 to vector<512x32xf32>
    %select_n3A_2198 = arith.select %and3A_2193, %broadcast_in_dim3A_2196, %broadcast_in_dim3A_2197 : vector<512x32xi1>, vector<512x32xf32>
    %add3A_2199 = arith.addf %add3A_2188, %select_n3A_2198 : vector<512x32xf32>
    %ge3A_2200 = vector.broadcast %add3A_1738 : vector<512x1xf32> to vector<512x32xf32>
    %ge3A_2201 = arith.cmpf oge, %convert_element_type3A_2042, %ge3A_2200 : vector<512x32xf32>
    %lt3A_2202 = vector.broadcast %add3A_1755 : vector<512x1xf32> to vector<512x32xf32>
    %lt3A_2203 = arith.cmpf olt, %convert_element_type3A_2042, %lt3A_2202 : vector<512x32xf32>
    %and3A_2204 = arith.andi %ge3A_2201, %lt3A_2203 : vector<512x32xi1>
    %jit3A_2205 = arith.constant 0.000000e+00 : f32
    %broadcast_in_dim3A_2206 = vector.shape_cast %broadcast_in_dim3A_1741 : vector<512x1xf32> to vector<512x1xf32>
    %broadcast_in_dim3A_2207 = vector.broadcast %broadcast_in_dim3A_2206 : vector<512x1xf32> to vector<512x32xf32>
    %broadcast_in_dim3A_2208 = vector.broadcast %jit3A_2205 : f32 to vector<512x32xf32>
    %select_n3A_2209 = arith.select %and3A_2204, %broadcast_in_dim3A_2207, %broadcast_in_dim3A_2208 : vector<512x32xi1>, vector<512x32xf32>
    %add3A_2210 = arith.addf %add3A_2199, %select_n3A_2209 : vector<512x32xf32>
    %ge3A_2211 = vector.broadcast %add3A_1755 : vector<512x1xf32> to vector<512x32xf32>
    %ge3A_2212 = arith.cmpf oge, %convert_element_type3A_2042, %ge3A_2211 : vector<512x32xf32>
    %lt3A_2213 = vector.broadcast %add3A_1772 : vector<512x1xf32> to vector<512x32xf32>
    %lt3A_2214 = arith.cmpf olt, %convert_element_type3A_2042, %lt3A_2213 : vector<512x32xf32>
    %and3A_2215 = arith.andi %ge3A_2212, %lt3A_2214 : vector<512x32xi1>
    %jit3A_2216 = arith.constant 0.000000e+00 : f32
    %broadcast_in_dim3A_2217 = vector.shape_cast %broadcast_in_dim3A_1758 : vector<512x1xf32> to vector<512x1xf32>
    %broadcast_in_dim3A_2218 = vector.broadcast %broadcast_in_dim3A_2217 : vector<512x1xf32> to vector<512x32xf32>
    %broadcast_in_dim3A_2219 = vector.broadcast %jit3A_2216 : f32 to vector<512x32xf32>
    %select_n3A_2220 = arith.select %and3A_2215, %broadcast_in_dim3A_2218, %broadcast_in_dim3A_2219 : vector<512x32xi1>, vector<512x32xf32>
    %add3A_2221 = arith.addf %add3A_2210, %select_n3A_2220 : vector<512x32xf32>
    %ge3A_2222 = vector.broadcast %add3A_1772 : vector<512x1xf32> to vector<512x32xf32>
    %ge3A_2223 = arith.cmpf oge, %convert_element_type3A_2042, %ge3A_2222 : vector<512x32xf32>
    %lt3A_2224 = vector.broadcast %add3A_1789 : vector<512x1xf32> to vector<512x32xf32>
    %lt3A_2225 = arith.cmpf olt, %convert_element_type3A_2042, %lt3A_2224 : vector<512x32xf32>
    %and3A_2226 = arith.andi %ge3A_2223, %lt3A_2225 : vector<512x32xi1>
    %jit3A_2227 = arith.constant 0.000000e+00 : f32
    %broadcast_in_dim3A_2228 = vector.shape_cast %broadcast_in_dim3A_1775 : vector<512x1xf32> to vector<512x1xf32>
    %broadcast_in_dim3A_2229 = vector.broadcast %broadcast_in_dim3A_2228 : vector<512x1xf32> to vector<512x32xf32>
    %broadcast_in_dim3A_2230 = vector.broadcast %jit3A_2227 : f32 to vector<512x32xf32>
    %select_n3A_2231 = arith.select %and3A_2226, %broadcast_in_dim3A_2229, %broadcast_in_dim3A_2230 : vector<512x32xi1>, vector<512x32xf32>
    %add3A_2232 = arith.addf %add3A_2221, %select_n3A_2231 : vector<512x32xf32>
    %ge3A_2233 = vector.broadcast %add3A_1789 : vector<512x1xf32> to vector<512x32xf32>
    %ge3A_2234 = arith.cmpf oge, %convert_element_type3A_2042, %ge3A_2233 : vector<512x32xf32>
    %lt3A_2235 = vector.broadcast %add3A_1806 : vector<512x1xf32> to vector<512x32xf32>
    %lt3A_2236 = arith.cmpf olt, %convert_element_type3A_2042, %lt3A_2235 : vector<512x32xf32>
    %and3A_2237 = arith.andi %ge3A_2234, %lt3A_2236 : vector<512x32xi1>
    %jit3A_2238 = arith.constant 0.000000e+00 : f32
    %broadcast_in_dim3A_2239 = vector.shape_cast %broadcast_in_dim3A_1792 : vector<512x1xf32> to vector<512x1xf32>
    %broadcast_in_dim3A_2240 = vector.broadcast %broadcast_in_dim3A_2239 : vector<512x1xf32> to vector<512x32xf32>
    %broadcast_in_dim3A_2241 = vector.broadcast %jit3A_2238 : f32 to vector<512x32xf32>
    %select_n3A_2242 = arith.select %and3A_2237, %broadcast_in_dim3A_2240, %broadcast_in_dim3A_2241 : vector<512x32xi1>, vector<512x32xf32>
    %add3A_2243 = arith.addf %add3A_2232, %select_n3A_2242 : vector<512x32xf32>
    %ge3A_2244 = vector.broadcast %add3A_1806 : vector<512x1xf32> to vector<512x32xf32>
    %ge3A_2245 = arith.cmpf oge, %convert_element_type3A_2042, %ge3A_2244 : vector<512x32xf32>
    %lt3A_2246 = vector.broadcast %add3A_1823 : vector<512x1xf32> to vector<512x32xf32>
    %lt3A_2247 = arith.cmpf olt, %convert_element_type3A_2042, %lt3A_2246 : vector<512x32xf32>
    %and3A_2248 = arith.andi %ge3A_2245, %lt3A_2247 : vector<512x32xi1>
    %jit3A_2249 = arith.constant 0.000000e+00 : f32
    %broadcast_in_dim3A_2250 = vector.shape_cast %broadcast_in_dim3A_1809 : vector<512x1xf32> to vector<512x1xf32>
    %broadcast_in_dim3A_2251 = vector.broadcast %broadcast_in_dim3A_2250 : vector<512x1xf32> to vector<512x32xf32>
    %broadcast_in_dim3A_2252 = vector.broadcast %jit3A_2249 : f32 to vector<512x32xf32>
    %select_n3A_2253 = arith.select %and3A_2248, %broadcast_in_dim3A_2251, %broadcast_in_dim3A_2252 : vector<512x32xi1>, vector<512x32xf32>
    %add3A_2254 = arith.addf %add3A_2243, %select_n3A_2253 : vector<512x32xf32>
    %ge3A_2255 = vector.broadcast %add3A_1823 : vector<512x1xf32> to vector<512x32xf32>
    %ge3A_2256 = arith.cmpf oge, %convert_element_type3A_2042, %ge3A_2255 : vector<512x32xf32>
    %lt3A_2257 = vector.broadcast %add3A_1840 : vector<512x1xf32> to vector<512x32xf32>
    %lt3A_2258 = arith.cmpf olt, %convert_element_type3A_2042, %lt3A_2257 : vector<512x32xf32>
    %and3A_2259 = arith.andi %ge3A_2256, %lt3A_2258 : vector<512x32xi1>
    %jit3A_2260 = arith.constant 0.000000e+00 : f32
    %broadcast_in_dim3A_2261 = vector.shape_cast %broadcast_in_dim3A_1826 : vector<512x1xf32> to vector<512x1xf32>
    %broadcast_in_dim3A_2262 = vector.broadcast %broadcast_in_dim3A_2261 : vector<512x1xf32> to vector<512x32xf32>
    %broadcast_in_dim3A_2263 = vector.broadcast %jit3A_2260 : f32 to vector<512x32xf32>
    %select_n3A_2264 = arith.select %and3A_2259, %broadcast_in_dim3A_2262, %broadcast_in_dim3A_2263 : vector<512x32xi1>, vector<512x32xf32>
    %add3A_2265 = arith.addf %add3A_2254, %select_n3A_2264 : vector<512x32xf32>
    %ge3A_2266 = vector.broadcast %add3A_1840 : vector<512x1xf32> to vector<512x32xf32>
    %ge3A_2267 = arith.cmpf oge, %convert_element_type3A_2042, %ge3A_2266 : vector<512x32xf32>
    %lt3A_2268 = vector.broadcast %add3A_1857 : vector<512x1xf32> to vector<512x32xf32>
    %lt3A_2269 = arith.cmpf olt, %convert_element_type3A_2042, %lt3A_2268 : vector<512x32xf32>
    %and3A_2270 = arith.andi %ge3A_2267, %lt3A_2269 : vector<512x32xi1>
    %jit3A_2271 = arith.constant 0.000000e+00 : f32
    %broadcast_in_dim3A_2272 = vector.shape_cast %broadcast_in_dim3A_1843 : vector<512x1xf32> to vector<512x1xf32>
    %broadcast_in_dim3A_2273 = vector.broadcast %broadcast_in_dim3A_2272 : vector<512x1xf32> to vector<512x32xf32>
    %broadcast_in_dim3A_2274 = vector.broadcast %jit3A_2271 : f32 to vector<512x32xf32>
    %select_n3A_2275 = arith.select %and3A_2270, %broadcast_in_dim3A_2273, %broadcast_in_dim3A_2274 : vector<512x32xi1>, vector<512x32xf32>
    %add3A_2276 = arith.addf %add3A_2265, %select_n3A_2275 : vector<512x32xf32>
    %ge3A_2277 = vector.broadcast %add3A_1857 : vector<512x1xf32> to vector<512x32xf32>
    %ge3A_2278 = arith.cmpf oge, %convert_element_type3A_2042, %ge3A_2277 : vector<512x32xf32>
    %lt3A_2279 = vector.broadcast %add3A_1874 : vector<512x1xf32> to vector<512x32xf32>
    %lt3A_2280 = arith.cmpf olt, %convert_element_type3A_2042, %lt3A_2279 : vector<512x32xf32>
    %and3A_2281 = arith.andi %ge3A_2278, %lt3A_2280 : vector<512x32xi1>
    %jit3A_2282 = arith.constant 0.000000e+00 : f32
    %broadcast_in_dim3A_2283 = vector.shape_cast %broadcast_in_dim3A_1860 : vector<512x1xf32> to vector<512x1xf32>
    %broadcast_in_dim3A_2284 = vector.broadcast %broadcast_in_dim3A_2283 : vector<512x1xf32> to vector<512x32xf32>
    %broadcast_in_dim3A_2285 = vector.broadcast %jit3A_2282 : f32 to vector<512x32xf32>
    %select_n3A_2286 = arith.select %and3A_2281, %broadcast_in_dim3A_2284, %broadcast_in_dim3A_2285 : vector<512x32xi1>, vector<512x32xf32>
    %add3A_2287 = arith.addf %add3A_2276, %select_n3A_2286 : vector<512x32xf32>
    %ge3A_2288 = vector.broadcast %add3A_1874 : vector<512x1xf32> to vector<512x32xf32>
    %ge3A_2289 = arith.cmpf oge, %convert_element_type3A_2042, %ge3A_2288 : vector<512x32xf32>
    %lt3A_2290 = vector.broadcast %add3A_1891 : vector<512x1xf32> to vector<512x32xf32>
    %lt3A_2291 = arith.cmpf olt, %convert_element_type3A_2042, %lt3A_2290 : vector<512x32xf32>
    %and3A_2292 = arith.andi %ge3A_2289, %lt3A_2291 : vector<512x32xi1>
    %jit3A_2293 = arith.constant 0.000000e+00 : f32
    %broadcast_in_dim3A_2294 = vector.shape_cast %broadcast_in_dim3A_1877 : vector<512x1xf32> to vector<512x1xf32>
    %broadcast_in_dim3A_2295 = vector.broadcast %broadcast_in_dim3A_2294 : vector<512x1xf32> to vector<512x32xf32>
    %broadcast_in_dim3A_2296 = vector.broadcast %jit3A_2293 : f32 to vector<512x32xf32>
    %select_n3A_2297 = arith.select %and3A_2292, %broadcast_in_dim3A_2295, %broadcast_in_dim3A_2296 : vector<512x32xi1>, vector<512x32xf32>
    %add3A_2298 = arith.addf %add3A_2287, %select_n3A_2297 : vector<512x32xf32>
    %ge3A_2299 = vector.broadcast %add3A_1891 : vector<512x1xf32> to vector<512x32xf32>
    %ge3A_2300 = arith.cmpf oge, %convert_element_type3A_2042, %ge3A_2299 : vector<512x32xf32>
    %lt3A_2301 = vector.broadcast %add3A_1908 : vector<512x1xf32> to vector<512x32xf32>
    %lt3A_2302 = arith.cmpf olt, %convert_element_type3A_2042, %lt3A_2301 : vector<512x32xf32>
    %and3A_2303 = arith.andi %ge3A_2300, %lt3A_2302 : vector<512x32xi1>
    %jit3A_2304 = arith.constant 0.000000e+00 : f32
    %broadcast_in_dim3A_2305 = vector.shape_cast %broadcast_in_dim3A_1894 : vector<512x1xf32> to vector<512x1xf32>
    %broadcast_in_dim3A_2306 = vector.broadcast %broadcast_in_dim3A_2305 : vector<512x1xf32> to vector<512x32xf32>
    %broadcast_in_dim3A_2307 = vector.broadcast %jit3A_2304 : f32 to vector<512x32xf32>
    %select_n3A_2308 = arith.select %and3A_2303, %broadcast_in_dim3A_2306, %broadcast_in_dim3A_2307 : vector<512x32xi1>, vector<512x32xf32>
    %add3A_2309 = arith.addf %add3A_2298, %select_n3A_2308 : vector<512x32xf32>
    %ge3A_2310 = vector.broadcast %add3A_1908 : vector<512x1xf32> to vector<512x32xf32>
    %ge3A_2311 = arith.cmpf oge, %convert_element_type3A_2042, %ge3A_2310 : vector<512x32xf32>
    %lt3A_2312 = vector.broadcast %add3A_1925 : vector<512x1xf32> to vector<512x32xf32>
    %lt3A_2313 = arith.cmpf olt, %convert_element_type3A_2042, %lt3A_2312 : vector<512x32xf32>
    %and3A_2314 = arith.andi %ge3A_2311, %lt3A_2313 : vector<512x32xi1>
    %jit3A_2315 = arith.constant 0.000000e+00 : f32
    %broadcast_in_dim3A_2316 = vector.shape_cast %broadcast_in_dim3A_1911 : vector<512x1xf32> to vector<512x1xf32>
    %broadcast_in_dim3A_2317 = vector.broadcast %broadcast_in_dim3A_2316 : vector<512x1xf32> to vector<512x32xf32>
    %broadcast_in_dim3A_2318 = vector.broadcast %jit3A_2315 : f32 to vector<512x32xf32>
    %select_n3A_2319 = arith.select %and3A_2314, %broadcast_in_dim3A_2317, %broadcast_in_dim3A_2318 : vector<512x32xi1>, vector<512x32xf32>
    %add3A_2320 = arith.addf %add3A_2309, %select_n3A_2319 : vector<512x32xf32>
    %ge3A_2321 = vector.broadcast %add3A_1925 : vector<512x1xf32> to vector<512x32xf32>
    %ge3A_2322 = arith.cmpf oge, %convert_element_type3A_2042, %ge3A_2321 : vector<512x32xf32>
    %lt3A_2323 = vector.broadcast %add3A_1942 : vector<512x1xf32> to vector<512x32xf32>
    %lt3A_2324 = arith.cmpf olt, %convert_element_type3A_2042, %lt3A_2323 : vector<512x32xf32>
    %and3A_2325 = arith.andi %ge3A_2322, %lt3A_2324 : vector<512x32xi1>
    %jit3A_2326 = arith.constant 0.000000e+00 : f32
    %broadcast_in_dim3A_2327 = vector.shape_cast %broadcast_in_dim3A_1928 : vector<512x1xf32> to vector<512x1xf32>
    %broadcast_in_dim3A_2328 = vector.broadcast %broadcast_in_dim3A_2327 : vector<512x1xf32> to vector<512x32xf32>
    %broadcast_in_dim3A_2329 = vector.broadcast %jit3A_2326 : f32 to vector<512x32xf32>
    %select_n3A_2330 = arith.select %and3A_2325, %broadcast_in_dim3A_2328, %broadcast_in_dim3A_2329 : vector<512x32xi1>, vector<512x32xf32>
    %add3A_2331 = arith.addf %add3A_2320, %select_n3A_2330 : vector<512x32xf32>
    %ge3A_2332 = vector.broadcast %add3A_1942 : vector<512x1xf32> to vector<512x32xf32>
    %ge3A_2333 = arith.cmpf oge, %convert_element_type3A_2042, %ge3A_2332 : vector<512x32xf32>
    %lt3A_2334 = vector.broadcast %add3A_1959 : vector<512x1xf32> to vector<512x32xf32>
    %lt3A_2335 = arith.cmpf olt, %convert_element_type3A_2042, %lt3A_2334 : vector<512x32xf32>
    %and3A_2336 = arith.andi %ge3A_2333, %lt3A_2335 : vector<512x32xi1>
    %jit3A_2337 = arith.constant 0.000000e+00 : f32
    %broadcast_in_dim3A_2338 = vector.shape_cast %broadcast_in_dim3A_1945 : vector<512x1xf32> to vector<512x1xf32>
    %broadcast_in_dim3A_2339 = vector.broadcast %broadcast_in_dim3A_2338 : vector<512x1xf32> to vector<512x32xf32>
    %broadcast_in_dim3A_2340 = vector.broadcast %jit3A_2337 : f32 to vector<512x32xf32>
    %select_n3A_2341 = arith.select %and3A_2336, %broadcast_in_dim3A_2339, %broadcast_in_dim3A_2340 : vector<512x32xi1>, vector<512x32xf32>
    %add3A_2342 = arith.addf %add3A_2331, %select_n3A_2341 : vector<512x32xf32>
    %ge3A_2343 = vector.broadcast %add3A_1959 : vector<512x1xf32> to vector<512x32xf32>
    %ge3A_2344 = arith.cmpf oge, %convert_element_type3A_2042, %ge3A_2343 : vector<512x32xf32>
    %lt3A_2345 = vector.broadcast %add3A_1976 : vector<512x1xf32> to vector<512x32xf32>
    %lt3A_2346 = arith.cmpf olt, %convert_element_type3A_2042, %lt3A_2345 : vector<512x32xf32>
    %and3A_2347 = arith.andi %ge3A_2344, %lt3A_2346 : vector<512x32xi1>
    %jit3A_2348 = arith.constant 0.000000e+00 : f32
    %broadcast_in_dim3A_2349 = vector.shape_cast %broadcast_in_dim3A_1962 : vector<512x1xf32> to vector<512x1xf32>
    %broadcast_in_dim3A_2350 = vector.broadcast %broadcast_in_dim3A_2349 : vector<512x1xf32> to vector<512x32xf32>
    %broadcast_in_dim3A_2351 = vector.broadcast %jit3A_2348 : f32 to vector<512x32xf32>
    %select_n3A_2352 = arith.select %and3A_2347, %broadcast_in_dim3A_2350, %broadcast_in_dim3A_2351 : vector<512x32xi1>, vector<512x32xf32>
    %add3A_2353 = arith.addf %add3A_2342, %select_n3A_2352 : vector<512x32xf32>
    %ge3A_2354 = vector.broadcast %add3A_1976 : vector<512x1xf32> to vector<512x32xf32>
    %ge3A_2355 = arith.cmpf oge, %convert_element_type3A_2042, %ge3A_2354 : vector<512x32xf32>
    %lt3A_2356 = vector.broadcast %add3A_1993 : vector<512x1xf32> to vector<512x32xf32>
    %lt3A_2357 = arith.cmpf olt, %convert_element_type3A_2042, %lt3A_2356 : vector<512x32xf32>
    %and3A_2358 = arith.andi %ge3A_2355, %lt3A_2357 : vector<512x32xi1>
    %jit3A_2359 = arith.constant 0.000000e+00 : f32
    %broadcast_in_dim3A_2360 = vector.shape_cast %broadcast_in_dim3A_1979 : vector<512x1xf32> to vector<512x1xf32>
    %broadcast_in_dim3A_2361 = vector.broadcast %broadcast_in_dim3A_2360 : vector<512x1xf32> to vector<512x32xf32>
    %broadcast_in_dim3A_2362 = vector.broadcast %jit3A_2359 : f32 to vector<512x32xf32>
    %select_n3A_2363 = arith.select %and3A_2358, %broadcast_in_dim3A_2361, %broadcast_in_dim3A_2362 : vector<512x32xi1>, vector<512x32xf32>
    %add3A_2364 = arith.addf %add3A_2353, %select_n3A_2363 : vector<512x32xf32>
    %ge3A_2365 = vector.broadcast %add3A_1993 : vector<512x1xf32> to vector<512x32xf32>
    %ge3A_2366 = arith.cmpf oge, %convert_element_type3A_2042, %ge3A_2365 : vector<512x32xf32>
    %lt3A_2367 = vector.broadcast %add3A_2010 : vector<512x1xf32> to vector<512x32xf32>
    %lt3A_2368 = arith.cmpf olt, %convert_element_type3A_2042, %lt3A_2367 : vector<512x32xf32>
    %and3A_2369 = arith.andi %ge3A_2366, %lt3A_2368 : vector<512x32xi1>
    %jit3A_2370 = arith.constant 0.000000e+00 : f32
    %broadcast_in_dim3A_2371 = vector.shape_cast %broadcast_in_dim3A_1996 : vector<512x1xf32> to vector<512x1xf32>
    %broadcast_in_dim3A_2372 = vector.broadcast %broadcast_in_dim3A_2371 : vector<512x1xf32> to vector<512x32xf32>
    %broadcast_in_dim3A_2373 = vector.broadcast %jit3A_2370 : f32 to vector<512x32xf32>
    %select_n3A_2374 = arith.select %and3A_2369, %broadcast_in_dim3A_2372, %broadcast_in_dim3A_2373 : vector<512x32xi1>, vector<512x32xf32>
    %add3A_2375 = arith.addf %add3A_2364, %select_n3A_2374 : vector<512x32xf32>
    %ge3A_2376 = vector.broadcast %add3A_2010 : vector<512x1xf32> to vector<512x32xf32>
    %ge3A_2377 = arith.cmpf oge, %convert_element_type3A_2042, %ge3A_2376 : vector<512x32xf32>
    %lt3A_2378 = vector.broadcast %add3A_2027 : vector<512x1xf32> to vector<512x32xf32>
    %lt3A_2379 = arith.cmpf olt, %convert_element_type3A_2042, %lt3A_2378 : vector<512x32xf32>
    %and3A_2380 = arith.andi %ge3A_2377, %lt3A_2379 : vector<512x32xi1>
    %jit3A_2381 = arith.constant 0.000000e+00 : f32
    %broadcast_in_dim3A_2382 = vector.shape_cast %broadcast_in_dim3A_2013 : vector<512x1xf32> to vector<512x1xf32>
    %broadcast_in_dim3A_2383 = vector.broadcast %broadcast_in_dim3A_2382 : vector<512x1xf32> to vector<512x32xf32>
    %broadcast_in_dim3A_2384 = vector.broadcast %jit3A_2381 : f32 to vector<512x32xf32>
    %select_n3A_2385 = arith.select %and3A_2380, %broadcast_in_dim3A_2383, %broadcast_in_dim3A_2384 : vector<512x32xi1>, vector<512x32xf32>
    %add3A_2386 = arith.addf %add3A_2375, %select_n3A_2385 : vector<512x32xf32>
    %ge3A_2387 = vector.broadcast %add3A_2027 : vector<512x1xf32> to vector<512x32xf32>
    %ge3A_2388 = arith.cmpf oge, %convert_element_type3A_2042, %ge3A_2387 : vector<512x32xf32>
    %lt3A_2389 = vector.broadcast %add3A_2041 : vector<512x1xf32> to vector<512x32xf32>
    %lt3A_2390 = arith.cmpf olt, %convert_element_type3A_2042, %lt3A_2389 : vector<512x32xf32>
    %and3A_2391 = arith.andi %ge3A_2388, %lt3A_2390 : vector<512x32xi1>
    %jit3A_2392 = arith.constant 0.000000e+00 : f32
    %broadcast_in_dim3A_2393 = vector.shape_cast %broadcast_in_dim3A_2030 : vector<512x1xf32> to vector<512x1xf32>
    %broadcast_in_dim3A_2394 = vector.broadcast %broadcast_in_dim3A_2393 : vector<512x1xf32> to vector<512x32xf32>
    %broadcast_in_dim3A_2395 = vector.broadcast %jit3A_2392 : f32 to vector<512x32xf32>
    %select_n3A_2396 = arith.select %and3A_2391, %broadcast_in_dim3A_2394, %broadcast_in_dim3A_2395 : vector<512x32xi1>, vector<512x32xf32>
    %add3A_2397 = arith.addf %add3A_2386, %select_n3A_2396 : vector<512x32xf32>
    %swap3A_2398 = arith.constant 0 : index
    %swap3A_2399 = arith.constant 0 : index
    %swap3A_2400 = vector.load %arg4[%swap3A_2398, %swap3A_2399] : memref<512x32xf32, #tpu.memory_space<vmem>>, vector<512x32xf32>
    tpu.vector_store %arg4[%swap3A_2398, %swap3A_2399], %add3A_2397 {strides = array<i32>} : memref<512x32xf32, #tpu.memory_space<vmem>>, vector<512x32xf32>,
    return
  }
  func.func @transform_0(%arg0: i32) -> (i32, i32) {
    %c0_i32 = arith.constant 0 : i32
    %c0_i32_0 = arith.constant 0 : i32
    return %arg0, %c0_i32 : i32, i32
  }
  func.func @transform_1(%arg0: i32) -> (i32, i32) {
    %c0_i32 = arith.constant 0 : i32
    %c0_i32_0 = arith.constant 0 : i32
    %c0_i32_1 = arith.constant 0 : i32
    return %c0_i32, %c0_i32_0 : i32, i32
  }
  func.func @transform_2(%arg0: i32) -> (i32, i32) {
    %c0_i32 = arith.constant 0 : i32
    %c0_i32_0 = arith.constant 0 : i32
    %c0_i32_1 = arith.constant 0 : i32
    return %c0_i32, %c0_i32_0 : i32, i32
  }
  func.func @transform_3(%arg0: i32) -> (i32, i32) {
    %c0_i32 = arith.constant 0 : i32
    %c0_i32_0 = arith.constant 0 : i32
    return %arg0, %c0_i32 : i32, i32
  }
  func.func @transform_4(%arg0: i32) -> (i32, i32) {
    %c0_i32 = arith.constant 0 : i32
    %c0_i32_0 = arith.constant 0 : i32
    return %arg0, %c0_i32 : i32, i32
  }
  func.func @transform_5(%arg0: i32) -> (i32, i32, i32) {
    %c0_i32 = arith.constant 0 : i32
    %c0_i32_0 = arith.constant 0 : i32
    %c0_i32_1 = arith.constant 0 : i32
    return %arg0, %c0_i32, %c0_i32_0 : i32, i32, i32
  }
}

</mosaic_0001>

<sc_bundles>
// kernel: kernel.4.cloned.1.call-start
scs
__scs_entry_jumppad:
0x0: {  	(pc) =	sbr.rel $0x88, $3  }
0x1: {  	(tag) =	ssettag $0x0;
	lr =	simm.s32 $0x1  }
0x2: {  	[smem:$0x3F9E] =	sst lr;
	_ =	strace $0xD0000000  }
0x3: {  	_ = 	snop  }
0x4: {  	_ = 	snop  }
0x5: {  	_ = 	snop  }
0x6: {  	_ = 	snop  }
0x7: {  	_ = 	snop  }
__scs_overlays_trampoline_lowered:
0x8: {  	[smem:$0x3FAD] =	sst s0  }
0x9: {  	[smem:$0x3FAE] =	sst s1  }
0xa: {  	[smem:$0x3FAF] =	sst s2  }
0xb: {  	[smem:$0x3FB0] =	sst s3  }
0xc: {  	[smem:$0x3FB1] =	sst s4  }
0xd: {  	[smem:$0x3FB2] =	sst s5  }
0xe: {  	[smem:$0x3FB3] =	sst s6  }
0xf: {  	[smem:$0x3FB4] =	sst s7  }
0x10: {  	[smem:$0x3FB5] =	sst s8  }
0x11: {  	[smem:$0x3FB6] =	sst s9;
	s0 =	simm.s32 @!p0 $0x0  }
0x12: {  	s1 =	sld [smem:$0x3F9C];
	s0 =	simm.s32 @p0 $0x1  }
0x13: {  	[smem:$0x3FB7] =	sst s0;
	s0 =	simm.s32 @!p1 $0x0  }
0x14: {  	s2 =	sld [smem:$0x3F9B];
	s0 =	simm.s32 @p1 $0x1  }
0x15: {  	[smem:$0x3FB8] =	sst s0;
	s0 =	simm.s32 @!p2 $0x0  }
0x16: {  	s3 =	sld [smem:$0x3FDB];
	s0 =	simm.s32 @p2 $0x1  }
0x17: {  	s4 =	simm.s32 $0x1BF5;
	[smem:$0x3FBA] =	sst s0  }
0x18: {  	s0 =	sld [smem:$0x3F9D];
	_ =	swait.ge [sflag:s4], $0x0  }
0x19: {  	s7 =	sld [smem:$0x3F9E]  }
0x1a: {  	s8 =	sadd.s32 $0xFFFFE003, lr  }
0x1b: {  	s9 =	sadd.s32 $0xFFFFFEF7, lr;
	s5 =	simm.s32 $0xFFFFFFFF;
	p2 =	slt.u32 s8, $0xFFFFF086  }
0x1c: {  	p1 =	slt.u32 s9, $0xF7A;
	s5 =	simm.s32 @!p2 $0x0  }
0x1d: {  	s5 =	simm.s32 @p1 $0x1;
	p0 =	seq.s32 s7, s2  }
0x1e: {  	s7 =	smul.u32 @!p0 $0xF7A, s2;
	p2 =	seq.s32 @!p0 s5, $0x0  }
0x1f: {  	s9 =	smul.u32 $0xF7A, s1;
	s8 =	simm.s32 @!p0 $0x1BF5;
	p2 =	por !p2, p0  }
0x20: {  	[sflag:s8] =	ssyncset.s32 @!p0 $0xFFFFF086;
	s6 =	sadd.s32 @!p0 s3, s7;
	s7 =	simm.s32 @!p0 $0x108  }
0x21: {  	s3 =	sadd.s32 s3, s9;
	s6 =	sadd.s32 @!p0 $0x88, s6;
	s7 =	simm.s32 @p2 $0x1082  }
0x22: {  	[simem:s7], [sflag:s8] =	dma.local @!p0 [hbm:s6], $0xF7A  }
0x23: {  	s9 =	sor.u32 $0xD0000000, s2;
	s6 =	simm.s32 $0x108;
	_ =	swait.ge @!p0 [sflag:s8], $0x0  }
0x24: {  	s3 =	sadd.s32 $0x88, s3;
	s6 =	simm.s32 @!p1 $0x1082;
	[sflag:s4] =	ssyncset.s32 $0xFFFFF086  }
0x25: {  	[simem:s6], [sflag:s4] =	dma.local [hbm:s3], $0xF7A  }
0x26: {  	[smem:$0x3F9E] =	sst s1;
	(tag) =	ssettag s2;
	_ =	strace s9  }
0x27: {  	s1 =	sld [smem:$0x3FAE]  }
0x28: {  	s2 =	sld [smem:$0x3FAF]  }
0x29: {  	s4 =	sld [smem:$0x3FB1]  }
0x2a: {  	p0 =	seq.s32 s5, $0x0;
	s5 =	sld [smem:$0x3FB2]  }
0x2b: {  	s6 =	sld [smem:$0x3FB3]  }
0x2c: {  	s7 =	sld [smem:$0x3FB4]  }
0x2d: {  	s3 =	simm.s32 $0x108;
	s8 =	sld [smem:$0x3FB5]  }
0x2e: {  	s3 =	simm.s32 @!p0 $0x1082;
	s9 =	sld [smem:$0x3FB6]  }
0x2f: {  	lr =	sadd.s32 s0, s3;
	s0 =	sld [smem:$0x3FAD]  }
0x30: {  	s3 =	sld [smem:$0x3FB0]  }
0x31: {  	[smem:$0x3FB9] =	sst s10  }
0x32: {  	s10 =	sld [smem:$0x3FB7];
	_ =	sdelay $0x3  }
0x33: {  	p0 =	seq.s32 s10, $0x1;
	s10 =	sld [smem:$0x3FB9];
	_ =	sdelay $0x3  }
0x34: {  	[smem:$0x3FB9] =	sst s10  }
0x35: {  	s10 =	sld [smem:$0x3FB8];
	_ =	sdelay $0x3  }
0x36: {  	p1 =	seq.s32 s10, $0x1;
	s10 =	sld [smem:$0x3FB9];
	_ =	sdelay $0x3  }
0x37: {  	[smem:$0x3FB9] =	sst s10  }
0x38: {  	s10 =	sld [smem:$0x3FBA]  }
0x39: {  	_ = 	snop;
	(pc) =	sbr.ind lr, $3  }
0x3a: {  	_ = 	snop  }
0x3b: {  	_ = 	snop  }
0x3c: {  	p2 =	seq.s32 s10, $0x1;
	s10 =	sld [smem:$0x3FB9]  }
0x3d: {  	_ =	shalt  }
0x3e: {  	_ =	shalt  }
0x3f: {  	_ =	shalt  }
0x40: {  	_ =	shalt  }
0x41: {  	_ =	shalt  }
0x42: {  	_ =	shalt  }
0x43: {  	_ =	shalt  }
0x44: {  	_ =	shalt  }
0x45: {  	_ =	shalt  }
0x46: {  	_ =	shalt  }
0x47: {  	_ =	shalt  }
0x48: {  	_ =	shalt  }
0x49: {  	_ =	shalt  }
0x4a: {  	_ =	shalt  }
0x4b: {  	_ =	shalt  }
0x4c: {  	_ =	shalt  }
0x4d: {  	_ =	shalt  }
0x4e: {  	_ =	shalt  }
0x4f: {  	_ =	shalt  }
0x50: {  	_ =	shalt  }
0x51: {  	_ =	shalt  }
0x52: {  	_ =	shalt  }
0x53: {  	_ =	shalt  }
0x54: {  	_ =	shalt  }
0x55: {  	_ =	shalt  }
0x56: {  	_ =	shalt  }
0x57: {  	_ =	shalt  }
0x58: {  	_ =	shalt  }
0x59: {  	_ =	shalt  }
0x5a: {  	_ =	shalt  }
0x5b: {  	_ =	shalt  }
0x5c: {  	_ =	shalt  }
0x5d: {  	_ =	shalt  }
0x5e: {  	_ =	shalt  }
0x5f: {  	_ =	shalt  }
0x60: {  	_ =	shalt  }
0x61: {  	_ =	shalt  }
0x62: {  	_ =	shalt  }
0x63: {  	_ =	shalt  }
0x64: {  	_ =	shalt  }
0x65: {  	_ =	shalt  }
0x66: {  	_ =	shalt  }
0x67: {  	_ =	shalt  }
0x68: {  	_ =	shalt  }
0x69: {  	_ =	shalt  }
0x6a: {  	_ =	shalt  }
0x6b: {  	_ =	shalt  }
0x6c: {  	_ =	shalt  }
0x6d: {  	_ =	shalt  }
0x6e: {  	_ =	shalt  }
0x6f: {  	_ =	shalt  }
0x70: {  	_ =	shalt  }
0x71: {  	_ =	shalt  }
0x72: {  	_ =	shalt  }
0x73: {  	_ =	shalt  }
0x74: {  	_ =	shalt  }
0x75: {  	_ =	shalt  }
0x76: {  	_ =	shalt  }
0x77: {  	_ =	shalt  }
0x78: {  	_ =	shalt  }
0x79: {  	_ =	shalt  }
0x7a: {  	_ =	shalt  }
0x7b: {  	_ =	shalt  }
0x7c: {  	_ =	shalt  }
0x7d: {  	_ =	shalt  }
0x7e: {  	_ =	shalt  }
0x7f: {  	_ =	shalt  }
0x80: {  	_ =	shalt  }
0x81: {  	_ =	shalt  }
0x82: {  	_ =	shalt  }
0x83: {  	_ =	shalt  }
0x84: {  	_ =	shalt  }
0x85: {  	_ =	shalt  }
0x86: {  	_ =	shalt  }
0x87: {  	_ =	shalt  }
.Lfunc_end0:
.L_simem_size_0:
called_computation.1_lowered:
.L_overlay_start_0:
0x88: {  	s2 =	sld [smem:$0x3FD9]  }
0x89: {  	s3 =	sld [smem:$0x3FFE];
	_ =	sdelay $0x1  }
0x8a: {  	s1 =	srdreg.scid  }
0x8b: {  	s0 =	sand.u32 $0x1, s1  }
0x8c: {  	s17 =	sshll.u32 s0, $0xA;
	s2 =	sadd.s32 s3, s2  }
0x8d: {  	s2 =	sadd.s32 s2, s17  }
0x8e: {  	[smem:$0x3FC5] =	sst s2  }
0x8f: {  	_ = 	snop  }
0x90: {  	s2 =	sld [smem:$0x3FD0];
	(tm) =	ssettm $0x1  }
0x91: {  	s18 =	sld [smem:$0x3FFB];
	_ =	sdelay $0x3  }
0x92: {  	_ =	strace s18  }
0x93: {  	s3 =	sld [smem:$0x3FFC];
	_ =	sdelay $0x3  }
0x94: {  	_ =	strace s3  }
0x95: {  	s3 =	sld [smem:$0x3FFD];
	_ =	sdelay $0x3  }
0x96: {  	_ =	strace s3  }
0x97: {  	_ =	strace $0x8FFFFFFF  }
0x98: {  	s19 =	sld [smem:$0x3FDB];
	_ =	sdelay $0x1  }
0x99: {  	s4 =	simm.s32 $_scs_section_size  }
0x9a: {  	s5 =	simm.s32 $_size__tile_overlayer_lowered;
	s6 =	simm.s32 $_tile_overlayer_lowered  }
0x9b: {  	s22 =	simm.s32 $0x1BFF;
	s21 =	sshll.u32 s6, $0x1;
	s3 =	sadd.s32 s4, s19  }
0x9c: {  	s7 =	simm.s32 $0x0;
	s20 =	sshll.u32 s5, $0x1;
	s5 =	sadd.s32 s21, s3  }
0x9d: {  	[timem:s7], [sflag:s22] =	dma.local [hbm:s5], s20  }
0x9e: {  	_ =	swait.ge [sflag:s22], s20  }
0x9f: {  	s4 =	ssub.s32 $0x0, s20;
	[sflag:s22] =	ssyncset.done $0x0  }
0xa0: {  	[sflag:s22] =	ssyncadd.s32 s4;
	_ =	sdelay $0x1  }
0xa1: {  	s23 =	simm.s32 $0x1B8B  }
0xa2: {  	_ =	swait.ge [sflag:s23], $0x1  }
0xa3: {  	[sflag:s23] =	ssyncset.done $0x0  }
0xa4: {  	s25 =	simm.s32 $0x1B8E;
	s24 =	sld [smem:$0x3FFE];
	[sflag:s23] =	ssyncadd.s32 $0xFFFFFFFF  }
0xa5: {  	s26 =	simm.s32 $execute0_lowered;
	[smem:$0x3FD2] =	sst s25  }
0xa6: {  	s5 =	sshll.u32 s26, $0x1;
	_ =	strace $0x80000049;
	[dreg:$0x1] =	wrdreg $0xFFFFFFFF  }
0xa7: {  	s28 =	simm.s32 $_size_execute0_lowered;
	s3 =	sadd.s32 s3, s5;
	[dreg:$0x0] =	wrdreg $0x0  }
0xa8: {  	s5 =	sshll.u32 s28, $0x1;
	[dreg:$0x2] =	wrdreg s3  }
0xa9: {  	[dreg:$0x3] =	wrdreg s5  }
0xaa: {  	[dreg:$0x4] =	wrdreg $0xC0  }
0xab: {  	_ =	task [dreg:s7], $0x5FFFF  }
0xac: {  	[dreg:$0x1] =	wrdreg $0xFFFFFFFF  }
0xad: {  	[dreg:$0x0] =	wrdreg $0x60  }
0xae: {  	[dreg:$0x2] =	wrdreg s24  }
0xaf: {  	[dreg:$0x3] =	wrdreg s2  }
0xb0: {  	[dreg:$0x4] =	wrdreg $0x9  }
0xb1: {  	_ =	task.clear_ibuf [dreg:s7], $0x5FFFF;
	_ =	strace $0x90000049  }
0xb2: {  	s29 =	simm.s32 $0x9;
	_ =	strace $0x8000004B  }
0xb3: {  	_ =	swait.ge [sflag:s29], $0x1  }
0xb4: {  	[sflag:s29] =	ssyncadd.s32 $0xFFFFFFFF  }
0xb5: {  	_ =	strace $0x9000004B  }
0xb6: {  	_ =	sfence  }
0xb7: {  	s30 =	sld [smem:$0x0];
	_ =	sdelay $0x2  }
0xb8: {  	s31 =	sshll.u32 s1, $0xD;
	s1 =	sshrl.u32 s1, $0x2  }
0xb9: {  	s3 =	sand.u32 $0x4000, s31;
	s1 =	sadd.s32 s1, s30  }
0xba: {  	s0 =	sor.u32 s3, s0;
	s1 =	sshll.u32 s1, $0x11  }
0xbb: {  	s0 =	sor.u32 s1, s0  }
0xbc: {  	s0 =	sadd.s32 $0x8F2B, s0  }
0xbd: {  	[sflag:s0] =	ssyncadd.remote.s32 $0x1  }
0xbe: {  	_ =	sfence.sel $0xFFFF  }
0xbf: {  	[dreg:$0x0] =	wrdreg $0xFFFFFFFF;
	(pc) =	sbr.abs _section_cstart, $3  }
0xc0: {  	[dreg:$0x1] =	wrdreg $0xFFFFFFFF  }
0xc1: {  	_ =	task.clear_ibuf [dreg:s7], $0x2FFFF;
	_ =	strace $0x9FFFFFFF  }
0xc2: {  	(tm) =	ssettm $0x7FFFFFFF  }
0xc3: {  	_ =	shalt  }
tec
execute0_lowered:
.L_overlay_start_1:
0x0: {  	(tag) =	ssettag $0x1  }
0x1: {  	s4 =	rddreg [dreg:$0x0]  }
0x2: {  	s5 =	rddreg [dreg:$0x1]  }
0x3: {  	s0 =	rddreg [dreg:$0x2];
	s2 =	simm.s32 $0x0;
	s3 =	srdreg.scid  }
0x4: {  	s1 =	stileid.u32;
	s10 =	simm.s32 $0x1;
	s11 =	simm.s32 $0x10000  }
0x5: {  	s12 =	simm.s32 $0x0;
	[smem:$0x7FF] =	sst s2;
	s3 =	sand.u32 $0x1, s3  }
0x6: {  	s6 =	sshll.u32 s1, $0xD;
	s7 =	sshll.u32 s3, $0xC;
	s8 =	ssub.s32 $0x2, s3  }
0x7: {  	_ =	strace $0x8000004A;
	s6 =	sor.u32 s7, s6;
	s31 =	sshrl.u32 s8, $0x1  }
0x8: {  	s3 =	sadd.s32 $0xE00, s4;
	s9 =	sadd.s32 s6, s4;
	s7 =	ssub.s32 s8, s31  }
0x9: {  	s4 =	sadd.s32 s5, s6;
	s8 =	simm.s32 $0x2;
	s5 =	sadd.s32 $0x480E00, s9  }
0xa: {  	s6 =	sadd.s32 $0x400E00, s9;
	s7 =	smax.u32 s7, $0x1;
	s9 =	simm.s32 $0x8000  }
.LBB2_1:
0xb: {  	[tilespmem:s2], [sflag:$0x2] =	stream.linear.gather [hbm4b:s4+s2], $0x8000, $0x38;
	[tilespmem:$0x18000] =	vst v63  }
0xc: {  	_ =	swait.ge [sflag:s8], $0x8000  }
0xd: {  	[sflag:s8] =	ssyncset.done $0x0  }
0xe: {  	[sflag:s8] =	ssyncadd.s32 $0xFFFF8000  }
0xf: {  	[tilespmem:s9], [sflag:$0x1] =	stream.indirect.gather [hbm4b:s3+s9], $0x1, s2, s9, $0xb8;
	[tilespmem:$0x18000] =	vst v63  }
0x10: {  	_ =	swait.ge [sflag:s10], $0x8000  }
0x11: {  	[sflag:s10] =	ssyncset.done $0x0  }
0x12: {  	[sflag:s10] =	ssyncadd.s32 $0xFFFF8000  }
0x13: {  	[tilespmem:s11], [sflag:$0x2] =	stream.linear.gather [hbm4b:s5+s2], $0x8000, $0x38;
	[tilespmem:$0x18000] =	vst v63  }
0x14: {  	_ =	swait.ge [sflag:s8], $0x8000  }
0x15: {  	[sflag:s8] =	ssyncset.done $0x0  }
0x16: {  	s13 =	simm.s32 $0x0;
	[sflag:s8] =	ssyncadd.s32 $0xFFFF8000  }
0x17: {  	s14 =	simm.s32 $0x40;
	v0 =	vld [tilespmem:s13+$0x10000]  }
.LBB2_2:
0x18: {  	p0 =	sne.s32 s14, $0x1FFC0;
	v1 =	vld [tilespmem:s13+$0x8000];
	_ =	sdelay $0x2  }
.Ltmp0:
0x19: {  	(pc) =	sbr.rel @p0 .LBB2_2-.Ltmp0, $4  }
0x1a: {  	_ = 	snop  }
0x1b: {  	v1 =	vmul.f32 v0, v1  }
0x1c: {  	s15 =	sshra.s32 s14, $0x2  }
0x1d: {  	s14 =	sadd.s32 $0x40, s14;
	v0 =	vld [tilespmem:s15+$0x10000];
	[tilespmem:s13+$0x8000] =	vst v1;
	s13 =	smov.u32 s15  }
0x1e: {  	v1 =	vld [tilespmem:s13+$0x8000];
	_ =	sdelay $0x4  }
0x1f: {  	s12 =	sadd.s32 $0x1, s12;
	v0 =	vmul.f32 v0, v1  }
0x20: {  	p0 =	sne.s32 s12, s7  }
.Ltmp1:
0x21: {  	[tilespmem:s13+$0x8000] =	vst v0;
	(pc) =	sbr.rel @p0 .LBB2_1-.Ltmp1, $4  }
0x22: {  	[hbm4b:s6+s2] =	stream.linear.scatter [tilespmem:s9], [sflag:$0x2], $0x8000, $0x38;
	[tilespmem:$0x18000] =	vst v63  }
0x23: {  	_ =	swait.ge [sflag:s8], $0x8000  }
0x24: {  	[sflag:s8] =	ssyncset.done $0x0  }
0x25: {  	[sflag:s8] =	ssyncadd.s32 $0xFFFF8000  }
0x26: {  	_ =	sfence.sel $0x180000  }
0x27: {  	[bflag:$0x0] =	sbarrier.arrive $0xFFFF  }
0x28: {  	p0 =	sne.s32 s1, $0x0;
	_ =	strace $0x9000004A  }
0x29: {  	s0 =	sadd.s32 @!p0 $0x100000, s0;
	[bflag:$0x2] =	sbarrier.arrive $0xFFFF  }
0x2a: {  	[sflag:s0] =	ssyncadd.tile.s32 @!p0 $0x1;
	_ =	shalt  }
.Lfunc_end2:
_tile_overlayer_lowered:
.L_overlay_start_2:
0x2b: {  	(tag) =	ssettag $0x2  }
0x2c: {  	s0 =	rddreg [dreg:$0x0];
	s2 =	stileid.u32  }
0x2d: {  	s1 =	rddreg [dreg:$0x1];
	p0 =	sne.s32 s2, $0x0  }
0x2e: {  	s3 =	rddreg [dreg:$0x2];
	[bflag:$0x3] =	sbarrier.arrive $0xFFFF;
	s2 =	simm.s32 @!p0 $0x1C02  }
0x2f: {  	[timem:s3], [sflag:s2] =	dma.local @!p0 [hbm:s0], s1  }
0x30: {  	s0 =	simm.s32 @!p0 $0x2  }
0x31: {  	_ =	swait.ge @!p0 [sflag:s0], s1  }
0x32: {  	s1 =	ssub.s32 @!p0 $0x0, s1;
	[sflag:s0] =	ssyncset.done @!p0 $0x0  }
0x33: {  	[sflag:s0] =	ssyncadd.s32 @!p0 s1  }
0x34: {  	[bflag:$0x3] =	sbarrier.arrive $0xFFFF  }
0x35: {  	_ =	shalt  }

// kernel: sparse-core-data-format-call.cloned.1.call-start
scs
called_computation_lowered:
.L_overlay_start_0:
0x0: {  	s2 =	sld [smem:$0x3FD9]  }
0x1: {  	s3 =	sld [smem:$0x3FFE];
	_ =	sdelay $0x1  }
0x2: {  	s1 =	srdreg.scid  }
0x3: {  	s0 =	sand.u32 $0x1, s1  }
0x4: {  	s18 =	sshll.u32 s0, $0xA;
	s2 =	sadd.s32 s3, s2  }
0x5: {  	s2 =	sadd.s32 s2, s18  }
0x6: {  	[smem:$0x3FC5] =	sst s2  }
0x7: {  	_ = 	snop  }
0x8: {  	s2 =	sld [smem:$0x3FC9];
	(tm) =	ssettm $0x1  }
0x9: {  	s19 =	sld [smem:$0x3FFB];
	_ =	sdelay $0x3  }
0xa: {  	_ =	strace s19  }
0xb: {  	s3 =	sld [smem:$0x3FFC];
	_ =	sdelay $0x3  }
0xc: {  	_ =	strace s3  }
0xd: {  	s3 =	sld [smem:$0x3FFD];
	_ =	sdelay $0x3  }
0xe: {  	_ =	strace s3  }
0xf: {  	_ =	strace $0x8FFFFFFF  }
0x10: {  	s20 =	sld [smem:$0x3FDB];
	_ =	sdelay $0x1  }
0x11: {  	s4 =	simm.s32 $_scs_section_size  }
0x12: {  	s5 =	simm.s32 $_size__tile_overlayer_lowered;
	s6 =	simm.s32 $_tile_overlayer_lowered  }
0x13: {  	s23 =	simm.s32 $0x1BFF;
	s22 =	sshll.u32 s6, $0x1;
	s3 =	sadd.s32 s4, s20  }
0x14: {  	s7 =	simm.s32 $0x0;
	s21 =	sshll.u32 s5, $0x1;
	s5 =	sadd.s32 s22, s3  }
0x15: {  	[timem:s7], [sflag:s23] =	dma.local [hbm:s5], s21  }
0x16: {  	_ =	swait.ge [sflag:s23], s21  }
0x17: {  	s4 =	ssub.s32 $0x0, s21;
	[sflag:s23] =	ssyncset.done $0x0  }
0x18: {  	[sflag:s23] =	ssyncadd.s32 s4;
	_ =	sdelay $0x1  }
0x19: {  	s24 =	simm.s32 $0x1B8B  }
0x1a: {  	_ =	swait.ge [sflag:s24], $0x1  }
0x1b: {  	[sflag:s24] =	ssyncset.done $0x0  }
0x1c: {  	s26 =	simm.s32 $0x1B8E;
	s25 =	sld [smem:$0x3FFE];
	[sflag:s24] =	ssyncadd.s32 $0xFFFFFFFF  }
0x1d: {  	s27 =	simm.s32 $execute0_lowered;
	[smem:$0x3FD2] =	sst s26  }
0x1e: {  	s5 =	sshll.u32 s27, $0x1;
	_ =	strace $0x80000046;
	[dreg:$0x1] =	wrdreg $0xFFFFFFFF  }
0x1f: {  	s28 =	simm.s32 $_size_execute0_lowered;
	s3 =	sadd.s32 s3, s5;
	[dreg:$0x0] =	wrdreg $0x0  }
0x20: {  	s5 =	sshll.u32 s28, $0x1;
	[dreg:$0x2] =	wrdreg s3  }
0x21: {  	[dreg:$0x3] =	wrdreg s5  }
0x22: {  	[dreg:$0x4] =	wrdreg $0xC0  }
0x23: {  	_ =	task [dreg:s7], $0x5FFFF  }
0x24: {  	[dreg:$0x1] =	wrdreg $0xFFFFFFFF  }
0x25: {  	[dreg:$0x0] =	wrdreg $0x60  }
0x26: {  	[dreg:$0x2] =	wrdreg s2  }
0x27: {  	[dreg:$0x3] =	wrdreg s25  }
0x28: {  	[dreg:$0x4] =	wrdreg $0x9  }
0x29: {  	_ =	task.clear_ibuf [dreg:s7], $0x5FFFF;
	_ =	strace $0x90000046  }
0x2a: {  	s29 =	simm.s32 $0x9;
	_ =	strace $0x80000048  }
0x2b: {  	_ =	swait.ge [sflag:s29], $0x1  }
0x2c: {  	[sflag:s29] =	ssyncadd.s32 $0xFFFFFFFF  }
0x2d: {  	_ =	strace $0x90000048  }
0x2e: {  	_ =	sfence  }
0x2f: {  	s30 =	sld [smem:$0x0];
	_ =	sdelay $0x2  }
0x30: {  	s31 =	sshll.u32 s1, $0xD;
	s1 =	sshrl.u32 s1, $0x2  }
0x31: {  	s3 =	sand.u32 $0x4000, s31;
	s1 =	sadd.s32 s1, s30  }
0x32: {  	s0 =	sor.u32 s3, s0;
	s1 =	sshll.u32 s1, $0x11  }
0x33: {  	s0 =	sor.u32 s1, s0  }
0x34: {  	s0 =	sadd.s32 $0x8F2B, s0  }
0x35: {  	[sflag:s0] =	ssyncadd.remote.s32 $0x1  }
0x36: {  	_ =	sfence.sel $0xFFFF  }
0x37: {  	[dreg:$0x0] =	wrdreg $0xFFFFFFFF;
	(pc) =	sbr.abs _section_cstart, $3  }
0x38: {  	[dreg:$0x1] =	wrdreg $0xFFFFFFFF  }
0x39: {  	_ =	task.clear_ibuf [dreg:s7], $0x2FFFF;
	_ =	strace $0x9FFFFFFF  }
0x3a: {  	(tm) =	ssettm $0x7FFFFFFF  }
0x3b: {  	_ =	shalt  }
tec
execute0_lowered:
.L_overlay_start_1:
0x0: {  	(tag) =	ssettag $0x1  }
0x1: {  	s0 =	srdreg.scid  }
0x2: {  	s1 =	sshll.u32 s0, $0x4  }
0x3: {  	s2 =	rddreg [dreg:$0x0];
	s0 =	stileid.u32;
	s1 =	sand.u32 $0x10, s1  }
0x4: {  	s4 =	rddreg [dreg:$0x1];
	s7 =	simm.s32 $0x1;
	s1 =	sor.u32 s0, s1  }
0x5: {  	s8 =	simm.s32 $0x2;
	s9 =	simm.s32 $0x0;
	s3 =	sshll.u32 s1, $0x1  }
0x6: {  	s12 =	simm.s32 $0x0;
	s11 =	simm.s32 $0x0;
	s6 =	ssub.s32 $0x1000, s3  }
.Ltmp0:
0x7: {  	s4 =	sadd.s32 $0xE00, s4;
	s5 =	sand.u32 $0x3E, s6;
	(pc) =	sbr.rel .LBB1_1-.Ltmp0, $4  }
0x8: {  	s1 =	rddreg [dreg:$0x2];
	_ =	strace $0x80000047;
	p0 =	sne.s32 s5, $0x0  }
0x9: {  	s6 =	sshrl.u32 s6, $0x6;
	s5 =	simm.s32 $0x1;
	s7 =	simm.s32 @!p0 $0x0  }
0xa: {  	s10 =	smov.u32 s3;
	[sflag:s5] =	ssyncpa.u1 $0x0;
	s6 =	sadd.s32 s7, s6  }
0xb: {  	[sflag:s8] =	ssyncpa.u1 $0x0;
	s8 =	simm.s32 $0x0;
	s7 =	sadd.s32 $0x1, s6  }
.LBB1_9:
0xc: {  	s14 =	sadd.s32 $0x40, s10  }
0xd: {  	p1 =	sgt.s32 s14, $0xFFF  }
0xe: {  	s14 =	smov.u32 @p1 s3;
	p1 =	sne.s32 s11, s7  }
.Ltmp1:
0xf: {  	p0 =	slt.u32 s11, $0x2;
	(pc) =	sbr.rel @!p1 .LBB1_10-.Ltmp1, $4  }
0x10: {  	s13 =	simm.s32 @!p0 $0x2  }
0x11: {  	s15 =	sadd.s32 $0x1, s11;
	_ =	swait.ge @!p0 [sflag:s13], $0x4000  }
0x12: {  	s12 =	smov.u32 s10;
	s9 =	sadd.s32 $0x4000, s9;
	[sflag:s13] =	ssyncset.done @!p0 $0x0  }
0x13: {  	s11 =	smov.u32 s15;
	s10 =	smov.u32 s14;
	[sflag:s13] =	ssyncadd.s32 @!p0 $0xFFFFC000  }
.LBB1_1:
0x14: {  	p0 =	sge.u32 s11, s6  }
0x15: {  	s13 =	sxor.u32 @!p0 $0xFFFFFFFF, s11  }
0x16: {  	s31 =	sadd.s32 $0xFFFFFFFF, s11;
	s14 =	sshll.u32 @!p0 s10, $0xA;
	s13 =	sshll.u32 @!p0 s13, $0xE  }
0x17: {  	s15 =	simm.s32 @!p0 $0x0;
	s14 =	sadd.s32 @!p0 s2, s14;
	s13 =	sand.u32 @!p0 $0x4000, s13  }
0x18: {  	[tilespmem:s13], [sflag:$0x1] =	stream.linear.gather @!p0 [hbm4b:s14+s15], $0x4000, $0x38;
	[tilespmem:$0x10000] =	vst v63  }
0x19: {  	p0 =	sge.u32 s31, s6  }
.Ltmp2:
0x1a: {  	_ = 	snop;
	(pc) =	sbr.rel @p0 .LBB1_9-.Ltmp2, $1  }
0x1b: {  	_ =	sdelay $0x3  }
0x1c: {  	s13 =	sshll.u32 s9, $0x2  }
0x1d: {  	_ =	swait.ge [sflag:s5], $0x4000;
	s14 =	sshll.u32 s11, $0xE;
	s16 =	simm.s32 $0x0  }
0x1e: {  	p1 =	por $0x1, $0x1;
	s13 =	sand.u32 $0x10000, s13;
	[sflag:s5] =	ssyncset.done $0x0  }
0x1f: {  	s14 =	sand.u32 $0x4000, s14;
	s15 =	sshrl.u32 s13, $0x2;
	[sflag:s5] =	ssyncadd.s32 $0xFFFFC000  }
0x20: {  	s13 =	sor.u32 $0x8000, s14;
	s14 =	sadd.s32 $0x8040, s15;
	s15 =	sadd.s32 $0x40, s15  }
.LBB1_3:
0x21: {  	s16 =	sshll.u32 s16, $0x2  }
0x22: {  	p0 =	por p1, p1;
	s17 =	sshra.s32 s16, $0x2  }
0x23: {  	s18 =	simm.s32 $0x0;
	s16 =	sadd.s32 s17, s14;
	s17 =	sadd.s32 s17, s15  }
.LBB1_4:
0x24: {  	v0 =	vmov s17;
	_ =	sdelay $0x3  }
0x25: {  	s20 =	simm.s32 $0x0  }
0x26: {  	v6 =	vld.idx.msk [tilespmem:v0+s20+$0x30 ss:$0x1], $0xffff  }
0x27: {  	v7 =	vld.idx.msk [tilespmem:v0+s20+$0xFFFFFFC0 ss:$0x1], $0xffff  }
0x28: {  	v5 =	vld.idx.msk [tilespmem:v0+s20+$0xFFFFFFD0 ss:$0x1], $0xffff  }
0x29: {  	v4 =	vld.idx.msk [tilespmem:v0+s20+$0xFFFFFFE0 ss:$0x1], $0xffff  }
0x2a: {  	v3 =	vld.idx.msk [tilespmem:v0+s20+$0xFFFFFFF0 ss:$0x1], $0xffff  }
0x2b: {  	v1 =	vld.idx.msk [tilespmem:v0+s20+$0x0 ss:$0x1], $0xffff  }
0x2c: {  	v2 =	vld.idx.msk [tilespmem:v0+s20+$0x10 ss:$0x1], $0xffff;
	[tilespmem:s16+$0x30] =	vst v6  }
0x2d: {  	s19 =	simm.s32 $0x80;
	s21 =	simm.s32 $0x400;
	[tilespmem:s16+$0xFFFFFFC0] =	vst v7;
	v6 =	vld.idx.msk [tilespmem:v0+s20+$0x20 ss:$0x1], $0xffff;
	s20 =	smov.u32 s16  }
.LBB1_5:
0x2e: {  	p1 =	sne.s32 s21, $0xE00;
	v7 =	vld.idx.msk [tilespmem:v0+s19+$0x30 ss:$0x1], $0xffff;
	[tilespmem:s20+$0xFFFFFFD0] =	vst v5  }
0x2f: {  	v8 =	vld.idx.msk [tilespmem:v0+s19+$0xFFFFFFC0 ss:$0x1], $0xffff;
	[tilespmem:s20+$0xFFFFFFE0] =	vst v4  }
0x30: {  	v5 =	vld.idx.msk [tilespmem:v0+s19+$0xFFFFFFD0 ss:$0x1], $0xffff;
	[tilespmem:s20+$0xFFFFFFF0] =	vst v3  }
.Ltmp3:
0x31: {  	v4 =	vld.idx.msk [tilespmem:v0+s19+$0xFFFFFFE0 ss:$0x1], $0xffff;
	[tilespmem:s20+$0x0] =	vst v1;
	(pc) =	sbr.rel @p1 .LBB1_5-.Ltmp3, $4  }
0x32: {  	v3 =	vld.idx.msk [tilespmem:v0+s19+$0xFFFFFFF0 ss:$0x1], $0xffff;
	[tilespmem:s20+$0x10] =	vst v2  }
0x33: {  	v1 =	vld.idx.msk [tilespmem:v0+s19+$0x0 ss:$0x1], $0xffff;
	[tilespmem:s20+$0x20] =	vst v6;
	s20 =	sadd.s32 $0x400, s20  }
0x34: {  	v2 =	vld.idx.msk [tilespmem:v0+s19+$0x10 ss:$0x1], $0xffff;
	[tilespmem:s20+$0x30] =	vst v7  }
0x35: {  	[tilespmem:s20+$0xFFFFFFC0] =	vst v8;
	v6 =	vld.idx.msk [tilespmem:v0+s19+$0x20 ss:$0x1], $0xffff;
	s19 =	sshra.s32 s21, $0x2;
	s21 =	sadd.s32 $0x200, s21  }
0x36: {  	_ =	sdelay $0x2  }
0x37: {  	[tilespmem:s20+$0xFFFFFFD0] =	vst v5  }
0x38: {  	v56 =	vld.idx.msk [tilespmem:v0+s19+$0x30 ss:$0x1], $0xffff;
	[tilespmem:s20+$0xFFFFFFE0] =	vst v4  }
0x39: {  	v57 =	vld.idx.msk [tilespmem:v0+s19+$0xFFFFFFC0 ss:$0x1], $0xffff;
	[tilespmem:s20+$0xFFFFFFF0] =	vst v3  }
0x3a: {  	v58 =	vld.idx.msk [tilespmem:v0+s19+$0xFFFFFFD0 ss:$0x1], $0xffff;
	[tilespmem:s20+$0x0] =	vst v1  }
0x3b: {  	v59 =	vld.idx.msk [tilespmem:v0+s19+$0xFFFFFFE0 ss:$0x1], $0xffff;
	[tilespmem:s20+$0x10] =	vst v2  }
0x3c: {  	v60 =	vld.idx.msk [tilespmem:v0+s19+$0xFFFFFFF0 ss:$0x1], $0xffff;
	s31 =	sadd.s32 $0x400, s20;
	[tilespmem:s20+$0x20] =	vst v6  }
0x3d: {  	v61 =	vld.idx.msk [tilespmem:v0+s19+$0x0 ss:$0x1], $0xffff;
	[tilespmem:s31+$0x30] =	vst v56  }
0x3e: {  	v62 =	vld.idx.msk [tilespmem:v0+s19+$0x10 ss:$0x1], $0xffff;
	s18 =	sadd.s32 $0x1, s18;
	[tilespmem:s31+$0xFFFFFFC0] =	vst v57  }
0x3f: {  	v63 =	vld.idx.msk [tilespmem:v0+s19+$0x20 ss:$0x1], $0xffff;
	p1 =	sne.s32 s18, $0x8;
	[tilespmem:s31+$0xFFFFFFD0] =	vst v58  }
.Ltmp4:
0x40: {  	[tilespmem:s31+$0xFFFFFFE0] =	vst v59;
	(pc) =	sbr.rel @p1 .LBB1_4-.Ltmp4, $4  }
0x41: {  	[tilespmem:s31+$0xFFFFFFF0] =	vst v60  }
0x42: {  	[tilespmem:s31+$0x0] =	vst v61  }
0x43: {  	[tilespmem:s31+$0x10] =	vst v62  }
0x44: {  	s16 =	sadd.s32 $0x80, s16;
	s17 =	sadd.s32 $0x400, s17;
	[tilespmem:s31+$0x20] =	vst v63  }
.Ltmp5:
0x45: {  	(pc) =	sbr.rel @p0 .LBB1_3-.Ltmp5, $2  }
0x46: {  	_ =	sdelay $0x2  }
0x47: {  	s16 =	simm.s32 $0x2000;
	p1 =	por $0x0, $0x0  }
.Ltmp6:
0x48: {  	(pc) =	sbr.rel .LBB1_9-.Ltmp6, $4  }
0x49: {  	_ = 	snop  }
0x4a: {  	s12 =	sshll.u32 s12, $0xA  }
0x4b: {  	s12 =	sadd.s32 s4, s12  }
0x4c: {  	[hbm4b:s12+s8] =	stream.linear.scatter [tilespmem:s13], [sflag:$0x2], $0x4000, $0x38;
	[tilespmem:$0x10000] =	vst v63  }
.LBB1_10:
0x4d: {  	_ =	sfence.sel $0x180000  }
0x4e: {  	s2 =	simm.s32 $0x1;
	[bflag:$0x0] =	sbarrier.arrive $0xFFFF  }
0x4f: {  	s31 =	simm.s32 $0x2;
	[sflag:s2] =	ssyncpa.u1 $0x1  }
0x50: {  	[sflag:s31] =	ssyncpa.u1 $0x1  }
0x51: {  	p0 =	sne.s32 s0, $0x0;
	_ =	strace $0x90000047  }
0x52: {  	s0 =	sadd.s32 @!p0 $0x100000, s1;
	[bflag:$0x2] =	sbarrier.arrive $0xFFFF  }
0x53: {  	[sflag:s0] =	ssyncadd.tile.s32 @!p0 $0x1;
	_ =	shalt  }
.Lfunc_end1:
_tile_overlayer_lowered:
.L_overlay_start_2:
0x54: {  	(tag) =	ssettag $0x2  }
0x55: {  	s0 =	rddreg [dreg:$0x0];
	s2 =	stileid.u32  }
0x56: {  	s1 =	rddreg [dreg:$0x1];
	p0 =	sne.s32 s2, $0x0  }
0x57: {  	s3 =	rddreg [dreg:$0x2];
	[bflag:$0x3] =	sbarrier.arrive $0xFFFF;
	s2 =	simm.s32 @!p0 $0x1C01  }
0x58: {  	[timem:s3], [sflag:s2] =	dma.local @!p0 [hbm:s0], s1  }
0x59: {  	s0 =	simm.s32 @!p0 $0x1  }
0x5a: {  	_ =	swait.ge @!p0 [sflag:s0], s1  }
0x5b: {  	s1 =	ssub.s32 @!p0 $0x0, s1;
	[sflag:s0] =	ssyncset.done @!p0 $0x0  }
0x5c: {  	[sflag:s0] =	ssyncadd.s32 @!p0 s1  }
0x5d: {  	[bflag:$0x3] =	sbarrier.arrive $0xFFFF  }
0x5e: {  	_ =	shalt  }

</sc_bundles>
